<compile_context>
chip_gen: v7x
topology: tpu7x:2x2x1
jax: 0.10.2.dev20260603
libtpu: 0.0.44.dev20260713+nightly
codegen_flags: <defaults>
</compile_context>

<pallas_src>
import functools

import jax
import jax.numpy as jnp
from jax import lax
from jax.experimental import pallas as pl
from jax.experimental.pallas import tpu as pltpu
from jax.experimental.pallas import tpu_sc as plsc

_L = 16
_W = 128


@functools.partial(jax.jit, static_argnums=(3, 4))
def _gather_loss(probT, target, reward, n, c):
    ns = 16
    nw = 2 * ns
    rows_per = n // nw
    n_win = rows_per // _W
    n_buf = 4

    mesh = plsc.VectorSubcoreMesh(core_axis_name="c", subcore_axis_name="s")

    @functools.partial(
        pl.kernel,
        mesh=mesh,
        out_type=jax.ShapeDtypeStruct((2, _L), jnp.float32),
        compiler_params=pltpu.CompilerParams(needs_layout_passes=False,
                                             skip_device_barrier=True),
        scratch_types=[
            pltpu.VMEM((rows_per,), jnp.int32),
            pltpu.VMEM((rows_per,), jnp.float32),
            pltpu.VMEM((n_buf, _W, _W), jnp.float32),
            pltpu.VMEM((_L,), jnp.float32),
            pltpu.VMEM((1, _L), jnp.float32),
            pltpu.VMEM((_L,), jnp.int32),
            pltpu.VMEM_SHARED((1, _L), jnp.float32),
            pltpu.SemaphoreType.DMA,
        ],
    )
    def body(probT_hbm, tgt_hbm, rew_hbm, out_hbm,
             tgt_v, rew_v, win_v, acc_v, acc1_v, zidx_v, shared, sem):
        cid = lax.axis_index("c")
        sid = lax.axis_index("s")
        base = (sid * 2 + cid) * rows_per

        pltpu.sync_copy(tgt_hbm.at[pl.ds(base, rows_per)], tgt_v)
        rew_cp = pltpu.async_copy(rew_hbm.at[pl.ds(base, rows_per)], rew_v,
                                  sem)

        lane = lax.iota(jnp.int32, _L)
        zidx_v[...] = lane * 0

        @pl.when(sid == 0)
        def _():
            acc_v[...] = jnp.zeros((_L,), jnp.float32)
            pltpu.sync_copy(acc_v, shared.at[0])

        def start(w, j):
            return pltpu.async_copy(
                probT_hbm.at[tgt_v.at[pl.ds(w * _W, _W)],
                             pl.ds(base + w * _W, _W)],
                win_v.at[j],
                sem)

        copies = [start(j, j) for j in range(n_win)]
        rew_cp.wait()
        acc = jnp.zeros((_L,), jnp.float32)
        for j in range(n_win):
            copies[j].wait()

            def ext(k, a, _j=j):
                diag = k * _L + lane
                d = plsc.load_gather(win_v.at[_j], [diag, diag])
                return a + d * rew_v[pl.ds(_j * _W + k * _L, _L)]

            acc = lax.fori_loop(0, _W // _L, ext, acc)
        acc1_v[0] = acc

        plsc.subcore_barrier()
        pltpu.sync_copy(acc1_v, shared.at[zidx_v.at[pl.ds(0, 1)]], add=True)
        plsc.subcore_barrier()

        @pl.when(sid == 0)
        def _():
            pltpu.sync_copy(shared.at[0], acc_v)
            for shift in (8, 4, 2, 1):
                x = acc_v[...]
                perm = plsc.load_gather(acc_v, [(lane + shift) & (_L - 1)])
                acc_v[...] = x + perm
            acc_v[...] = acc_v[...] * (-1.0 / n)
            pltpu.sync_copy(acc_v, out_hbm.at[cid])

    return body(probT, target, reward)


def kernel(prob, target, reward):
    n, c = prob.shape
    out = _gather_loss(prob.T, target.astype(jnp.int32), reward, n, c)
    return out[0, 0] + out[1, 0]

# --- scband reference (transcript-rebuilt; emitter-appended) ---
"""Pipeline reference for scband-ganloss-7541962572282 (READ-ONLY COPY).

The authoritative reference and input builder live on the scoring server;
editing this copy changes nothing except your own understanding.
"""

import jax, jax.numpy as jnp
import numpy as np


def setup_inputs(seed: int = 0) -> dict:
    key = jax.random.key(seed)
    k1, k2, k3 = jax.random.split(key, 3)
    N, C = 16384, 1000
    prob = jax.random.normal(k1, (N, C), dtype=jnp.float32)
    target = jax.random.randint(k2, (N,), 0, C, dtype=jnp.int64)
    reward = jax.random.uniform(k3, (N,), dtype=jnp.float32)
    return {"prob": prob, "target": target, "reward": reward}


def reference(prob, target, reward):
    # masked_select with a one-hot mask over dim 1 is equivalent to gathering
    # prob[i, target[i]] for each row i (one True per row, row-major order).
    gathered = jnp.take_along_axis(prob, target.reshape(-1, 1), axis=1).squeeze(-1)  # (N,)
    loss = gathered * reward
    loss = -jnp.sum(loss) / loss.shape[0]
    return loss

if __name__ == "__main__":
    import jax
    _d = setup_inputs()
    print(jax.jit(kernel)(*tuple(_d.values())))

</pallas_src>

<mosaic_0001>
#map = affine_map<(d0, d1) -> (0, 0)>
#map1 = affine_map<(d0, d1) -> (0)>
module attributes {stable_mosaic.version = 14 : i64} {
  func.func @body(%arg0: i32, %arg1: i32, %arg2: memref<1000x16384xf32, #tpu.memory_space<hbm>>, %arg3: memref<16384xi32, #tpu.memory_space<hbm>>, %arg4: memref<16384xf32, #tpu.memory_space<hbm>>, %arg5: memref<2x16xf32, #tpu.memory_space<hbm>>, %arg6: memref<512xi32, #tpu.memory_space<vmem>>, %arg7: memref<512xf32, #tpu.memory_space<vmem>>, %arg8: memref<4x128x128xf32, #tpu.memory_space<vmem>>, %arg9: memref<16xf32, #tpu.memory_space<vmem>>, %arg10: memref<1x16xf32, #tpu.memory_space<vmem>>, %arg11: memref<16xi32, #tpu.memory_space<vmem>>, %arg12: memref<1x16xf32, #tpu.memory_space<vmem_shared>>, %arg13: memref<!tpu.dma_semaphore, #tpu.memory_space<semaphore_mem>>) attributes {dimension_semantics = [#tpu.dimension_semantics<core_parallel>, #tpu.dimension_semantics<subcore_parallel>], iteration_bounds = array<i64: 2, 16>, scalar_prefetch = 0 : i64, scratch_operands = 8 : i64, tpu.core_type = #tpu.core_type<sc_vector_subcore>, window_params = [{transform_indices = #map}, {transform_indices = #map1}, {transform_indices = #map1}, {transform_indices = #map}]} {
    %mul3A = arith.constant 2 : i32
    %mul3A_0 = arith.muli %arg1, %mul3A : i32
    %add3A = arith.addi %mul3A_0, %arg0 : i32
    %mul3A_1 = arith.constant 512 : i32
    %mul3A_2 = arith.muli %add3A, %mul3A_1 : i32
    "tpu.region"() ({
      %run_scoped3A = tpu.sem_alloc : memref<!tpu.dma_semaphore, #tpu.memory_space<semaphore_mem>>
      %dma_start3A_125 = tpu.memref_slice %arg3[%mul3A_2] : memref<16384xi32, #tpu.memory_space<hbm>> -> memref<512xi32, #tpu.memory_space<hbm>>
      %dma_start3A_126 = tpu.memref_slice %arg3[%mul3A_2] : memref<16384xi32, #tpu.memory_space<hbm>> -> memref<512xi32, #tpu.memory_space<hbm>>
      tpu.enqueue_dma source(%dma_start3A_126 : memref<512xi32, #tpu.memory_space<hbm>>) target(%arg6 : memref<512xi32, #tpu.memory_space<vmem>>) target_semaphore(%run_scoped3A : memref<!tpu.dma_semaphore, #tpu.memory_space<semaphore_mem>>)
      %dma_wait3A_127 = tpu.memref_slice %arg3[%mul3A_2] : memref<16384xi32, #tpu.memory_space<hbm>> -> memref<512xi32, #tpu.memory_space<hbm>>
      %dma_wait3A_128 = tpu.memref_slice %arg3[%mul3A_2] : memref<16384xi32, #tpu.memory_space<hbm>> -> memref<512xi32, #tpu.memory_space<hbm>>
      tpu.wait_dma2 semaphore(%run_scoped3A : memref<!tpu.dma_semaphore, #tpu.memory_space<semaphore_mem>>) src(%dma_wait3A_128 : memref<512xi32, #tpu.memory_space<hbm>>) dst(%arg6 : memref<512xi32, #tpu.memory_space<vmem>>)
      tpu.yield
    }) : () -> ()
    %dma_start3A = tpu.memref_slice %arg4[%mul3A_2] : memref<16384xf32, #tpu.memory_space<hbm>> -> memref<512xf32, #tpu.memory_space<hbm>>
    %dma_start3A_3 = tpu.memref_slice %arg4[%mul3A_2] : memref<16384xf32, #tpu.memory_space<hbm>> -> memref<512xf32, #tpu.memory_space<hbm>>
    tpu.enqueue_dma source(%dma_start3A_3 : memref<512xf32, #tpu.memory_space<hbm>>) target(%arg7 : memref<512xf32, #tpu.memory_space<vmem>>) target_semaphore(%arg13 : memref<!tpu.dma_semaphore, #tpu.memory_space<semaphore_mem>>)
    %iota3A = tpu.iota {dimensions = array<i32: 0>} : vector<16xi32>
    %mul3A_4 = arith.constant 0 : i32
    %mul3A_5 = vector.broadcast %mul3A_4 : i32 to vector<16xi32>
    %mul3A_6 = arith.muli %iota3A, %mul3A_5 : vector<16xi32>
    %swap3A = arith.constant 0 : index
    %swap3A_7 = tpu.vector_load %arg11[%swap3A] {strides = array<i32>} : memref<16xi32, #tpu.memory_space<vmem>>, vector<16xi32>,
    tpu.vector_store %arg11[%swap3A], %mul3A_6 {strides = array<i32>} : memref<16xi32, #tpu.memory_space<vmem>>, vector<16xi32>,
    %eq3A = arith.constant 0 : i32
    %eq3A_8 = arith.cmpi eq, %arg1, %eq3A : i32
    %convert_element_type3A = arith.extui %eq3A_8 : i1 to i32
    %cond3A = arith.constant 0 : i32
    %cond3A_9 = arith.cmpi ne, %convert_element_type3A, %cond3A : i32
    scf.if %cond3A_9 {
      %broadcast_in_dim3A_125 = arith.constant 0.000000e+00 : f32
      %broadcast_in_dim3A_126 = vector.broadcast %broadcast_in_dim3A_125 : f32 to vector<16xf32>
      %swap3A_127 = arith.constant 0 : index
      %swap3A_128 = tpu.vector_load %arg9[%swap3A_127] {strides = array<i32>} : memref<16xf32, #tpu.memory_space<vmem>>, vector<16xf32>,
      tpu.vector_store %arg9[%swap3A_127], %broadcast_in_dim3A_126 {strides = array<i32>} : memref<16xf32, #tpu.memory_space<vmem>>, vector<16xf32>,
      %run_scoped3A = arith.constant 0 : i32
      "tpu.region"() ({
        %run_scoped3A_129 = tpu.sem_alloc : memref<!tpu.dma_semaphore, #tpu.memory_space<semaphore_mem>>
        %dma_start3A_130 = arith.constant 0 : i32
        %dma_start3A_131 = tpu.memref_slice %arg12[%run_scoped3A, %dma_start3A_130] : memref<1x16xf32, #tpu.memory_space<vmem_shared>> -> memref<1x16xf32, #tpu.memory_space<vmem_shared>>
        %dma_start3A_132 = tpu.memref_squeeze %dma_start3A_131 : memref<1x16xf32, #tpu.memory_space<vmem_shared>> -> memref<16xf32, #tpu.memory_space<vmem_shared>>
        %dma_start3A_133 = arith.constant 0 : i32
        %dma_start3A_134 = tpu.memref_slice %arg12[%run_scoped3A, %dma_start3A_133] : memref<1x16xf32, #tpu.memory_space<vmem_shared>> -> memref<1x16xf32, #tpu.memory_space<vmem_shared>>
        %dma_start3A_135 = tpu.memref_squeeze %dma_start3A_134 : memref<1x16xf32, #tpu.memory_space<vmem_shared>> -> memref<16xf32, #tpu.memory_space<vmem_shared>>
        tpu.enqueue_dma source(%arg9 : memref<16xf32, #tpu.memory_space<vmem>>) target(%dma_start3A_135 : memref<16xf32, #tpu.memory_space<vmem_shared>>) target_semaphore(%run_scoped3A_129 : memref<!tpu.dma_semaphore, #tpu.memory_space<semaphore_mem>>)
        %dma_wait3A_136 = arith.constant 0 : i32
        %dma_wait3A_137 = tpu.memref_slice %arg12[%run_scoped3A, %dma_wait3A_136] : memref<1x16xf32, #tpu.memory_space<vmem_shared>> -> memref<1x16xf32, #tpu.memory_space<vmem_shared>>
        %dma_wait3A_138 = tpu.memref_squeeze %dma_wait3A_137 : memref<1x16xf32, #tpu.memory_space<vmem_shared>> -> memref<16xf32, #tpu.memory_space<vmem_shared>>
        %dma_wait3A_139 = arith.constant 0 : i32
        %dma_wait3A_140 = tpu.memref_slice %arg12[%run_scoped3A, %dma_wait3A_139] : memref<1x16xf32, #tpu.memory_space<vmem_shared>> -> memref<1x16xf32, #tpu.memory_space<vmem_shared>>
        %dma_wait3A_141 = tpu.memref_squeeze %dma_wait3A_140 : memref<1x16xf32, #tpu.memory_space<vmem_shared>> -> memref<16xf32, #tpu.memory_space<vmem_shared>>
        tpu.wait_dma2 semaphore(%run_scoped3A_129 : memref<!tpu.dma_semaphore, #tpu.memory_space<semaphore_mem>>) src(%arg9 : memref<16xf32, #tpu.memory_space<vmem>>) dst(%dma_wait3A_141 : memref<16xf32, #tpu.memory_space<vmem_shared>>)
        tpu.yield
      }) : () -> ()
    } else {
    }
    %add3A_10 = arith.constant 0 : i32
    %add3A_11 = arith.addi %mul3A_2, %add3A_10 : i32
    %dma_start3A_12 = arith.constant 0 : i32
    %dma_start3A_13 = arith.constant 0 : i32
    %dma_start3A_14 = arith.constant 0 : i32
    %dma_start3A_15 = tpu.memref_slice %arg8[%dma_start3A_12, %dma_start3A_13, %dma_start3A_14] : memref<4x128x128xf32, #tpu.memory_space<vmem>> -> memref<1x128x128xf32, #tpu.memory_space<vmem>>
    %dma_start3A_16 = tpu.memref_squeeze %dma_start3A_15 : memref<1x128x128xf32, #tpu.memory_space<vmem>> -> memref<128x128xf32, #tpu.memory_space<vmem>>
    %dma_start3A_17 = arith.constant 0 : i32
    %dma_start3A_18 = tpu.memref_slice %arg6[%dma_start3A_17] : memref<512xi32, #tpu.memory_space<vmem>> -> memref<128xi32, #tpu.memory_space<vmem>>
    %dma_start3A_19 = arith.constant 0 : i32
    %dma_start3A_20 = tpu.memref_slice %arg2[%dma_start3A_19, %add3A_11] : memref<1000x16384xf32, #tpu.memory_space<hbm>> -> memref<1000x128xf32, #tpu.memory_space<hbm>>
    tpu.enqueue_indirect_dma source(%dma_start3A_20 : memref<1000x128xf32, #tpu.memory_space<hbm>>) target(%dma_start3A_16 : memref<128x128xf32, #tpu.memory_space<vmem>>) offsets(%dma_start3A_18 : memref<128xi32, #tpu.memory_space<vmem>>) semaphore(%arg13 : memref<!tpu.dma_semaphore, #tpu.memory_space<semaphore_mem>>)
    %add3A_21 = arith.constant 128 : i32
    %add3A_22 = arith.addi %mul3A_2, %add3A_21 : i32
    %dma_start3A_23 = arith.constant 1 : i32
    %dma_start3A_24 = arith.constant 0 : i32
    %dma_start3A_25 = arith.constant 0 : i32
    %dma_start3A_26 = tpu.memref_slice %arg8[%dma_start3A_23, %dma_start3A_24, %dma_start3A_25] : memref<4x128x128xf32, #tpu.memory_space<vmem>> -> memref<1x128x128xf32, #tpu.memory_space<vmem>>
    %dma_start3A_27 = tpu.memref_squeeze %dma_start3A_26 : memref<1x128x128xf32, #tpu.memory_space<vmem>> -> memref<128x128xf32, #tpu.memory_space<vmem>>
    %dma_start3A_28 = arith.constant 128 : i32
    %dma_start3A_29 = tpu.memref_slice %arg6[%dma_start3A_28] : memref<512xi32, #tpu.memory_space<vmem>> -> memref<128xi32, #tpu.memory_space<vmem>>
    %dma_start3A_30 = arith.constant 0 : i32
    %dma_start3A_31 = tpu.memref_slice %arg2[%dma_start3A_30, %add3A_22] : memref<1000x16384xf32, #tpu.memory_space<hbm>> -> memref<1000x128xf32, #tpu.memory_space<hbm>>
    tpu.enqueue_indirect_dma source(%dma_start3A_31 : memref<1000x128xf32, #tpu.memory_space<hbm>>) target(%dma_start3A_27 : memref<128x128xf32, #tpu.memory_space<vmem>>) offsets(%dma_start3A_29 : memref<128xi32, #tpu.memory_space<vmem>>) semaphore(%arg13 : memref<!tpu.dma_semaphore, #tpu.memory_space<semaphore_mem>>)
    %add3A_32 = arith.constant 256 : i32
    %add3A_33 = arith.addi %mul3A_2, %add3A_32 : i32
    %dma_start3A_34 = arith.constant 2 : i32
    %dma_start3A_35 = arith.constant 0 : i32
    %dma_start3A_36 = arith.constant 0 : i32
    %dma_start3A_37 = tpu.memref_slice %arg8[%dma_start3A_34, %dma_start3A_35, %dma_start3A_36] : memref<4x128x128xf32, #tpu.memory_space<vmem>> -> memref<1x128x128xf32, #tpu.memory_space<vmem>>
    %dma_start3A_38 = tpu.memref_squeeze %dma_start3A_37 : memref<1x128x128xf32, #tpu.memory_space<vmem>> -> memref<128x128xf32, #tpu.memory_space<vmem>>
    %dma_start3A_39 = arith.constant 256 : i32
    %dma_start3A_40 = tpu.memref_slice %arg6[%dma_start3A_39] : memref<512xi32, #tpu.memory_space<vmem>> -> memref<128xi32, #tpu.memory_space<vmem>>
    %dma_start3A_41 = arith.constant 0 : i32
    %dma_start3A_42 = tpu.memref_slice %arg2[%dma_start3A_41, %add3A_33] : memref<1000x16384xf32, #tpu.memory_space<hbm>> -> memref<1000x128xf32, #tpu.memory_space<hbm>>
    tpu.enqueue_indirect_dma source(%dma_start3A_42 : memref<1000x128xf32, #tpu.memory_space<hbm>>) target(%dma_start3A_38 : memref<128x128xf32, #tpu.memory_space<vmem>>) offsets(%dma_start3A_40 : memref<128xi32, #tpu.memory_space<vmem>>) semaphore(%arg13 : memref<!tpu.dma_semaphore, #tpu.memory_space<semaphore_mem>>)
    %add3A_43 = arith.constant 384 : i32
    %add3A_44 = arith.addi %mul3A_2, %add3A_43 : i32
    %dma_start3A_45 = arith.constant 3 : i32
    %dma_start3A_46 = arith.constant 0 : i32
    %dma_start3A_47 = arith.constant 0 : i32
    %dma_start3A_48 = tpu.memref_slice %arg8[%dma_start3A_45, %dma_start3A_46, %dma_start3A_47] : memref<4x128x128xf32, #tpu.memory_space<vmem>> -> memref<1x128x128xf32, #tpu.memory_space<vmem>>
    %dma_start3A_49 = tpu.memref_squeeze %dma_start3A_48 : memref<1x128x128xf32, #tpu.memory_space<vmem>> -> memref<128x128xf32, #tpu.memory_space<vmem>>
    %dma_start3A_50 = arith.constant 384 : i32
    %dma_start3A_51 = tpu.memref_slice %arg6[%dma_start3A_50] : memref<512xi32, #tpu.memory_space<vmem>> -> memref<128xi32, #tpu.memory_space<vmem>>
    %dma_start3A_52 = arith.constant 0 : i32
    %dma_start3A_53 = tpu.memref_slice %arg2[%dma_start3A_52, %add3A_44] : memref<1000x16384xf32, #tpu.memory_space<hbm>> -> memref<1000x128xf32, #tpu.memory_space<hbm>>
    tpu.enqueue_indirect_dma source(%dma_start3A_53 : memref<1000x128xf32, #tpu.memory_space<hbm>>) target(%dma_start3A_49 : memref<128x128xf32, #tpu.memory_space<vmem>>) offsets(%dma_start3A_51 : memref<128xi32, #tpu.memory_space<vmem>>) semaphore(%arg13 : memref<!tpu.dma_semaphore, #tpu.memory_space<semaphore_mem>>)
    %dma_wait3A = tpu.memref_slice %arg4[%mul3A_2] : memref<16384xf32, #tpu.memory_space<hbm>> -> memref<512xf32, #tpu.memory_space<hbm>>
    %dma_wait3A_54 = tpu.memref_slice %arg4[%mul3A_2] : memref<16384xf32, #tpu.memory_space<hbm>> -> memref<512xf32, #tpu.memory_space<hbm>>
    tpu.wait_dma2 semaphore(%arg13 : memref<!tpu.dma_semaphore, #tpu.memory_space<semaphore_mem>>) src(%dma_wait3A_54 : memref<512xf32, #tpu.memory_space<hbm>>) dst(%arg7 : memref<512xf32, #tpu.memory_space<vmem>>)
    %broadcast_in_dim3A = arith.constant 0.000000e+00 : f32
    %broadcast_in_dim3A_55 = vector.broadcast %broadcast_in_dim3A : f32 to vector<16xf32>
    %dma_wait3A_56 = arith.constant 0 : i32
    %dma_wait3A_57 = arith.constant 0 : i32
    %dma_wait3A_58 = arith.constant 0 : i32
    %dma_wait3A_59 = tpu.memref_slice %arg8[%dma_wait3A_56, %dma_wait3A_57, %dma_wait3A_58] : memref<4x128x128xf32, #tpu.memory_space<vmem>> -> memref<1x128x128xf32, #tpu.memory_space<vmem>>
    %dma_wait3A_60 = tpu.memref_squeeze %dma_wait3A_59 : memref<1x128x128xf32, #tpu.memory_space<vmem>> -> memref<128x128xf32, #tpu.memory_space<vmem>>
    %dma_wait3A_61 = arith.constant 0 : i32
    %dma_wait3A_62 = tpu.memref_slice %arg6[%dma_wait3A_61] : memref<512xi32, #tpu.memory_space<vmem>> -> memref<128xi32, #tpu.memory_space<vmem>>
    %dma_wait3A_63 = arith.constant 0 : i32
    %dma_wait3A_64 = tpu.memref_slice %arg2[%dma_wait3A_63, %add3A_11] : memref<1000x16384xf32, #tpu.memory_space<hbm>> -> memref<1000x128xf32, #tpu.memory_space<hbm>>
    tpu.wait_indirect_dma semaphore(%arg13 : memref<!tpu.dma_semaphore, #tpu.memory_space<semaphore_mem>>) src(%dma_wait3A_64 : memref<1000x128xf32, #tpu.memory_space<hbm>>) dst(%dma_wait3A_60 : memref<128x128xf32, #tpu.memory_space<vmem>>)
    %scan3A = arith.constant 0 : i32
    %scan3A_65 = arith.constant 8 : i32
    %scan3A_66 = arith.addi %scan3A, %scan3A_65 : i32
    %scan3A_67 = arith.constant 1 : i32
    %scan3A_68 = scf.for %scan3A_125 = %scan3A to %scan3A_66 step %scan3A_67 iter_args(%scan3A_126 = %broadcast_in_dim3A_55) -> (vector<16xf32>)  : i32 {
      %mul3A_127 = arith.constant 16 : i32
      %mul3A_128 = arith.muli %scan3A_125, %mul3A_127 : i32
      %add3A_129 = vector.broadcast %mul3A_128 : i32 to vector<16xi32>
      %add3A_130 = arith.addi %add3A_129, %iota3A : vector<16xi32>
      %gather3A = arith.constant 0 : i32
      %gather3A_131 = arith.constant 0 : i32
      %gather3A_132 = arith.constant 0 : i32
      %gather3A_133 = tpu.memref_slice %arg8[%gather3A, %gather3A_131, %gather3A_132] : memref<4x128x128xf32, #tpu.memory_space<vmem>> -> memref<1x128x128xf32, #tpu.memory_space<vmem>>
      %gather3A_134 = tpu.memref_squeeze %gather3A_133 : memref<1x128x128xf32, #tpu.memory_space<vmem>> -> memref<128x128xf32, #tpu.memory_space<vmem>>
      %gather3A_135 = tpu.vector_load_idx %gather3A_134[%add3A_130, %add3A_130] : memref<128x128xf32, #tpu.memory_space<vmem>>[vector<16xi32>, vector<16xi32>], vector<16xf32>,
      %mul3A_136 = arith.constant 16 : i32
      %mul3A_137 = arith.muli %scan3A_125, %mul3A_136 : i32
      %add3A_138 = arith.constant 0 : i32
      %add3A_139 = arith.addi %add3A_138, %mul3A_137 : i32
      %get3A = arith.index_cast %add3A_139 : i32 to index
      %get3A_140 = tpu.vector_load %arg7[%get3A] {strides = array<i32>} : memref<512xf32, #tpu.memory_space<vmem>>, vector<16xf32>,
      %mul3A_141 = arith.mulf %gather3A_135, %get3A_140 : vector<16xf32>
      %add3A_142 = arith.addf %scan3A_126, %mul3A_141 : vector<16xf32>
      scf.yield %add3A_142 : vector<16xf32>
    }
    %scan3A_69 = arith.constant 8 : i32
    %dma_wait3A_70 = arith.constant 1 : i32
    %dma_wait3A_71 = arith.constant 0 : i32
    %dma_wait3A_72 = arith.constant 0 : i32
    %dma_wait3A_73 = tpu.memref_slice %arg8[%dma_wait3A_70, %dma_wait3A_71, %dma_wait3A_72] : memref<4x128x128xf32, #tpu.memory_space<vmem>> -> memref<1x128x128xf32, #tpu.memory_space<vmem>>
    %dma_wait3A_74 = tpu.memref_squeeze %dma_wait3A_73 : memref<1x128x128xf32, #tpu.memory_space<vmem>> -> memref<128x128xf32, #tpu.memory_space<vmem>>
    %dma_wait3A_75 = arith.constant 128 : i32
    %dma_wait3A_76 = tpu.memref_slice %arg6[%dma_wait3A_75] : memref<512xi32, #tpu.memory_space<vmem>> -> memref<128xi32, #tpu.memory_space<vmem>>
    %dma_wait3A_77 = arith.constant 0 : i32
    %dma_wait3A_78 = tpu.memref_slice %arg2[%dma_wait3A_77, %add3A_22] : memref<1000x16384xf32, #tpu.memory_space<hbm>> -> memref<1000x128xf32, #tpu.memory_space<hbm>>
    tpu.wait_indirect_dma semaphore(%arg13 : memref<!tpu.dma_semaphore, #tpu.memory_space<semaphore_mem>>) src(%dma_wait3A_78 : memref<1000x128xf32, #tpu.memory_space<hbm>>) dst(%dma_wait3A_74 : memref<128x128xf32, #tpu.memory_space<vmem>>)
    %scan3A_79 = arith.constant 0 : i32
    %scan3A_80 = arith.constant 8 : i32
    %scan3A_81 = arith.addi %scan3A_79, %scan3A_80 : i32
    %scan3A_82 = arith.constant 1 : i32
    %scan3A_83 = scf.for %scan3A_125 = %scan3A_79 to %scan3A_81 step %scan3A_82 iter_args(%scan3A_126 = %scan3A_68) -> (vector<16xf32>)  : i32 {
      %mul3A_127 = arith.constant 16 : i32
      %mul3A_128 = arith.muli %scan3A_125, %mul3A_127 : i32
      %add3A_129 = vector.broadcast %mul3A_128 : i32 to vector<16xi32>
      %add3A_130 = arith.addi %add3A_129, %iota3A : vector<16xi32>
      %gather3A = arith.constant 1 : i32
      %gather3A_131 = arith.constant 0 : i32
      %gather3A_132 = arith.constant 0 : i32
      %gather3A_133 = tpu.memref_slice %arg8[%gather3A, %gather3A_131, %gather3A_132] : memref<4x128x128xf32, #tpu.memory_space<vmem>> -> memref<1x128x128xf32, #tpu.memory_space<vmem>>
      %gather3A_134 = tpu.memref_squeeze %gather3A_133 : memref<1x128x128xf32, #tpu.memory_space<vmem>> -> memref<128x128xf32, #tpu.memory_space<vmem>>
      %gather3A_135 = tpu.vector_load_idx %gather3A_134[%add3A_130, %add3A_130] : memref<128x128xf32, #tpu.memory_space<vmem>>[vector<16xi32>, vector<16xi32>], vector<16xf32>,
      %mul3A_136 = arith.constant 16 : i32
      %mul3A_137 = arith.muli %scan3A_125, %mul3A_136 : i32
      %add3A_138 = arith.constant 128 : i32
      %add3A_139 = arith.addi %add3A_138, %mul3A_137 : i32
      %get3A = arith.index_cast %add3A_139 : i32 to index
      %get3A_140 = tpu.vector_load %arg7[%get3A] {strides = array<i32>} : memref<512xf32, #tpu.memory_space<vmem>>, vector<16xf32>,
      %mul3A_141 = arith.mulf %gather3A_135, %get3A_140 : vector<16xf32>
      %add3A_142 = arith.addf %scan3A_126, %mul3A_141 : vector<16xf32>
      scf.yield %add3A_142 : vector<16xf32>
    }
    %scan3A_84 = arith.constant 8 : i32
    %dma_wait3A_85 = arith.constant 2 : i32
    %dma_wait3A_86 = arith.constant 0 : i32
    %dma_wait3A_87 = arith.constant 0 : i32
    %dma_wait3A_88 = tpu.memref_slice %arg8[%dma_wait3A_85, %dma_wait3A_86, %dma_wait3A_87] : memref<4x128x128xf32, #tpu.memory_space<vmem>> -> memref<1x128x128xf32, #tpu.memory_space<vmem>>
    %dma_wait3A_89 = tpu.memref_squeeze %dma_wait3A_88 : memref<1x128x128xf32, #tpu.memory_space<vmem>> -> memref<128x128xf32, #tpu.memory_space<vmem>>
    %dma_wait3A_90 = arith.constant 256 : i32
    %dma_wait3A_91 = tpu.memref_slice %arg6[%dma_wait3A_90] : memref<512xi32, #tpu.memory_space<vmem>> -> memref<128xi32, #tpu.memory_space<vmem>>
    %dma_wait3A_92 = arith.constant 0 : i32
    %dma_wait3A_93 = tpu.memref_slice %arg2[%dma_wait3A_92, %add3A_33] : memref<1000x16384xf32, #tpu.memory_space<hbm>> -> memref<1000x128xf32, #tpu.memory_space<hbm>>
    tpu.wait_indirect_dma semaphore(%arg13 : memref<!tpu.dma_semaphore, #tpu.memory_space<semaphore_mem>>) src(%dma_wait3A_93 : memref<1000x128xf32, #tpu.memory_space<hbm>>) dst(%dma_wait3A_89 : memref<128x128xf32, #tpu.memory_space<vmem>>)
    %scan3A_94 = arith.constant 0 : i32
    %scan3A_95 = arith.constant 8 : i32
    %scan3A_96 = arith.addi %scan3A_94, %scan3A_95 : i32
    %scan3A_97 = arith.constant 1 : i32
    %scan3A_98 = scf.for %scan3A_125 = %scan3A_94 to %scan3A_96 step %scan3A_97 iter_args(%scan3A_126 = %scan3A_83) -> (vector<16xf32>)  : i32 {
      %mul3A_127 = arith.constant 16 : i32
      %mul3A_128 = arith.muli %scan3A_125, %mul3A_127 : i32
      %add3A_129 = vector.broadcast %mul3A_128 : i32 to vector<16xi32>
      %add3A_130 = arith.addi %add3A_129, %iota3A : vector<16xi32>
      %gather3A = arith.constant 2 : i32
      %gather3A_131 = arith.constant 0 : i32
      %gather3A_132 = arith.constant 0 : i32
      %gather3A_133 = tpu.memref_slice %arg8[%gather3A, %gather3A_131, %gather3A_132] : memref<4x128x128xf32, #tpu.memory_space<vmem>> -> memref<1x128x128xf32, #tpu.memory_space<vmem>>
      %gather3A_134 = tpu.memref_squeeze %gather3A_133 : memref<1x128x128xf32, #tpu.memory_space<vmem>> -> memref<128x128xf32, #tpu.memory_space<vmem>>
      %gather3A_135 = tpu.vector_load_idx %gather3A_134[%add3A_130, %add3A_130] : memref<128x128xf32, #tpu.memory_space<vmem>>[vector<16xi32>, vector<16xi32>], vector<16xf32>,
      %mul3A_136 = arith.constant 16 : i32
      %mul3A_137 = arith.muli %scan3A_125, %mul3A_136 : i32
      %add3A_138 = arith.constant 256 : i32
      %add3A_139 = arith.addi %add3A_138, %mul3A_137 : i32
      %get3A = arith.index_cast %add3A_139 : i32 to index
      %get3A_140 = tpu.vector_load %arg7[%get3A] {strides = array<i32>} : memref<512xf32, #tpu.memory_space<vmem>>, vector<16xf32>,
      %mul3A_141 = arith.mulf %gather3A_135, %get3A_140 : vector<16xf32>
      %add3A_142 = arith.addf %scan3A_126, %mul3A_141 : vector<16xf32>
      scf.yield %add3A_142 : vector<16xf32>
    }
    %scan3A_99 = arith.constant 8 : i32
    %dma_wait3A_100 = arith.constant 3 : i32
    %dma_wait3A_101 = arith.constant 0 : i32
    %dma_wait3A_102 = arith.constant 0 : i32
    %dma_wait3A_103 = tpu.memref_slice %arg8[%dma_wait3A_100, %dma_wait3A_101, %dma_wait3A_102] : memref<4x128x128xf32, #tpu.memory_space<vmem>> -> memref<1x128x128xf32, #tpu.memory_space<vmem>>
    %dma_wait3A_104 = tpu.memref_squeeze %dma_wait3A_103 : memref<1x128x128xf32, #tpu.memory_space<vmem>> -> memref<128x128xf32, #tpu.memory_space<vmem>>
    %dma_wait3A_105 = arith.constant 384 : i32
    %dma_wait3A_106 = tpu.memref_slice %arg6[%dma_wait3A_105] : memref<512xi32, #tpu.memory_space<vmem>> -> memref<128xi32, #tpu.memory_space<vmem>>
    %dma_wait3A_107 = arith.constant 0 : i32
    %dma_wait3A_108 = tpu.memref_slice %arg2[%dma_wait3A_107, %add3A_44] : memref<1000x16384xf32, #tpu.memory_space<hbm>> -> memref<1000x128xf32, #tpu.memory_space<hbm>>
    tpu.wait_indirect_dma semaphore(%arg13 : memref<!tpu.dma_semaphore, #tpu.memory_space<semaphore_mem>>) src(%dma_wait3A_108 : memref<1000x128xf32, #tpu.memory_space<hbm>>) dst(%dma_wait3A_104 : memref<128x128xf32, #tpu.memory_space<vmem>>)
    %scan3A_109 = arith.constant 0 : i32
    %scan3A_110 = arith.constant 8 : i32
    %scan3A_111 = arith.addi %scan3A_109, %scan3A_110 : i32
    %scan3A_112 = arith.constant 1 : i32
    %scan3A_113 = scf.for %scan3A_125 = %scan3A_109 to %scan3A_111 step %scan3A_112 iter_args(%scan3A_126 = %scan3A_98) -> (vector<16xf32>)  : i32 {
      %mul3A_127 = arith.constant 16 : i32
      %mul3A_128 = arith.muli %scan3A_125, %mul3A_127 : i32
      %add3A_129 = vector.broadcast %mul3A_128 : i32 to vector<16xi32>
      %add3A_130 = arith.addi %add3A_129, %iota3A : vector<16xi32>
      %gather3A = arith.constant 3 : i32
      %gather3A_131 = arith.constant 0 : i32
      %gather3A_132 = arith.constant 0 : i32
      %gather3A_133 = tpu.memref_slice %arg8[%gather3A, %gather3A_131, %gather3A_132] : memref<4x128x128xf32, #tpu.memory_space<vmem>> -> memref<1x128x128xf32, #tpu.memory_space<vmem>>
      %gather3A_134 = tpu.memref_squeeze %gather3A_133 : memref<1x128x128xf32, #tpu.memory_space<vmem>> -> memref<128x128xf32, #tpu.memory_space<vmem>>
      %gather3A_135 = tpu.vector_load_idx %gather3A_134[%add3A_130, %add3A_130] : memref<128x128xf32, #tpu.memory_space<vmem>>[vector<16xi32>, vector<16xi32>], vector<16xf32>,
      %mul3A_136 = arith.constant 16 : i32
      %mul3A_137 = arith.muli %scan3A_125, %mul3A_136 : i32
      %add3A_138 = arith.constant 384 : i32
      %add3A_139 = arith.addi %add3A_138, %mul3A_137 : i32
      %get3A = arith.index_cast %add3A_139 : i32 to index
      %get3A_140 = tpu.vector_load %arg7[%get3A] {strides = array<i32>} : memref<512xf32, #tpu.memory_space<vmem>>, vector<16xf32>,
      %mul3A_141 = arith.mulf %gather3A_135, %get3A_140 : vector<16xf32>
      %add3A_142 = arith.addf %scan3A_126, %mul3A_141 : vector<16xf32>
      scf.yield %add3A_142 : vector<16xf32>
    }
    %scan3A_114 = arith.constant 8 : i32
    %swap3A_115 = arith.constant 0 : i32
    %swap3A_116 = arith.index_cast %swap3A_115 : i32 to index
    %swap3A_117 = arith.constant 0 : index
    %swap3A_118 = tpu.vector_load %arg10[%swap3A_116, %swap3A_117] {strides = array<i32>} : memref<1x16xf32, #tpu.memory_space<vmem>>, vector<16xf32>,
    tpu.vector_store %arg10[%swap3A_116, %swap3A_117], %scan3A_113 {strides = array<i32>} : memref<1x16xf32, #tpu.memory_space<vmem>>, vector<16xf32>,
    %barrier3A = arith.constant 0 : index
    tpu.barrier barrier_id(%barrier3A)
    "tpu.region"() ({
      %run_scoped3A = tpu.sem_alloc : memref<!tpu.dma_semaphore, #tpu.memory_space<semaphore_mem>>
      %dma_start3A_125 = arith.constant 0 : i32
      %dma_start3A_126 = tpu.memref_slice %arg11[%dma_start3A_125] : memref<16xi32, #tpu.memory_space<vmem>> -> memref<1xi32, #tpu.memory_space<vmem>>
      %dma_start3A_127 = arith.constant 0 : i32
      %dma_start3A_128 = arith.constant 0 : i32
      %dma_start3A_129 = tpu.memref_slice %arg12[%dma_start3A_127, %dma_start3A_128] : memref<1x16xf32, #tpu.memory_space<vmem_shared>> -> memref<1x16xf32, #tpu.memory_space<vmem_shared>>
      tpu.enqueue_indirect_dma source(%arg10 : memref<1x16xf32, #tpu.memory_space<vmem>>) target(%dma_start3A_129 : memref<1x16xf32, #tpu.memory_space<vmem_shared>>) offsets(%dma_start3A_126 : memref<1xi32, #tpu.memory_space<vmem>>) semaphore(%run_scoped3A : memref<!tpu.dma_semaphore, #tpu.memory_space<semaphore_mem>>) {add = true}
      %dma_wait3A_130 = arith.constant 0 : i32
      %dma_wait3A_131 = tpu.memref_slice %arg11[%dma_wait3A_130] : memref<16xi32, #tpu.memory_space<vmem>> -> memref<1xi32, #tpu.memory_space<vmem>>
      %dma_wait3A_132 = arith.constant 0 : i32
      %dma_wait3A_133 = arith.constant 0 : i32
      %dma_wait3A_134 = tpu.memref_slice %arg12[%dma_wait3A_132, %dma_wait3A_133] : memref<1x16xf32, #tpu.memory_space<vmem_shared>> -> memref<1x16xf32, #tpu.memory_space<vmem_shared>>
      tpu.wait_indirect_dma semaphore(%run_scoped3A : memref<!tpu.dma_semaphore, #tpu.memory_space<semaphore_mem>>) src(%arg10 : memref<1x16xf32, #tpu.memory_space<vmem>>) dst(%dma_wait3A_134 : memref<1x16xf32, #tpu.memory_space<vmem_shared>>)
      tpu.yield
    }) : () -> ()
    %barrier3A_119 = arith.constant 0 : index
    tpu.barrier barrier_id(%barrier3A_119)
    %eq3A_120 = arith.constant 0 : i32
    %eq3A_121 = arith.cmpi eq, %arg1, %eq3A_120 : i32
    %convert_element_type3A_122 = arith.extui %eq3A_121 : i1 to i32
    %cond3A_123 = arith.constant 0 : i32
    %cond3A_124 = arith.cmpi ne, %convert_element_type3A_122, %cond3A_123 : i32
    scf.if %cond3A_124 {
      %run_scoped3A = arith.constant 0 : i32
      "tpu.region"() ({
        %run_scoped3A_177 = tpu.sem_alloc : memref<!tpu.dma_semaphore, #tpu.memory_space<semaphore_mem>>
        %dma_start3A_178 = arith.constant 0 : i32
        %dma_start3A_179 = tpu.memref_slice %arg12[%run_scoped3A, %dma_start3A_178] : memref<1x16xf32, #tpu.memory_space<vmem_shared>> -> memref<1x16xf32, #tpu.memory_space<vmem_shared>>
        %dma_start3A_180 = tpu.memref_squeeze %dma_start3A_179 : memref<1x16xf32, #tpu.memory_space<vmem_shared>> -> memref<16xf32, #tpu.memory_space<vmem_shared>>
        %dma_start3A_181 = arith.constant 0 : i32
        %dma_start3A_182 = tpu.memref_slice %arg12[%run_scoped3A, %dma_start3A_181] : memref<1x16xf32, #tpu.memory_space<vmem_shared>> -> memref<1x16xf32, #tpu.memory_space<vmem_shared>>
        %dma_start3A_183 = tpu.memref_squeeze %dma_start3A_182 : memref<1x16xf32, #tpu.memory_space<vmem_shared>> -> memref<16xf32, #tpu.memory_space<vmem_shared>>
        tpu.enqueue_dma source(%dma_start3A_183 : memref<16xf32, #tpu.memory_space<vmem_shared>>) target(%arg9 : memref<16xf32, #tpu.memory_space<vmem>>) target_semaphore(%run_scoped3A_177 : memref<!tpu.dma_semaphore, #tpu.memory_space<semaphore_mem>>)
        %dma_wait3A_184 = arith.constant 0 : i32
        %dma_wait3A_185 = tpu.memref_slice %arg12[%run_scoped3A, %dma_wait3A_184] : memref<1x16xf32, #tpu.memory_space<vmem_shared>> -> memref<1x16xf32, #tpu.memory_space<vmem_shared>>
        %dma_wait3A_186 = tpu.memref_squeeze %dma_wait3A_185 : memref<1x16xf32, #tpu.memory_space<vmem_shared>> -> memref<16xf32, #tpu.memory_space<vmem_shared>>
        %dma_wait3A_187 = arith.constant 0 : i32
        %dma_wait3A_188 = tpu.memref_slice %arg12[%run_scoped3A, %dma_wait3A_187] : memref<1x16xf32, #tpu.memory_space<vmem_shared>> -> memref<1x16xf32, #tpu.memory_space<vmem_shared>>
        %dma_wait3A_189 = tpu.memref_squeeze %dma_wait3A_188 : memref<1x16xf32, #tpu.memory_space<vmem_shared>> -> memref<16xf32, #tpu.memory_space<vmem_shared>>
        tpu.wait_dma2 semaphore(%run_scoped3A_177 : memref<!tpu.dma_semaphore, #tpu.memory_space<semaphore_mem>>) src(%dma_wait3A_189 : memref<16xf32, #tpu.memory_space<vmem_shared>>) dst(%arg9 : memref<16xf32, #tpu.memory_space<vmem>>)
        tpu.yield
      }) : () -> ()
      %get3A = arith.constant 0 : index
      %get3A_125 = tpu.vector_load %arg9[%get3A] {strides = array<i32>} : memref<16xf32, #tpu.memory_space<vmem>>, vector<16xf32>,
      %add3A_126 = arith.constant 8 : i32
      %add3A_127 = vector.broadcast %add3A_126 : i32 to vector<16xi32>
      %add3A_128 = arith.addi %iota3A, %add3A_127 : vector<16xi32>
      %and3A = arith.constant 15 : i32
      %and3A_129 = vector.broadcast %and3A : i32 to vector<16xi32>
      %and3A_130 = arith.andi %add3A_128, %and3A_129 : vector<16xi32>
      %gather3A = tpu.vector_load_idx %arg9[%and3A_130] : memref<16xf32, #tpu.memory_space<vmem>>[vector<16xi32>], vector<16xf32>,
      %add3A_131 = arith.addf %get3A_125, %gather3A : vector<16xf32>
      %swap3A_132 = arith.constant 0 : index
      %swap3A_133 = tpu.vector_load %arg9[%swap3A_132] {strides = array<i32>} : memref<16xf32, #tpu.memory_space<vmem>>, vector<16xf32>,
      tpu.vector_store %arg9[%swap3A_132], %add3A_131 {strides = array<i32>} : memref<16xf32, #tpu.memory_space<vmem>>, vector<16xf32>,
      %get3A_134 = arith.constant 0 : index
      %get3A_135 = tpu.vector_load %arg9[%get3A_134] {strides = array<i32>} : memref<16xf32, #tpu.memory_space<vmem>>, vector<16xf32>,
      %add3A_136 = arith.constant 4 : i32
      %add3A_137 = vector.broadcast %add3A_136 : i32 to vector<16xi32>
      %add3A_138 = arith.addi %iota3A, %add3A_137 : vector<16xi32>
      %and3A_139 = arith.constant 15 : i32
      %and3A_140 = vector.broadcast %and3A_139 : i32 to vector<16xi32>
      %and3A_141 = arith.andi %add3A_138, %and3A_140 : vector<16xi32>
      %gather3A_142 = tpu.vector_load_idx %arg9[%and3A_141] : memref<16xf32, #tpu.memory_space<vmem>>[vector<16xi32>], vector<16xf32>,
      %add3A_143 = arith.addf %get3A_135, %gather3A_142 : vector<16xf32>
      %swap3A_144 = arith.constant 0 : index
      %swap3A_145 = tpu.vector_load %arg9[%swap3A_144] {strides = array<i32>} : memref<16xf32, #tpu.memory_space<vmem>>, vector<16xf32>,
      tpu.vector_store %arg9[%swap3A_144], %add3A_143 {strides = array<i32>} : memref<16xf32, #tpu.memory_space<vmem>>, vector<16xf32>,
      %get3A_146 = arith.constant 0 : index
      %get3A_147 = tpu.vector_load %arg9[%get3A_146] {strides = array<i32>} : memref<16xf32, #tpu.memory_space<vmem>>, vector<16xf32>,
      %add3A_148 = arith.constant 2 : i32
      %add3A_149 = vector.broadcast %add3A_148 : i32 to vector<16xi32>
      %add3A_150 = arith.addi %iota3A, %add3A_149 : vector<16xi32>
      %and3A_151 = arith.constant 15 : i32
      %and3A_152 = vector.broadcast %and3A_151 : i32 to vector<16xi32>
      %and3A_153 = arith.andi %add3A_150, %and3A_152 : vector<16xi32>
      %gather3A_154 = tpu.vector_load_idx %arg9[%and3A_153] : memref<16xf32, #tpu.memory_space<vmem>>[vector<16xi32>], vector<16xf32>,
      %add3A_155 = arith.addf %get3A_147, %gather3A_154 : vector<16xf32>
      %swap3A_156 = arith.constant 0 : index
      %swap3A_157 = tpu.vector_load %arg9[%swap3A_156] {strides = array<i32>} : memref<16xf32, #tpu.memory_space<vmem>>, vector<16xf32>,
      tpu.vector_store %arg9[%swap3A_156], %add3A_155 {strides = array<i32>} : memref<16xf32, #tpu.memory_space<vmem>>, vector<16xf32>,
      %get3A_158 = arith.constant 0 : index
      %get3A_159 = tpu.vector_load %arg9[%get3A_158] {strides = array<i32>} : memref<16xf32, #tpu.memory_space<vmem>>, vector<16xf32>,
      %add3A_160 = arith.constant 1 : i32
      %add3A_161 = vector.broadcast %add3A_160 : i32 to vector<16xi32>
      %add3A_162 = arith.addi %iota3A, %add3A_161 : vector<16xi32>
      %and3A_163 = arith.constant 15 : i32
      %and3A_164 = vector.broadcast %and3A_163 : i32 to vector<16xi32>
      %and3A_165 = arith.andi %add3A_162, %and3A_164 : vector<16xi32>
      %gather3A_166 = tpu.vector_load_idx %arg9[%and3A_165] : memref<16xf32, #tpu.memory_space<vmem>>[vector<16xi32>], vector<16xf32>,
      %add3A_167 = arith.addf %get3A_159, %gather3A_166 : vector<16xf32>
      %swap3A_168 = arith.constant 0 : index
      %swap3A_169 = tpu.vector_load %arg9[%swap3A_168] {strides = array<i32>} : memref<16xf32, #tpu.memory_space<vmem>>, vector<16xf32>,
      tpu.vector_store %arg9[%swap3A_168], %add3A_167 {strides = array<i32>} : memref<16xf32, #tpu.memory_space<vmem>>, vector<16xf32>,
      %get3A_170 = arith.constant 0 : index
      %get3A_171 = tpu.vector_load %arg9[%get3A_170] {strides = array<i32>} : memref<16xf32, #tpu.memory_space<vmem>>, vector<16xf32>,
      %mul3A_172 = arith.constant -6.10351563E-5 : f32
      %mul3A_173 = vector.broadcast %mul3A_172 : f32 to vector<16xf32>
      %mul3A_174 = arith.mulf %get3A_171, %mul3A_173 : vector<16xf32>
      %swap3A_175 = arith.constant 0 : index
      %swap3A_176 = tpu.vector_load %arg9[%swap3A_175] {strides = array<i32>} : memref<16xf32, #tpu.memory_space<vmem>>, vector<16xf32>,
      tpu.vector_store %arg9[%swap3A_175], %mul3A_174 {strides = array<i32>} : memref<16xf32, #tpu.memory_space<vmem>>, vector<16xf32>,
      "tpu.region"() ({
        %run_scoped3A_177 = tpu.sem_alloc : memref<!tpu.dma_semaphore, #tpu.memory_space<semaphore_mem>>
        %dma_start3A_178 = arith.constant 0 : i32
        %dma_start3A_179 = tpu.memref_slice %arg5[%arg0, %dma_start3A_178] : memref<2x16xf32, #tpu.memory_space<hbm>> -> memref<1x16xf32, #tpu.memory_space<hbm>>
        %dma_start3A_180 = tpu.memref_squeeze %dma_start3A_179 : memref<1x16xf32, #tpu.memory_space<hbm>> -> memref<16xf32, #tpu.memory_space<hbm>>
        %dma_start3A_181 = arith.constant 0 : i32
        %dma_start3A_182 = tpu.memref_slice %arg5[%arg0, %dma_start3A_181] : memref<2x16xf32, #tpu.memory_space<hbm>> -> memref<1x16xf32, #tpu.memory_space<hbm>>
        %dma_start3A_183 = tpu.memref_squeeze %dma_start3A_182 : memref<1x16xf32, #tpu.memory_space<hbm>> -> memref<16xf32, #tpu.memory_space<hbm>>
        tpu.enqueue_dma source(%arg9 : memref<16xf32, #tpu.memory_space<vmem>>) target(%dma_start3A_183 : memref<16xf32, #tpu.memory_space<hbm>>) target_semaphore(%run_scoped3A_177 : memref<!tpu.dma_semaphore, #tpu.memory_space<semaphore_mem>>)
        %dma_wait3A_184 = arith.constant 0 : i32
        %dma_wait3A_185 = tpu.memref_slice %arg5[%arg0, %dma_wait3A_184] : memref<2x16xf32, #tpu.memory_space<hbm>> -> memref<1x16xf32, #tpu.memory_space<hbm>>
        %dma_wait3A_186 = tpu.memref_squeeze %dma_wait3A_185 : memref<1x16xf32, #tpu.memory_space<hbm>> -> memref<16xf32, #tpu.memory_space<hbm>>
        %dma_wait3A_187 = arith.constant 0 : i32
        %dma_wait3A_188 = tpu.memref_slice %arg5[%arg0, %dma_wait3A_187] : memref<2x16xf32, #tpu.memory_space<hbm>> -> memref<1x16xf32, #tpu.memory_space<hbm>>
        %dma_wait3A_189 = tpu.memref_squeeze %dma_wait3A_188 : memref<1x16xf32, #tpu.memory_space<hbm>> -> memref<16xf32, #tpu.memory_space<hbm>>
        tpu.wait_dma2 semaphore(%run_scoped3A_177 : memref<!tpu.dma_semaphore, #tpu.memory_space<semaphore_mem>>) src(%arg9 : memref<16xf32, #tpu.memory_space<vmem>>) dst(%dma_wait3A_189 : memref<16xf32, #tpu.memory_space<hbm>>)
        tpu.yield
      }) : () -> ()
    } else {
    }
    return
  }
}

</mosaic_0001>

<sc_bundles>
// kernel: _gather_loss.3.cloned.1.call-start
scs
__scs_entry_jumppad:
0x0: {  	(pc) =	sbr.rel $0x88, $3  }
0x1: {  	(tag) =	ssettag $0x0;
	lr =	simm.s32 $0x1  }
0x2: {  	[smem:$0x3F9E] =	sst lr;
	_ =	strace $0xD0000000  }
0x3: {  	_ = 	snop  }
0x4: {  	_ = 	snop  }
0x5: {  	_ = 	snop  }
0x6: {  	_ = 	snop  }
0x7: {  	_ = 	snop  }
__scs_overlays_trampoline_lowered:
0x8: {  	[smem:$0x3FAD] =	sst s0  }
0x9: {  	[smem:$0x3FAE] =	sst s1  }
0xa: {  	[smem:$0x3FAF] =	sst s2  }
0xb: {  	[smem:$0x3FB0] =	sst s3  }
0xc: {  	[smem:$0x3FB1] =	sst s4  }
0xd: {  	[smem:$0x3FB2] =	sst s5  }
0xe: {  	[smem:$0x3FB3] =	sst s6  }
0xf: {  	[smem:$0x3FB4] =	sst s7  }
0x10: {  	[smem:$0x3FB5] =	sst s8  }
0x11: {  	[smem:$0x3FB6] =	sst s9;
	s0 =	simm.s32 @!p0 $0x0  }
0x12: {  	s1 =	sld [smem:$0x3F9C];
	s0 =	simm.s32 @p0 $0x1  }
0x13: {  	[smem:$0x3FB7] =	sst s0;
	s0 =	simm.s32 @!p1 $0x0  }
0x14: {  	s2 =	sld [smem:$0x3F9B];
	s0 =	simm.s32 @p1 $0x1  }
0x15: {  	[smem:$0x3FB8] =	sst s0;
	s0 =	simm.s32 @!p2 $0x0  }
0x16: {  	s3 =	sld [smem:$0x3FDB];
	s0 =	simm.s32 @p2 $0x1  }
0x17: {  	s4 =	simm.s32 $0x1BF5;
	[smem:$0x3FBA] =	sst s0  }
0x18: {  	s0 =	sld [smem:$0x3F9D];
	_ =	swait.ge [sflag:s4], $0x0  }
0x19: {  	s7 =	sld [smem:$0x3F9E]  }
0x1a: {  	s8 =	sadd.s32 $0xFFFFE003, lr  }
0x1b: {  	s9 =	sadd.s32 $0xFFFFFEF7, lr;
	s5 =	simm.s32 $0xFFFFFFFF;
	p2 =	slt.u32 s8, $0xFFFFF086  }
0x1c: {  	p1 =	slt.u32 s9, $0xF7A;
	s5 =	simm.s32 @!p2 $0x0  }
0x1d: {  	s5 =	simm.s32 @p1 $0x1;
	p0 =	seq.s32 s7, s2  }
0x1e: {  	s7 =	smul.u32 @!p0 $0xF7A, s2;
	p2 =	seq.s32 @!p0 s5, $0x0  }
0x1f: {  	s9 =	smul.u32 $0xF7A, s1;
	s8 =	simm.s32 @!p0 $0x1BF5;
	p2 =	por !p2, p0  }
0x20: {  	[sflag:s8] =	ssyncset.s32 @!p0 $0xFFFFF086;
	s6 =	sadd.s32 @!p0 s3, s7;
	s7 =	simm.s32 @!p0 $0x108  }
0x21: {  	s3 =	sadd.s32 s3, s9;
	s6 =	sadd.s32 @!p0 $0x88, s6;
	s7 =	simm.s32 @p2 $0x1082  }
0x22: {  	[simem:s7], [sflag:s8] =	dma.local @!p0 [hbm:s6], $0xF7A  }
0x23: {  	s9 =	sor.u32 $0xD0000000, s2;
	s6 =	simm.s32 $0x108;
	_ =	swait.ge @!p0 [sflag:s8], $0x0  }
0x24: {  	s3 =	sadd.s32 $0x88, s3;
	s6 =	simm.s32 @!p1 $0x1082;
	[sflag:s4] =	ssyncset.s32 $0xFFFFF086  }
0x25: {  	[simem:s6], [sflag:s4] =	dma.local [hbm:s3], $0xF7A  }
0x26: {  	[smem:$0x3F9E] =	sst s1;
	(tag) =	ssettag s2;
	_ =	strace s9  }
0x27: {  	s1 =	sld [smem:$0x3FAE]  }
0x28: {  	s2 =	sld [smem:$0x3FAF]  }
0x29: {  	s4 =	sld [smem:$0x3FB1]  }
0x2a: {  	p0 =	seq.s32 s5, $0x0;
	s5 =	sld [smem:$0x3FB2]  }
0x2b: {  	s6 =	sld [smem:$0x3FB3]  }
0x2c: {  	s7 =	sld [smem:$0x3FB4]  }
0x2d: {  	s3 =	simm.s32 $0x108;
	s8 =	sld [smem:$0x3FB5]  }
0x2e: {  	s3 =	simm.s32 @!p0 $0x1082;
	s9 =	sld [smem:$0x3FB6]  }
0x2f: {  	lr =	sadd.s32 s0, s3;
	s0 =	sld [smem:$0x3FAD]  }
0x30: {  	s3 =	sld [smem:$0x3FB0]  }
0x31: {  	[smem:$0x3FB9] =	sst s10  }
0x32: {  	s10 =	sld [smem:$0x3FB7];
	_ =	sdelay $0x3  }
0x33: {  	p0 =	seq.s32 s10, $0x1;
	s10 =	sld [smem:$0x3FB9];
	_ =	sdelay $0x3  }
0x34: {  	[smem:$0x3FB9] =	sst s10  }
0x35: {  	s10 =	sld [smem:$0x3FB8];
	_ =	sdelay $0x3  }
0x36: {  	p1 =	seq.s32 s10, $0x1;
	s10 =	sld [smem:$0x3FB9];
	_ =	sdelay $0x3  }
0x37: {  	[smem:$0x3FB9] =	sst s10  }
0x38: {  	s10 =	sld [smem:$0x3FBA]  }
0x39: {  	_ = 	snop;
	(pc) =	sbr.ind lr, $3  }
0x3a: {  	_ = 	snop  }
0x3b: {  	_ = 	snop  }
0x3c: {  	p2 =	seq.s32 s10, $0x1;
	s10 =	sld [smem:$0x3FB9]  }
0x3d: {  	_ =	shalt  }
0x3e: {  	_ =	shalt  }
0x3f: {  	_ =	shalt  }
0x40: {  	_ =	shalt  }
0x41: {  	_ =	shalt  }
0x42: {  	_ =	shalt  }
0x43: {  	_ =	shalt  }
0x44: {  	_ =	shalt  }
0x45: {  	_ =	shalt  }
0x46: {  	_ =	shalt  }
0x47: {  	_ =	shalt  }
0x48: {  	_ =	shalt  }
0x49: {  	_ =	shalt  }
0x4a: {  	_ =	shalt  }
0x4b: {  	_ =	shalt  }
0x4c: {  	_ =	shalt  }
0x4d: {  	_ =	shalt  }
0x4e: {  	_ =	shalt  }
0x4f: {  	_ =	shalt  }
0x50: {  	_ =	shalt  }
0x51: {  	_ =	shalt  }
0x52: {  	_ =	shalt  }
0x53: {  	_ =	shalt  }
0x54: {  	_ =	shalt  }
0x55: {  	_ =	shalt  }
0x56: {  	_ =	shalt  }
0x57: {  	_ =	shalt  }
0x58: {  	_ =	shalt  }
0x59: {  	_ =	shalt  }
0x5a: {  	_ =	shalt  }
0x5b: {  	_ =	shalt  }
0x5c: {  	_ =	shalt  }
0x5d: {  	_ =	shalt  }
0x5e: {  	_ =	shalt  }
0x5f: {  	_ =	shalt  }
0x60: {  	_ =	shalt  }
0x61: {  	_ =	shalt  }
0x62: {  	_ =	shalt  }
0x63: {  	_ =	shalt  }
0x64: {  	_ =	shalt  }
0x65: {  	_ =	shalt  }
0x66: {  	_ =	shalt  }
0x67: {  	_ =	shalt  }
0x68: {  	_ =	shalt  }
0x69: {  	_ =	shalt  }
0x6a: {  	_ =	shalt  }
0x6b: {  	_ =	shalt  }
0x6c: {  	_ =	shalt  }
0x6d: {  	_ =	shalt  }
0x6e: {  	_ =	shalt  }
0x6f: {  	_ =	shalt  }
0x70: {  	_ =	shalt  }
0x71: {  	_ =	shalt  }
0x72: {  	_ =	shalt  }
0x73: {  	_ =	shalt  }
0x74: {  	_ =	shalt  }
0x75: {  	_ =	shalt  }
0x76: {  	_ =	shalt  }
0x77: {  	_ =	shalt  }
0x78: {  	_ =	shalt  }
0x79: {  	_ =	shalt  }
0x7a: {  	_ =	shalt  }
0x7b: {  	_ =	shalt  }
0x7c: {  	_ =	shalt  }
0x7d: {  	_ =	shalt  }
0x7e: {  	_ =	shalt  }
0x7f: {  	_ =	shalt  }
0x80: {  	_ =	shalt  }
0x81: {  	_ =	shalt  }
0x82: {  	_ =	shalt  }
0x83: {  	_ =	shalt  }
0x84: {  	_ =	shalt  }
0x85: {  	_ =	shalt  }
0x86: {  	_ =	shalt  }
0x87: {  	_ =	shalt  }
.Lfunc_end0:
.L_simem_size_0:
called_computation_lowered:
.L_overlay_start_0:
0x88: {  	s2 =	sld [smem:$0x3FD9]  }
0x89: {  	s3 =	sld [smem:$0x3FFE];
	_ =	sdelay $0x1  }
0x8a: {  	s1 =	srdreg.scid  }
0x8b: {  	s0 =	sand.u32 $0x1, s1  }
0x8c: {  	s18 =	sshll.u32 s0, $0xA;
	s2 =	sadd.s32 s3, s2  }
0x8d: {  	s2 =	sadd.s32 s2, s18  }
0x8e: {  	[smem:$0x3FC5] =	sst s2  }
0x8f: {  	_ = 	snop  }
0x90: {  	s2 =	sld [smem:$0x3FC9]  }
0x91: {  	s19 =	sld [smem:$0x3FC8]  }
0x92: {  	s4 =	sld [smem:$0x3FC7]  }
0x93: {  	s5 =	sld [smem:$0x3FD0];
	(tm) =	ssettm $0x1  }
0x94: {  	s6 =	sld [smem:$0x3FFB];
	_ =	sdelay $0x3  }
0x95: {  	_ =	strace s6  }
0x96: {  	s6 =	sld [smem:$0x3FFC];
	_ =	sdelay $0x3  }
0x97: {  	_ =	strace s6  }
0x98: {  	s6 =	sld [smem:$0x3FFD];
	_ =	sdelay $0x3  }
0x99: {  	_ =	strace s6  }
0x9a: {  	_ =	strace $0x8FFFFFFF  }
0x9b: {  	s20 =	sld [smem:$0x3FDB];
	_ =	sdelay $0x1  }
0x9c: {  	s7 =	simm.s32 $_scs_section_size  }
0x9d: {  	s8 =	simm.s32 $_size__tile_overlayer_lowered;
	s9 =	simm.s32 $_tile_overlayer_lowered  }
0x9e: {  	s23 =	simm.s32 $0x1BFF;
	s22 =	sshll.u32 s9, $0x1;
	s6 =	sadd.s32 s7, s20  }
0x9f: {  	s10 =	simm.s32 $0x0;
	s21 =	sshll.u32 s8, $0x1;
	s8 =	sadd.s32 s22, s6  }
0xa0: {  	[timem:s10], [sflag:s23] =	dma.local [hbm:s8], s21  }
0xa1: {  	_ =	swait.ge [sflag:s23], s21  }
0xa2: {  	s7 =	ssub.s32 $0x0, s21;
	[sflag:s23] =	ssyncset.done $0x0  }
0xa3: {  	[sflag:s23] =	ssyncadd.s32 s7;
	_ =	sdelay $0x1  }
0xa4: {  	s24 =	simm.s32 $0x1B8B  }
0xa5: {  	_ =	swait.ge [sflag:s24], $0x1  }
0xa6: {  	[sflag:s24] =	ssyncset.done $0x0  }
0xa7: {  	s25 =	simm.s32 $0x1B8E;
	[sflag:s24] =	ssyncadd.s32 $0xFFFFFFFF  }
0xa8: {  	s26 =	simm.s32 $execute0_lowered;
	[smem:$0x3FD2] =	sst s25  }
0xa9: {  	s7 =	sshll.u32 s26, $0x1;
	_ =	strace $0x80000046;
	[dreg:$0x1] =	wrdreg $0xFFFFFFFF  }
0xaa: {  	s28 =	simm.s32 $_size_execute0_lowered;
	s6 =	sadd.s32 s6, s7;
	[dreg:$0x0] =	wrdreg $0x0  }
0xab: {  	s7 =	sshll.u32 s28, $0x1;
	[dreg:$0x2] =	wrdreg s6  }
0xac: {  	[dreg:$0x3] =	wrdreg s7  }
0xad: {  	[dreg:$0x4] =	wrdreg $0xC0  }
0xae: {  	_ =	task [dreg:s10], $0x5FFFF  }
0xaf: {  	[dreg:$0x1] =	wrdreg $0xFFFFFFFF  }
0xb0: {  	[dreg:$0x0] =	wrdreg $0x60  }
0xb1: {  	[dreg:$0x2] =	wrdreg s2  }
0xb2: {  	[dreg:$0x3] =	wrdreg s19  }
0xb3: {  	[dreg:$0x4] =	wrdreg s4  }
0xb4: {  	[dreg:$0x5] =	wrdreg s5  }
0xb5: {  	[dreg:$0x6] =	wrdreg $0x105800  }
0xb6: {  	[dreg:$0x7] =	wrdreg $0x9  }
0xb7: {  	_ =	task.clear_ibuf [dreg:s10], $0x8FFFF;
	_ =	strace $0x90000046  }
0xb8: {  	s29 =	simm.s32 $0x9;
	_ =	strace $0x80000048  }
0xb9: {  	_ =	swait.ge [sflag:s29], $0x1  }
0xba: {  	[sflag:s29] =	ssyncadd.s32 $0xFFFFFFFF  }
0xbb: {  	_ =	strace $0x90000048  }
0xbc: {  	_ =	sfence  }
0xbd: {  	s30 =	sld [smem:$0x0];
	_ =	sdelay $0x2  }
0xbe: {  	s31 =	sshll.u32 s1, $0xD;
	s1 =	sshrl.u32 s1, $0x2  }
0xbf: {  	s3 =	sand.u32 $0x4000, s31;
	s1 =	sadd.s32 s1, s30  }
0xc0: {  	s0 =	sor.u32 s3, s0;
	s1 =	sshll.u32 s1, $0x11  }
0xc1: {  	s0 =	sor.u32 s1, s0  }
0xc2: {  	s0 =	sadd.s32 $0x8F2B, s0  }
0xc3: {  	[sflag:s0] =	ssyncadd.remote.s32 $0x1  }
0xc4: {  	_ =	sfence.sel $0xFFFF  }
0xc5: {  	[dreg:$0x0] =	wrdreg $0xFFFFFFFF;
	(pc) =	sbr.abs _section_cstart, $3  }
0xc6: {  	[dreg:$0x1] =	wrdreg $0xFFFFFFFF  }
0xc7: {  	_ =	task.clear_ibuf [dreg:s10], $0x2FFFF;
	_ =	strace $0x9FFFFFFF  }
0xc8: {  	(tm) =	ssettm $0x7FFFFFFF  }
0xc9: {  	_ =	shalt  }
tec
execute0_lowered:
.L_overlay_start_1:
0x0: {  	(tag) =	ssettag $0x1  }
0x1: {  	s0 =	rddreg [dreg:$0x0]  }
0x2: {  	s3 =	rddreg [dreg:$0x1]  }
0x3: {  	s4 =	rddreg [dreg:$0x2]  }
0x4: {  	s9 =	rddreg [dreg:$0x3]  }
0x5: {  	s1 =	rddreg [dreg:$0x4];
	s5 =	srdreg.scid;
	s2 =	simm.s32 $0x0  }
0x6: {  	s11 =	stileid.u32;
	s12 =	simm.s32 $0x200;
	s13 =	simm.s32 $0x400  }
0x7: {  	s15 =	simm.s32 $0x4400;
	s24 =	simm.s32 $0xC400;
	s28 =	simm.s32 $0x1  }
0x8: {  	s29 =	simm.s32 $0xFD00;
	s30 =	simm.s32 $0xFC80;
	s31 =	simm.s32 $0xFA80  }
0x9: {  	s14 =	simm.s32 $0xFB00;
	s16 =	simm.s32 $0xFB80;
	s17 =	simm.s32 $0xFC00  }
0xa: {  	s18 =	simm.s32 $0x10500;
	s19 =	simm.s32 $0x10480;
	s20 =	simm.s32 $0x0  }
0xb: {  	s8 =	sand.u32 $0x1, s5;
	s6 =	sshll.u32 s11, $0xA;
	[smem:$0x7FF] =	sst s2  }
0xc: {  	v0 =	vlaneseq.u32;
	p0 =	sne.s32 s11, $0x0;
	s11 =	simm.s32 $0x2;
	s5 =	ssub.s32 $0x2, s8  }
0xd: {  	v1 =	vimm.s32 $0x0;
	v2 =	vimm.s32 $0x7;
	vm0 =	vmmov $0x1;
	s7 =	sshll.u32 s8, $0x9;
	_ =	strace $0x80000047;
	s26 =	sshll.u32 s8, $0x4  }
0xe: {  	v4 =	vimm.s32 $0x1;
	v5 =	vimm.s32 $0x2;
	v6 =	vimm.s32 $0x3;
	s10 =	sshrl.u32 s5, $0x1;
	s6 =	sor.u32 s7, s6;
	s9 =	sadd.s32 s9, s26  }
0xf: {  	v7 =	vimm.s32 $0x4;
	v8 =	vimm.s32 $0x5;
	v9 =	vimm.s32 $0x6;
	s26 =	simm.s32 $0xFE80;
	s10 =	ssub.s32 s5, s10;
	s25 =	sshrl.u32 s6, $0x3  }
0x10: {  	v10 =	vimm.s32 $0x8;
	v11 =	vimm.s32 $0x9;
	v12 =	vimm.s32 $0xA;
	s5 =	sadd.s32 s0, s6;
	s0 =	simm.s32 $0x8400;
	s3 =	sadd.s32 s3, s25  }
0x11: {  	v13 =	vimm.s32 $0xB;
	v14 =	vimm.s32 $0xC;
	v15 =	vimm.s32 $0xD;
	s4 =	sadd.s32 s4, s25;
	s6 =	sadd.s32 $0x80, s5;
	s7 =	sadd.s32 $0x100, s5  }
0x12: {  	v16 =	vimm.s32 $0xE;
	v17 =	vimm.s32 $0xF;
	v3 =	vmul.u32 $0x8, v0;
	s8 =	sadd.s32 $0x180, s5;
	s10 =	smax.u32 s10, $0x1;
	s25 =	simm.s32 $0xFE00  }
.LBB2_1:
0x13: {  	[tilespmem:s2], [sflag:$0x2] =	stream.linear.gather [hbm4b:s3+s2], $0x200, $0x38;
	[tilespmem:$0x10588] =	vst v63  }
0x14: {  	_ =	swait.ge [sflag:s11], $0x200  }
0x15: {  	[sflag:s11] =	ssyncset.done $0x0  }
0x16: {  	[sflag:s11] =	ssyncadd.s32 $0xFFFFFE00  }
0x17: {  	[tilespmem:s12], [sflag:$0x1] =	stream.linear.gather [hbm4b:s4+s2], $0x200, $0x38;
	[tilespmem:$0x10588] =	vst v63  }
0x18: {  	v18 =	vimm.f32 @!p0 $0.0e+00;
	[tilespmem:$0x10500] =	vst v1  }
0x19: {  	s21 =	simm.s32 @!p0 $0x10400;
	[tilespmem:$0x10400] =	vst @!p0 v18  }
0x1a: {  	[spmem:s1] =	stream.linear.scatter @!p0 [tilespmem:s21], [sflag:$0x2], $0x80, $0x38;
	[tilespmem:$0x10588] =	vst v63  }
0x1b: {  	s21 =	simm.s32 @!p0 $0x2  }
0x1c: {  	_ =	swait.ge @!p0 [sflag:s21], $0x80  }
0x1d: {  	[sflag:s21] =	ssyncset.done @!p0 $0x0  }
0x1e: {  	[sflag:s21] =	ssyncadd.s32 @!p0 $0xFFFFFF80  }
0x1f: {  	v18 =	vld [tilespmem:$0x0];
	_ =	sdelay $0x4  }
0x20: {  	v19 =	vshll.u32 v18, $0x7  }
0x21: {  	v18 =	vand.u32 $0x7, v18;
	v19 =	vand.u32 $0xFFFFFC00, v19  }
0x22: {  	v18 =	vor.u32 v18, v19  }
0x23: {  	v19 =	vperm.xlane v18, v1;
	_ =	sdelay $0x1  }
0x24: {  	v20 =	vperm.xlane v18, v4;
	v19 =	vadd.s32 v3, v19;
	_ =	sdelay $0x1  }
0x25: {  	v21 =	vperm.xlane v18, v5;
	v20 =	vadd.s32 v3, v20;
	_ =	sdelay $0x1  }
0x26: {  	v22 =	vperm.xlane v18, v6;
	v21 =	vadd.s32 v3, v21  }
0x27: {  	[tilespmem:s13], [sflag:$0x1] =	stream.indirect_vreg.gather [hbm4b:s5+s2], $0x80, v19, vm0, $0xb8;
	[tilespmem:$0x10588] =	vst v63  }
0x28: {  	s22 =	simm.s32 $0x480;
	v19 =	vadd.s32 v3, v22;
	v22 =	vperm.xlane v18, v7  }
0x29: {  	[tilespmem:s22], [sflag:$0x1] =	stream.indirect_vreg.gather [hbm4b:s5+s2], $0x80, v20, vm0, $0xb8;
	[tilespmem:$0x10588] =	vst v63  }
0x2a: {  	s23 =	simm.s32 $0x500;
	v20 =	vadd.s32 v3, v22;
	v22 =	vperm.xlane v18, v8  }
0x2b: {  	[tilespmem:s23], [sflag:$0x1] =	stream.indirect_vreg.gather [hbm4b:s5+s2], $0x80, v21, vm0, $0xb8;
	[tilespmem:$0x10588] =	vst v63  }
0x2c: {  	s22 =	simm.s32 $0x580;
	v21 =	vadd.s32 v3, v22;
	v22 =	vperm.xlane v18, v9  }
0x2d: {  	[tilespmem:s22], [sflag:$0x1] =	stream.indirect_vreg.gather [hbm4b:s5+s2], $0x80, v19, vm0, $0xb8;
	[tilespmem:$0x10588] =	vst v63  }
0x2e: {  	s23 =	simm.s32 $0x600;
	v19 =	vadd.s32 v3, v22;
	v22 =	vperm.xlane v18, v2  }
0x2f: {  	[tilespmem:s23], [sflag:$0x1] =	stream.indirect_vreg.gather [hbm4b:s5+s2], $0x80, v20, vm0, $0xb8;
	[tilespmem:$0x10588] =	vst v63  }
0x30: {  	s22 =	simm.s32 $0x680;
	v20 =	vadd.s32 v3, v22;
	v22 =	vperm.xlane v18, v10  }
0x31: {  	[tilespmem:s22], [sflag:$0x1] =	stream.indirect_vreg.gather [hbm4b:s5+s2], $0x80, v21, vm0, $0xb8;
	[tilespmem:$0x10588] =	vst v63  }
0x32: {  	s23 =	simm.s32 $0x700;
	v21 =	vadd.s32 v3, v22;
	v22 =	vperm.xlane v18, v11  }
0x33: {  	[tilespmem:s23], [sflag:$0x1] =	stream.indirect_vreg.gather [hbm4b:s5+s2], $0x80, v19, vm0, $0xb8;
	[tilespmem:$0x10588] =	vst v63  }
0x34: {  	s22 =	simm.s32 $0x780;
	v19 =	vadd.s32 v3, v22;
	v22 =	vperm.xlane v18, v12  }
0x35: {  	[tilespmem:s22], [sflag:$0x1] =	stream.indirect_vreg.gather [hbm4b:s5+s2], $0x80, v20, vm0, $0xb8;
	[tilespmem:$0x10588] =	vst v63  }
0x36: {  	s23 =	simm.s32 $0x800;
	v20 =	vadd.s32 v3, v22;
	v22 =	vperm.xlane v18, v13  }
0x37: {  	[tilespmem:s23], [sflag:$0x1] =	stream.indirect_vreg.gather [hbm4b:s5+s2], $0x80, v21, vm0, $0xb8;
	[tilespmem:$0x10588] =	vst v63  }
0x38: {  	s22 =	simm.s32 $0x880;
	v21 =	vadd.s32 v3, v22;
	v22 =	vperm.xlane v18, v14  }
0x39: {  	[tilespmem:s22], [sflag:$0x1] =	stream.indirect_vreg.gather [hbm4b:s5+s2], $0x80, v19, vm0, $0xb8;
	[tilespmem:$0x10588] =	vst v63  }
0x3a: {  	s23 =	simm.s32 $0x900;
	v19 =	vadd.s32 v3, v22;
	v22 =	vperm.xlane v18, v15  }
0x3b: {  	[tilespmem:s23], [sflag:$0x1] =	stream.indirect_vreg.gather [hbm4b:s5+s2], $0x80, v20, vm0, $0xb8;
	[tilespmem:$0x10588] =	vst v63  }
0x3c: {  	s22 =	simm.s32 $0x980;
	v20 =	vadd.s32 v3, v22;
	v22 =	vperm.xlane v18, v16  }
0x3d: {  	[tilespmem:s22], [sflag:$0x1] =	stream.indirect_vreg.gather [hbm4b:s5+s2], $0x80, v21, vm0, $0xb8;
	[tilespmem:$0x10588] =	vst v63  }
0x3e: {  	v18 =	vperm.xlane v18, v17;
	s23 =	simm.s32 $0xA00;
	v21 =	vadd.s32 v3, v22  }
0x3f: {  	[tilespmem:s23], [sflag:$0x1] =	stream.indirect_vreg.gather [hbm4b:s5+s2], $0x80, v19, vm0, $0xb8;
	[tilespmem:$0x10588] =	vst v63  }
0x40: {  	v18 =	vadd.s32 v3, v18;
	s22 =	simm.s32 $0xA80  }
0x41: {  	[tilespmem:s22], [sflag:$0x1] =	stream.indirect_vreg.gather [hbm4b:s5+s2], $0x80, v20, vm0, $0xb8;
	[tilespmem:$0x10588] =	vst v63  }
0x42: {  	s23 =	simm.s32 $0xB00  }
0x43: {  	[tilespmem:s23], [sflag:$0x1] =	stream.indirect_vreg.gather [hbm4b:s5+s2], $0x80, v21, vm0, $0xb8;
	[tilespmem:$0x10588] =	vst v63  }
0x44: {  	s22 =	simm.s32 $0xB80  }
0x45: {  	[tilespmem:s22], [sflag:$0x1] =	stream.indirect_vreg.gather [hbm4b:s5+s2], $0x80, v18, vm0, $0xb8;
	[tilespmem:$0x10588] =	vst v63  }
0x46: {  	v18 =	vld [tilespmem:$0x10];
	_ =	sdelay $0x4  }
0x47: {  	v19 =	vshll.u32 v18, $0x7  }
0x48: {  	v18 =	vand.u32 $0x7, v18;
	v19 =	vand.u32 $0xFFFFFC00, v19  }
0x49: {  	v18 =	vor.u32 v18, v19  }
0x4a: {  	v19 =	vperm.xlane v18, v1;
	_ =	sdelay $0x1  }
0x4b: {  	v20 =	vperm.xlane v18, v4;
	v19 =	vadd.s32 v3, v19;
	_ =	sdelay $0x1  }
0x4c: {  	v21 =	vperm.xlane v18, v5;
	v20 =	vadd.s32 v3, v20;
	_ =	sdelay $0x1  }
0x4d: {  	s23 =	simm.s32 $0xC00;
	v22 =	vperm.xlane v18, v6;
	v21 =	vadd.s32 v3, v21  }
0x4e: {  	[tilespmem:s23], [sflag:$0x1] =	stream.indirect_vreg.gather [hbm4b:s5+s2], $0x80, v19, vm0, $0xb8;
	[tilespmem:$0x10588] =	vst v63  }
0x4f: {  	s22 =	simm.s32 $0xC80;
	v19 =	vadd.s32 v3, v22;
	v22 =	vperm.xlane v18, v7  }
0x50: {  	[tilespmem:s22], [sflag:$0x1] =	stream.indirect_vreg.gather [hbm4b:s5+s2], $0x80, v20, vm0, $0xb8;
	[tilespmem:$0x10588] =	vst v63  }
0x51: {  	s23 =	simm.s32 $0xD00;
	v20 =	vadd.s32 v3, v22;
	v22 =	vperm.xlane v18, v8  }
0x52: {  	[tilespmem:s23], [sflag:$0x1] =	stream.indirect_vreg.gather [hbm4b:s5+s2], $0x80, v21, vm0, $0xb8;
	[tilespmem:$0x10588] =	vst v63  }
0x53: {  	s22 =	simm.s32 $0xD80;
	v21 =	vadd.s32 v3, v22;
	v22 =	vperm.xlane v18, v9  }
0x54: {  	[tilespmem:s22], [sflag:$0x1] =	stream.indirect_vreg.gather [hbm4b:s5+s2], $0x80, v19, vm0, $0xb8;
	[tilespmem:$0x10588] =	vst v63  }
0x55: {  	s23 =	simm.s32 $0xE00;
	v19 =	vadd.s32 v3, v22;
	v22 =	vperm.xlane v18, v2  }
0x56: {  	[tilespmem:s23], [sflag:$0x1] =	stream.indirect_vreg.gather [hbm4b:s5+s2], $0x80, v20, vm0, $0xb8;
	[tilespmem:$0x10588] =	vst v63  }
0x57: {  	s22 =	simm.s32 $0xE80;
	v20 =	vadd.s32 v3, v22;
	v22 =	vperm.xlane v18, v10  }
0x58: {  	[tilespmem:s22], [sflag:$0x1] =	stream.indirect_vreg.gather [hbm4b:s5+s2], $0x80, v21, vm0, $0xb8;
	[tilespmem:$0x10588] =	vst v63  }
0x59: {  	s23 =	simm.s32 $0xF00;
	v21 =	vadd.s32 v3, v22;
	v22 =	vperm.xlane v18, v11  }
0x5a: {  	[tilespmem:s23], [sflag:$0x1] =	stream.indirect_vreg.gather [hbm4b:s5+s2], $0x80, v19, vm0, $0xb8;
	[tilespmem:$0x10588] =	vst v63  }
0x5b: {  	s22 =	simm.s32 $0xF80;
	v19 =	vadd.s32 v3, v22;
	v22 =	vperm.xlane v18, v12  }
0x5c: {  	[tilespmem:s22], [sflag:$0x1] =	stream.indirect_vreg.gather [hbm4b:s5+s2], $0x80, v20, vm0, $0xb8;
	[tilespmem:$0x10588] =	vst v63  }
0x5d: {  	s23 =	simm.s32 $0x1000;
	v20 =	vadd.s32 v3, v22;
	v22 =	vperm.xlane v18, v13  }
0x5e: {  	[tilespmem:s23], [sflag:$0x1] =	stream.indirect_vreg.gather [hbm4b:s5+s2], $0x80, v21, vm0, $0xb8;
	[tilespmem:$0x10588] =	vst v63  }
0x5f: {  	s22 =	simm.s32 $0x1080;
	v21 =	vadd.s32 v3, v22;
	v22 =	vperm.xlane v18, v14  }
0x60: {  	[tilespmem:s22], [sflag:$0x1] =	stream.indirect_vreg.gather [hbm4b:s5+s2], $0x80, v19, vm0, $0xb8;
	[tilespmem:$0x10588] =	vst v63  }
0x61: {  	s23 =	simm.s32 $0x1100;
	v19 =	vadd.s32 v3, v22;
	v22 =	vperm.xlane v18, v15  }
0x62: {  	[tilespmem:s23], [sflag:$0x1] =	stream.indirect_vreg.gather [hbm4b:s5+s2], $0x80, v20, vm0, $0xb8;
	[tilespmem:$0x10588] =	vst v63  }
0x63: {  	s22 =	simm.s32 $0x1180;
	v20 =	vadd.s32 v3, v22;
	v22 =	vperm.xlane v18, v16  }
0x64: {  	[tilespmem:s22], [sflag:$0x1] =	stream.indirect_vreg.gather [hbm4b:s5+s2], $0x80, v21, vm0, $0xb8;
	[tilespmem:$0x10588] =	vst v63  }
0x65: {  	v18 =	vperm.xlane v18, v17;
	s23 =	simm.s32 $0x1200;
	v21 =	vadd.s32 v3, v22  }
0x66: {  	[tilespmem:s23], [sflag:$0x1] =	stream.indirect_vreg.gather [hbm4b:s5+s2], $0x80, v19, vm0, $0xb8;
	[tilespmem:$0x10588] =	vst v63  }
0x67: {  	v18 =	vadd.s32 v3, v18;
	s22 =	simm.s32 $0x1280  }
0x68: {  	[tilespmem:s22], [sflag:$0x1] =	stream.indirect_vreg.gather [hbm4b:s5+s2], $0x80, v20, vm0, $0xb8;
	[tilespmem:$0x10588] =	vst v63  }
0x69: {  	s23 =	simm.s32 $0x1300  }
0x6a: {  	[tilespmem:s23], [sflag:$0x1] =	stream.indirect_vreg.gather [hbm4b:s5+s2], $0x80, v21, vm0, $0xb8;
	[tilespmem:$0x10588] =	vst v63  }
0x6b: {  	s22 =	simm.s32 $0x1380  }
0x6c: {  	[tilespmem:s22], [sflag:$0x1] =	stream.indirect_vreg.gather [hbm4b:s5+s2], $0x80, v18, vm0, $0xb8;
	[tilespmem:$0x10588] =	vst v63  }
0x6d: {  	v18 =	vld [tilespmem:$0x20];
	_ =	sdelay $0x4  }
0x6e: {  	v19 =	vshll.u32 v18, $0x7  }
0x6f: {  	v18 =	vand.u32 $0x7, v18;
	v19 =	vand.u32 $0xFFFFFC00, v19  }
0x70: {  	v18 =	vor.u32 v18, v19  }
0x71: {  	v19 =	vperm.xlane v18, v1;
	_ =	sdelay $0x1  }
0x72: {  	v20 =	vperm.xlane v18, v4;
	v19 =	vadd.s32 v3, v19;
	_ =	sdelay $0x1  }
0x73: {  	v21 =	vperm.xlane v18, v5;
	v20 =	vadd.s32 v3, v20;
	_ =	sdelay $0x1  }
0x74: {  	s23 =	simm.s32 $0x1400;
	v22 =	vperm.xlane v18, v6;
	v21 =	vadd.s32 v3, v21  }
0x75: {  	[tilespmem:s23], [sflag:$0x1] =	stream.indirect_vreg.gather [hbm4b:s5+s2], $0x80, v19, vm0, $0xb8;
	[tilespmem:$0x10588] =	vst v63  }
0x76: {  	s22 =	simm.s32 $0x1480;
	v19 =	vadd.s32 v3, v22;
	v22 =	vperm.xlane v18, v7  }
0x77: {  	[tilespmem:s22], [sflag:$0x1] =	stream.indirect_vreg.gather [hbm4b:s5+s2], $0x80, v20, vm0, $0xb8;
	[tilespmem:$0x10588] =	vst v63  }
0x78: {  	s23 =	simm.s32 $0x1500;
	v20 =	vadd.s32 v3, v22;
	v22 =	vperm.xlane v18, v8  }
0x79: {  	[tilespmem:s23], [sflag:$0x1] =	stream.indirect_vreg.gather [hbm4b:s5+s2], $0x80, v21, vm0, $0xb8;
	[tilespmem:$0x10588] =	vst v63  }
0x7a: {  	s22 =	simm.s32 $0x1580;
	v21 =	vadd.s32 v3, v22;
	v22 =	vperm.xlane v18, v9  }
0x7b: {  	[tilespmem:s22], [sflag:$0x1] =	stream.indirect_vreg.gather [hbm4b:s5+s2], $0x80, v19, vm0, $0xb8;
	[tilespmem:$0x10588] =	vst v63  }
0x7c: {  	s23 =	simm.s32 $0x1600;
	v19 =	vadd.s32 v3, v22;
	v22 =	vperm.xlane v18, v2  }
0x7d: {  	[tilespmem:s23], [sflag:$0x1] =	stream.indirect_vreg.gather [hbm4b:s5+s2], $0x80, v20, vm0, $0xb8;
	[tilespmem:$0x10588] =	vst v63  }
0x7e: {  	s22 =	simm.s32 $0x1680;
	v20 =	vadd.s32 v3, v22;
	v22 =	vperm.xlane v18, v10  }
0x7f: {  	[tilespmem:s22], [sflag:$0x1] =	stream.indirect_vreg.gather [hbm4b:s5+s2], $0x80, v21, vm0, $0xb8;
	[tilespmem:$0x10588] =	vst v63  }
0x80: {  	s23 =	simm.s32 $0x1700;
	v21 =	vadd.s32 v3, v22;
	v22 =	vperm.xlane v18, v11  }
0x81: {  	[tilespmem:s23], [sflag:$0x1] =	stream.indirect_vreg.gather [hbm4b:s5+s2], $0x80, v19, vm0, $0xb8;
	[tilespmem:$0x10588] =	vst v63  }
0x82: {  	s22 =	simm.s32 $0x1780;
	v19 =	vadd.s32 v3, v22;
	v22 =	vperm.xlane v18, v12  }
0x83: {  	[tilespmem:s22], [sflag:$0x1] =	stream.indirect_vreg.gather [hbm4b:s5+s2], $0x80, v20, vm0, $0xb8;
	[tilespmem:$0x10588] =	vst v63  }
0x84: {  	s23 =	simm.s32 $0x1800;
	v20 =	vadd.s32 v3, v22;
	v22 =	vperm.xlane v18, v13  }
0x85: {  	[tilespmem:s23], [sflag:$0x1] =	stream.indirect_vreg.gather [hbm4b:s5+s2], $0x80, v21, vm0, $0xb8;
	[tilespmem:$0x10588] =	vst v63  }
0x86: {  	s22 =	simm.s32 $0x1880;
	v21 =	vadd.s32 v3, v22;
	v22 =	vperm.xlane v18, v14  }
0x87: {  	[tilespmem:s22], [sflag:$0x1] =	stream.indirect_vreg.gather [hbm4b:s5+s2], $0x80, v19, vm0, $0xb8;
	[tilespmem:$0x10588] =	vst v63  }
0x88: {  	s23 =	simm.s32 $0x1900;
	v19 =	vadd.s32 v3, v22;
	v22 =	vperm.xlane v18, v15  }
0x89: {  	[tilespmem:s23], [sflag:$0x1] =	stream.indirect_vreg.gather [hbm4b:s5+s2], $0x80, v20, vm0, $0xb8;
	[tilespmem:$0x10588] =	vst v63  }
0x8a: {  	s22 =	simm.s32 $0x1980;
	v20 =	vadd.s32 v3, v22;
	v22 =	vperm.xlane v18, v16  }
0x8b: {  	[tilespmem:s22], [sflag:$0x1] =	stream.indirect_vreg.gather [hbm4b:s5+s2], $0x80, v21, vm0, $0xb8;
	[tilespmem:$0x10588] =	vst v63  }
0x8c: {  	v18 =	vperm.xlane v18, v17;
	s23 =	simm.s32 $0x1A00;
	v21 =	vadd.s32 v3, v22  }
0x8d: {  	[tilespmem:s23], [sflag:$0x1] =	stream.indirect_vreg.gather [hbm4b:s5+s2], $0x80, v19, vm0, $0xb8;
	[tilespmem:$0x10588] =	vst v63  }
0x8e: {  	v18 =	vadd.s32 v3, v18;
	s22 =	simm.s32 $0x1A80  }
0x8f: {  	[tilespmem:s22], [sflag:$0x1] =	stream.indirect_vreg.gather [hbm4b:s5+s2], $0x80, v20, vm0, $0xb8;
	[tilespmem:$0x10588] =	vst v63  }
0x90: {  	s23 =	simm.s32 $0x1B00  }
0x91: {  	[tilespmem:s23], [sflag:$0x1] =	stream.indirect_vreg.gather [hbm4b:s5+s2], $0x80, v21, vm0, $0xb8;
	[tilespmem:$0x10588] =	vst v63  }
0x92: {  	s22 =	simm.s32 $0x1B80  }
0x93: {  	[tilespmem:s22], [sflag:$0x1] =	stream.indirect_vreg.gather [hbm4b:s5+s2], $0x80, v18, vm0, $0xb8;
	[tilespmem:$0x10588] =	vst v63  }
0x94: {  	v18 =	vld [tilespmem:$0x30];
	_ =	sdelay $0x4  }
0x95: {  	v19 =	vshll.u32 v18, $0x7  }
0x96: {  	v18 =	vand.u32 $0x7, v18;
	v19 =	vand.u32 $0xFFFFFC00, v19  }
0x97: {  	v18 =	vor.u32 v18, v19  }
0x98: {  	v19 =	vperm.xlane v18, v1;
	_ =	sdelay $0x1  }
0x99: {  	v20 =	vperm.xlane v18, v4;
	v19 =	vadd.s32 v3, v19;
	_ =	sdelay $0x1  }
0x9a: {  	v21 =	vperm.xlane v18, v5;
	v20 =	vadd.s32 v3, v20;
	_ =	sdelay $0x1  }
0x9b: {  	s23 =	simm.s32 $0x1C00;
	v22 =	vperm.xlane v18, v6;
	v21 =	vadd.s32 v3, v21  }
0x9c: {  	[tilespmem:s23], [sflag:$0x1] =	stream.indirect_vreg.gather [hbm4b:s5+s2], $0x80, v19, vm0, $0xb8;
	[tilespmem:$0x10588] =	vst v63  }
0x9d: {  	s22 =	simm.s32 $0x1C80;
	v19 =	vadd.s32 v3, v22;
	v22 =	vperm.xlane v18, v7  }
0x9e: {  	[tilespmem:s22], [sflag:$0x1] =	stream.indirect_vreg.gather [hbm4b:s5+s2], $0x80, v20, vm0, $0xb8;
	[tilespmem:$0x10588] =	vst v63  }
0x9f: {  	s23 =	simm.s32 $0x1D00;
	v20 =	vadd.s32 v3, v22;
	v22 =	vperm.xlane v18, v8  }
0xa0: {  	[tilespmem:s23], [sflag:$0x1] =	stream.indirect_vreg.gather [hbm4b:s5+s2], $0x80, v21, vm0, $0xb8;
	[tilespmem:$0x10588] =	vst v63  }
0xa1: {  	s22 =	simm.s32 $0x1D80;
	v21 =	vadd.s32 v3, v22;
	v22 =	vperm.xlane v18, v9  }
0xa2: {  	[tilespmem:s22], [sflag:$0x1] =	stream.indirect_vreg.gather [hbm4b:s5+s2], $0x80, v19, vm0, $0xb8;
	[tilespmem:$0x10588] =	vst v63  }
0xa3: {  	s23 =	simm.s32 $0x1E00;
	v19 =	vadd.s32 v3, v22;
	v22 =	vperm.xlane v18, v2  }
0xa4: {  	[tilespmem:s23], [sflag:$0x1] =	stream.indirect_vreg.gather [hbm4b:s5+s2], $0x80, v20, vm0, $0xb8;
	[tilespmem:$0x10588] =	vst v63  }
0xa5: {  	s22 =	simm.s32 $0x1E80;
	v20 =	vadd.s32 v3, v22;
	v22 =	vperm.xlane v18, v10  }
0xa6: {  	[tilespmem:s22], [sflag:$0x1] =	stream.indirect_vreg.gather [hbm4b:s5+s2], $0x80, v21, vm0, $0xb8;
	[tilespmem:$0x10588] =	vst v63  }
0xa7: {  	s23 =	simm.s32 $0x1F00;
	v21 =	vadd.s32 v3, v22;
	v22 =	vperm.xlane v18, v11  }
0xa8: {  	[tilespmem:s23], [sflag:$0x1] =	stream.indirect_vreg.gather [hbm4b:s5+s2], $0x80, v19, vm0, $0xb8;
	[tilespmem:$0x10588] =	vst v63  }
0xa9: {  	s22 =	simm.s32 $0x1F80;
	v19 =	vadd.s32 v3, v22;
	v22 =	vperm.xlane v18, v12  }
0xaa: {  	[tilespmem:s22], [sflag:$0x1] =	stream.indirect_vreg.gather [hbm4b:s5+s2], $0x80, v20, vm0, $0xb8;
	[tilespmem:$0x10588] =	vst v63  }
0xab: {  	s23 =	simm.s32 $0x2000;
	v20 =	vadd.s32 v3, v22;
	v22 =	vperm.xlane v18, v13  }
0xac: {  	[tilespmem:s23], [sflag:$0x1] =	stream.indirect_vreg.gather [hbm4b:s5+s2], $0x80, v21, vm0, $0xb8;
	[tilespmem:$0x10588] =	vst v63  }
0xad: {  	s22 =	simm.s32 $0x2080;
	v21 =	vadd.s32 v3, v22;
	v22 =	vperm.xlane v18, v14  }
0xae: {  	[tilespmem:s22], [sflag:$0x1] =	stream.indirect_vreg.gather [hbm4b:s5+s2], $0x80, v19, vm0, $0xb8;
	[tilespmem:$0x10588] =	vst v63  }
0xaf: {  	s23 =	simm.s32 $0x2100;
	v19 =	vadd.s32 v3, v22;
	v22 =	vperm.xlane v18, v15  }
0xb0: {  	[tilespmem:s23], [sflag:$0x1] =	stream.indirect_vreg.gather [hbm4b:s5+s2], $0x80, v20, vm0, $0xb8;
	[tilespmem:$0x10588] =	vst v63  }
0xb1: {  	s22 =	simm.s32 $0x2180;
	v20 =	vadd.s32 v3, v22;
	v22 =	vperm.xlane v18, v16  }
0xb2: {  	[tilespmem:s22], [sflag:$0x1] =	stream.indirect_vreg.gather [hbm4b:s5+s2], $0x80, v21, vm0, $0xb8;
	[tilespmem:$0x10588] =	vst v63  }
0xb3: {  	v18 =	vperm.xlane v18, v17;
	s23 =	simm.s32 $0x2200;
	v21 =	vadd.s32 v3, v22  }
0xb4: {  	[tilespmem:s23], [sflag:$0x1] =	stream.indirect_vreg.gather [hbm4b:s5+s2], $0x80, v19, vm0, $0xb8;
	[tilespmem:$0x10588] =	vst v63  }
0xb5: {  	v18 =	vadd.s32 v3, v18;
	s22 =	simm.s32 $0x2280  }
0xb6: {  	[tilespmem:s22], [sflag:$0x1] =	stream.indirect_vreg.gather [hbm4b:s5+s2], $0x80, v20, vm0, $0xb8;
	[tilespmem:$0x10588] =	vst v63  }
0xb7: {  	s23 =	simm.s32 $0x2300  }
0xb8: {  	[tilespmem:s23], [sflag:$0x1] =	stream.indirect_vreg.gather [hbm4b:s5+s2], $0x80, v21, vm0, $0xb8;
	[tilespmem:$0x10588] =	vst v63  }
0xb9: {  	s22 =	simm.s32 $0x2380  }
0xba: {  	[tilespmem:s22], [sflag:$0x1] =	stream.indirect_vreg.gather [hbm4b:s5+s2], $0x80, v18, vm0, $0xb8;
	[tilespmem:$0x10588] =	vst v63  }
0xbb: {  	v18 =	vld [tilespmem:$0x40];
	_ =	sdelay $0x4  }
0xbc: {  	v19 =	vshll.u32 v18, $0x7  }
0xbd: {  	v18 =	vand.u32 $0x7, v18;
	v19 =	vand.u32 $0xFFFFFC00, v19  }
0xbe: {  	v18 =	vor.u32 v18, v19  }
0xbf: {  	v19 =	vperm.xlane v18, v1;
	_ =	sdelay $0x1  }
0xc0: {  	v20 =	vperm.xlane v18, v4;
	v19 =	vadd.s32 v3, v19;
	_ =	sdelay $0x1  }
0xc1: {  	v21 =	vperm.xlane v18, v5;
	v20 =	vadd.s32 v3, v20;
	_ =	sdelay $0x1  }
0xc2: {  	s23 =	simm.s32 $0x2400;
	v22 =	vperm.xlane v18, v6;
	v21 =	vadd.s32 v3, v21  }
0xc3: {  	[tilespmem:s23], [sflag:$0x1] =	stream.indirect_vreg.gather [hbm4b:s5+s2], $0x80, v19, vm0, $0xb8;
	[tilespmem:$0x10588] =	vst v63  }
0xc4: {  	s22 =	simm.s32 $0x2480;
	v19 =	vadd.s32 v3, v22;
	v22 =	vperm.xlane v18, v7  }
0xc5: {  	[tilespmem:s22], [sflag:$0x1] =	stream.indirect_vreg.gather [hbm4b:s5+s2], $0x80, v20, vm0, $0xb8;
	[tilespmem:$0x10588] =	vst v63  }
0xc6: {  	s23 =	simm.s32 $0x2500;
	v20 =	vadd.s32 v3, v22;
	v22 =	vperm.xlane v18, v8  }
0xc7: {  	[tilespmem:s23], [sflag:$0x1] =	stream.indirect_vreg.gather [hbm4b:s5+s2], $0x80, v21, vm0, $0xb8;
	[tilespmem:$0x10588] =	vst v63  }
0xc8: {  	s22 =	simm.s32 $0x2580;
	v21 =	vadd.s32 v3, v22;
	v22 =	vperm.xlane v18, v9  }
0xc9: {  	[tilespmem:s22], [sflag:$0x1] =	stream.indirect_vreg.gather [hbm4b:s5+s2], $0x80, v19, vm0, $0xb8;
	[tilespmem:$0x10588] =	vst v63  }
0xca: {  	s23 =	simm.s32 $0x2600;
	v19 =	vadd.s32 v3, v22;
	v22 =	vperm.xlane v18, v2  }
0xcb: {  	[tilespmem:s23], [sflag:$0x1] =	stream.indirect_vreg.gather [hbm4b:s5+s2], $0x80, v20, vm0, $0xb8;
	[tilespmem:$0x10588] =	vst v63  }
0xcc: {  	s22 =	simm.s32 $0x2680;
	v20 =	vadd.s32 v3, v22;
	v22 =	vperm.xlane v18, v10  }
0xcd: {  	[tilespmem:s22], [sflag:$0x1] =	stream.indirect_vreg.gather [hbm4b:s5+s2], $0x80, v21, vm0, $0xb8;
	[tilespmem:$0x10588] =	vst v63  }
0xce: {  	s23 =	simm.s32 $0x2700;
	v21 =	vadd.s32 v3, v22;
	v22 =	vperm.xlane v18, v11  }
0xcf: {  	[tilespmem:s23], [sflag:$0x1] =	stream.indirect_vreg.gather [hbm4b:s5+s2], $0x80, v19, vm0, $0xb8;
	[tilespmem:$0x10588] =	vst v63  }
0xd0: {  	s22 =	simm.s32 $0x2780;
	v19 =	vadd.s32 v3, v22;
	v22 =	vperm.xlane v18, v12  }
0xd1: {  	[tilespmem:s22], [sflag:$0x1] =	stream.indirect_vreg.gather [hbm4b:s5+s2], $0x80, v20, vm0, $0xb8;
	[tilespmem:$0x10588] =	vst v63  }
0xd2: {  	s23 =	simm.s32 $0x2800;
	v20 =	vadd.s32 v3, v22;
	v22 =	vperm.xlane v18, v13  }
0xd3: {  	[tilespmem:s23], [sflag:$0x1] =	stream.indirect_vreg.gather [hbm4b:s5+s2], $0x80, v21, vm0, $0xb8;
	[tilespmem:$0x10588] =	vst v63  }
0xd4: {  	s22 =	simm.s32 $0x2880;
	v21 =	vadd.s32 v3, v22;
	v22 =	vperm.xlane v18, v14  }
0xd5: {  	[tilespmem:s22], [sflag:$0x1] =	stream.indirect_vreg.gather [hbm4b:s5+s2], $0x80, v19, vm0, $0xb8;
	[tilespmem:$0x10588] =	vst v63  }
0xd6: {  	s23 =	simm.s32 $0x2900;
	v19 =	vadd.s32 v3, v22;
	v22 =	vperm.xlane v18, v15  }
0xd7: {  	[tilespmem:s23], [sflag:$0x1] =	stream.indirect_vreg.gather [hbm4b:s5+s2], $0x80, v20, vm0, $0xb8;
	[tilespmem:$0x10588] =	vst v63  }
0xd8: {  	s22 =	simm.s32 $0x2980;
	v20 =	vadd.s32 v3, v22;
	v22 =	vperm.xlane v18, v16  }
0xd9: {  	[tilespmem:s22], [sflag:$0x1] =	stream.indirect_vreg.gather [hbm4b:s5+s2], $0x80, v21, vm0, $0xb8;
	[tilespmem:$0x10588] =	vst v63  }
0xda: {  	v18 =	vperm.xlane v18, v17;
	s23 =	simm.s32 $0x2A00;
	v21 =	vadd.s32 v3, v22  }
0xdb: {  	[tilespmem:s23], [sflag:$0x1] =	stream.indirect_vreg.gather [hbm4b:s5+s2], $0x80, v19, vm0, $0xb8;
	[tilespmem:$0x10588] =	vst v63  }
0xdc: {  	v18 =	vadd.s32 v3, v18;
	s22 =	simm.s32 $0x2A80  }
0xdd: {  	[tilespmem:s22], [sflag:$0x1] =	stream.indirect_vreg.gather [hbm4b:s5+s2], $0x80, v20, vm0, $0xb8;
	[tilespmem:$0x10588] =	vst v63  }
0xde: {  	s23 =	simm.s32 $0x2B00  }
0xdf: {  	[tilespmem:s23], [sflag:$0x1] =	stream.indirect_vreg.gather [hbm4b:s5+s2], $0x80, v21, vm0, $0xb8;
	[tilespmem:$0x10588] =	vst v63  }
0xe0: {  	s22 =	simm.s32 $0x2B80  }
0xe1: {  	[tilespmem:s22], [sflag:$0x1] =	stream.indirect_vreg.gather [hbm4b:s5+s2], $0x80, v18, vm0, $0xb8;
	[tilespmem:$0x10588] =	vst v63  }
0xe2: {  	v18 =	vld [tilespmem:$0x50];
	_ =	sdelay $0x4  }
0xe3: {  	v19 =	vshll.u32 v18, $0x7  }
0xe4: {  	v18 =	vand.u32 $0x7, v18;
	v19 =	vand.u32 $0xFFFFFC00, v19  }
0xe5: {  	v18 =	vor.u32 v18, v19  }
0xe6: {  	v19 =	vperm.xlane v18, v1;
	_ =	sdelay $0x1  }
0xe7: {  	v20 =	vperm.xlane v18, v4;
	v19 =	vadd.s32 v3, v19;
	_ =	sdelay $0x1  }
0xe8: {  	v21 =	vperm.xlane v18, v5;
	v20 =	vadd.s32 v3, v20;
	_ =	sdelay $0x1  }
0xe9: {  	s23 =	simm.s32 $0x2C00;
	v22 =	vperm.xlane v18, v6;
	v21 =	vadd.s32 v3, v21  }
0xea: {  	[tilespmem:s23], [sflag:$0x1] =	stream.indirect_vreg.gather [hbm4b:s5+s2], $0x80, v19, vm0, $0xb8;
	[tilespmem:$0x10588] =	vst v63  }
0xeb: {  	s22 =	simm.s32 $0x2C80;
	v19 =	vadd.s32 v3, v22;
	v22 =	vperm.xlane v18, v7  }
0xec: {  	[tilespmem:s22], [sflag:$0x1] =	stream.indirect_vreg.gather [hbm4b:s5+s2], $0x80, v20, vm0, $0xb8;
	[tilespmem:$0x10588] =	vst v63  }
0xed: {  	s23 =	simm.s32 $0x2D00;
	v20 =	vadd.s32 v3, v22;
	v22 =	vperm.xlane v18, v8  }
0xee: {  	[tilespmem:s23], [sflag:$0x1] =	stream.indirect_vreg.gather [hbm4b:s5+s2], $0x80, v21, vm0, $0xb8;
	[tilespmem:$0x10588] =	vst v63  }
0xef: {  	s22 =	simm.s32 $0x2D80;
	v21 =	vadd.s32 v3, v22;
	v22 =	vperm.xlane v18, v9  }
0xf0: {  	[tilespmem:s22], [sflag:$0x1] =	stream.indirect_vreg.gather [hbm4b:s5+s2], $0x80, v19, vm0, $0xb8;
	[tilespmem:$0x10588] =	vst v63  }
0xf1: {  	s23 =	simm.s32 $0x2E00;
	v19 =	vadd.s32 v3, v22;
	v22 =	vperm.xlane v18, v2  }
0xf2: {  	[tilespmem:s23], [sflag:$0x1] =	stream.indirect_vreg.gather [hbm4b:s5+s2], $0x80, v20, vm0, $0xb8;
	[tilespmem:$0x10588] =	vst v63  }
0xf3: {  	s22 =	simm.s32 $0x2E80;
	v20 =	vadd.s32 v3, v22;
	v22 =	vperm.xlane v18, v10  }
0xf4: {  	[tilespmem:s22], [sflag:$0x1] =	stream.indirect_vreg.gather [hbm4b:s5+s2], $0x80, v21, vm0, $0xb8;
	[tilespmem:$0x10588] =	vst v63  }
0xf5: {  	s23 =	simm.s32 $0x2F00;
	v21 =	vadd.s32 v3, v22;
	v22 =	vperm.xlane v18, v11  }
0xf6: {  	[tilespmem:s23], [sflag:$0x1] =	stream.indirect_vreg.gather [hbm4b:s5+s2], $0x80, v19, vm0, $0xb8;
	[tilespmem:$0x10588] =	vst v63  }
0xf7: {  	s22 =	simm.s32 $0x2F80;
	v19 =	vadd.s32 v3, v22;
	v22 =	vperm.xlane v18, v12  }
0xf8: {  	[tilespmem:s22], [sflag:$0x1] =	stream.indirect_vreg.gather [hbm4b:s5+s2], $0x80, v20, vm0, $0xb8;
	[tilespmem:$0x10588] =	vst v63  }
0xf9: {  	s23 =	simm.s32 $0x3000;
	v20 =	vadd.s32 v3, v22;
	v22 =	vperm.xlane v18, v13  }
0xfa: {  	[tilespmem:s23], [sflag:$0x1] =	stream.indirect_vreg.gather [hbm4b:s5+s2], $0x80, v21, vm0, $0xb8;
	[tilespmem:$0x10588] =	vst v63  }
0xfb: {  	s22 =	simm.s32 $0x3080;
	v21 =	vadd.s32 v3, v22;
	v22 =	vperm.xlane v18, v14  }
0xfc: {  	[tilespmem:s22], [sflag:$0x1] =	stream.indirect_vreg.gather [hbm4b:s5+s2], $0x80, v19, vm0, $0xb8;
	[tilespmem:$0x10588] =	vst v63  }
0xfd: {  	s23 =	simm.s32 $0x3100;
	v19 =	vadd.s32 v3, v22;
	v22 =	vperm.xlane v18, v15  }
0xfe: {  	[tilespmem:s23], [sflag:$0x1] =	stream.indirect_vreg.gather [hbm4b:s5+s2], $0x80, v20, vm0, $0xb8;
	[tilespmem:$0x10588] =	vst v63  }
0xff: {  	s22 =	simm.s32 $0x3180;
	v20 =	vadd.s32 v3, v22;
	v22 =	vperm.xlane v18, v16  }
0x100: {  	[tilespmem:s22], [sflag:$0x1] =	stream.indirect_vreg.gather [hbm4b:s5+s2], $0x80, v21, vm0, $0xb8;
	[tilespmem:$0x10588] =	vst v63  }
0x101: {  	v18 =	vperm.xlane v18, v17;
	s23 =	simm.s32 $0x3200;
	v21 =	vadd.s32 v3, v22  }
0x102: {  	[tilespmem:s23], [sflag:$0x1] =	stream.indirect_vreg.gather [hbm4b:s5+s2], $0x80, v19, vm0, $0xb8;
	[tilespmem:$0x10588] =	vst v63  }
0x103: {  	v18 =	vadd.s32 v3, v18;
	s22 =	simm.s32 $0x3280  }
0x104: {  	[tilespmem:s22], [sflag:$0x1] =	stream.indirect_vreg.gather [hbm4b:s5+s2], $0x80, v20, vm0, $0xb8;
	[tilespmem:$0x10588] =	vst v63  }
0x105: {  	s23 =	simm.s32 $0x3300  }
0x106: {  	[tilespmem:s23], [sflag:$0x1] =	stream.indirect_vreg.gather [hbm4b:s5+s2], $0x80, v21, vm0, $0xb8;
	[tilespmem:$0x10588] =	vst v63  }
0x107: {  	s22 =	simm.s32 $0x3380  }
0x108: {  	[tilespmem:s22], [sflag:$0x1] =	stream.indirect_vreg.gather [hbm4b:s5+s2], $0x80, v18, vm0, $0xb8;
	[tilespmem:$0x10588] =	vst v63  }
0x109: {  	v18 =	vld [tilespmem:$0x60];
	_ =	sdelay $0x4  }
0x10a: {  	v19 =	vshll.u32 v18, $0x7  }
0x10b: {  	v18 =	vand.u32 $0x7, v18;
	v19 =	vand.u32 $0xFFFFFC00, v19  }
0x10c: {  	v18 =	vor.u32 v18, v19  }
0x10d: {  	v19 =	vperm.xlane v18, v1;
	_ =	sdelay $0x1  }
0x10e: {  	v20 =	vperm.xlane v18, v4;
	v19 =	vadd.s32 v3, v19;
	_ =	sdelay $0x1  }
0x10f: {  	v21 =	vperm.xlane v18, v5;
	v20 =	vadd.s32 v3, v20;
	_ =	sdelay $0x1  }
0x110: {  	s23 =	simm.s32 $0x3400;
	v22 =	vperm.xlane v18, v6;
	v21 =	vadd.s32 v3, v21  }
0x111: {  	[tilespmem:s23], [sflag:$0x1] =	stream.indirect_vreg.gather [hbm4b:s5+s2], $0x80, v19, vm0, $0xb8;
	[tilespmem:$0x10588] =	vst v63  }
0x112: {  	s22 =	simm.s32 $0x3480;
	v19 =	vadd.s32 v3, v22;
	v22 =	vperm.xlane v18, v7  }
0x113: {  	[tilespmem:s22], [sflag:$0x1] =	stream.indirect_vreg.gather [hbm4b:s5+s2], $0x80, v20, vm0, $0xb8;
	[tilespmem:$0x10588] =	vst v63  }
0x114: {  	s23 =	simm.s32 $0x3500;
	v20 =	vadd.s32 v3, v22;
	v22 =	vperm.xlane v18, v8  }
0x115: {  	[tilespmem:s23], [sflag:$0x1] =	stream.indirect_vreg.gather [hbm4b:s5+s2], $0x80, v21, vm0, $0xb8;
	[tilespmem:$0x10588] =	vst v63  }
0x116: {  	s22 =	simm.s32 $0x3580;
	v21 =	vadd.s32 v3, v22;
	v22 =	vperm.xlane v18, v9  }
0x117: {  	[tilespmem:s22], [sflag:$0x1] =	stream.indirect_vreg.gather [hbm4b:s5+s2], $0x80, v19, vm0, $0xb8;
	[tilespmem:$0x10588] =	vst v63  }
0x118: {  	s23 =	simm.s32 $0x3600;
	v19 =	vadd.s32 v3, v22;
	v22 =	vperm.xlane v18, v2  }
0x119: {  	[tilespmem:s23], [sflag:$0x1] =	stream.indirect_vreg.gather [hbm4b:s5+s2], $0x80, v20, vm0, $0xb8;
	[tilespmem:$0x10588] =	vst v63  }
0x11a: {  	s22 =	simm.s32 $0x3680;
	v20 =	vadd.s32 v3, v22;
	v22 =	vperm.xlane v18, v10  }
0x11b: {  	[tilespmem:s22], [sflag:$0x1] =	stream.indirect_vreg.gather [hbm4b:s5+s2], $0x80, v21, vm0, $0xb8;
	[tilespmem:$0x10588] =	vst v63  }
0x11c: {  	s23 =	simm.s32 $0x3700;
	v21 =	vadd.s32 v3, v22;
	v22 =	vperm.xlane v18, v11  }
0x11d: {  	[tilespmem:s23], [sflag:$0x1] =	stream.indirect_vreg.gather [hbm4b:s5+s2], $0x80, v19, vm0, $0xb8;
	[tilespmem:$0x10588] =	vst v63  }
0x11e: {  	s22 =	simm.s32 $0x3780;
	v19 =	vadd.s32 v3, v22;
	v22 =	vperm.xlane v18, v12  }
0x11f: {  	[tilespmem:s22], [sflag:$0x1] =	stream.indirect_vreg.gather [hbm4b:s5+s2], $0x80, v20, vm0, $0xb8;
	[tilespmem:$0x10588] =	vst v63  }
0x120: {  	s23 =	simm.s32 $0x3800;
	v20 =	vadd.s32 v3, v22;
	v22 =	vperm.xlane v18, v13  }
0x121: {  	[tilespmem:s23], [sflag:$0x1] =	stream.indirect_vreg.gather [hbm4b:s5+s2], $0x80, v21, vm0, $0xb8;
	[tilespmem:$0x10588] =	vst v63  }
0x122: {  	s22 =	simm.s32 $0x3880;
	v21 =	vadd.s32 v3, v22;
	v22 =	vperm.xlane v18, v14  }
0x123: {  	[tilespmem:s22], [sflag:$0x1] =	stream.indirect_vreg.gather [hbm4b:s5+s2], $0x80, v19, vm0, $0xb8;
	[tilespmem:$0x10588] =	vst v63  }
0x124: {  	s23 =	simm.s32 $0x3900;
	v19 =	vadd.s32 v3, v22;
	v22 =	vperm.xlane v18, v15  }
0x125: {  	[tilespmem:s23], [sflag:$0x1] =	stream.indirect_vreg.gather [hbm4b:s5+s2], $0x80, v20, vm0, $0xb8;
	[tilespmem:$0x10588] =	vst v63  }
0x126: {  	s22 =	simm.s32 $0x3980;
	v20 =	vadd.s32 v3, v22;
	v22 =	vperm.xlane v18, v16  }
0x127: {  	[tilespmem:s22], [sflag:$0x1] =	stream.indirect_vreg.gather [hbm4b:s5+s2], $0x80, v21, vm0, $0xb8;
	[tilespmem:$0x10588] =	vst v63  }
0x128: {  	v18 =	vperm.xlane v18, v17;
	s23 =	simm.s32 $0x3A00;
	v21 =	vadd.s32 v3, v22  }
0x129: {  	[tilespmem:s23], [sflag:$0x1] =	stream.indirect_vreg.gather [hbm4b:s5+s2], $0x80, v19, vm0, $0xb8;
	[tilespmem:$0x10588] =	vst v63  }
0x12a: {  	v18 =	vadd.s32 v3, v18;
	s22 =	simm.s32 $0x3A80  }
0x12b: {  	[tilespmem:s22], [sflag:$0x1] =	stream.indirect_vreg.gather [hbm4b:s5+s2], $0x80, v20, vm0, $0xb8;
	[tilespmem:$0x10588] =	vst v63  }
0x12c: {  	s23 =	simm.s32 $0x3B00  }
0x12d: {  	[tilespmem:s23], [sflag:$0x1] =	stream.indirect_vreg.gather [hbm4b:s5+s2], $0x80, v21, vm0, $0xb8;
	[tilespmem:$0x10588] =	vst v63  }
0x12e: {  	s22 =	simm.s32 $0x3B80  }
0x12f: {  	[tilespmem:s22], [sflag:$0x1] =	stream.indirect_vreg.gather [hbm4b:s5+s2], $0x80, v18, vm0, $0xb8;
	[tilespmem:$0x10588] =	vst v63  }
0x130: {  	v18 =	vld [tilespmem:$0x70];
	_ =	sdelay $0x4  }
0x131: {  	v19 =	vshll.u32 v18, $0x7  }
0x132: {  	v18 =	vand.u32 $0x7, v18;
	v19 =	vand.u32 $0xFFFFFC00, v19  }
0x133: {  	v18 =	vor.u32 v18, v19  }
0x134: {  	v19 =	vperm.xlane v18, v1;
	_ =	sdelay $0x1  }
0x135: {  	v20 =	vperm.xlane v18, v4;
	v19 =	vadd.s32 v3, v19;
	_ =	sdelay $0x1  }
0x136: {  	v21 =	vperm.xlane v18, v5;
	v20 =	vadd.s32 v3, v20;
	_ =	sdelay $0x1  }
0x137: {  	s23 =	simm.s32 $0x3C00;
	v22 =	vperm.xlane v18, v6;
	v21 =	vadd.s32 v3, v21  }
0x138: {  	[tilespmem:s23], [sflag:$0x1] =	stream.indirect_vreg.gather [hbm4b:s5+s2], $0x80, v19, vm0, $0xb8;
	[tilespmem:$0x10588] =	vst v63  }
0x139: {  	s22 =	simm.s32 $0x3C80;
	v19 =	vadd.s32 v3, v22;
	v22 =	vperm.xlane v18, v7  }
0x13a: {  	[tilespmem:s22], [sflag:$0x1] =	stream.indirect_vreg.gather [hbm4b:s5+s2], $0x80, v20, vm0, $0xb8;
	[tilespmem:$0x10588] =	vst v63  }
0x13b: {  	s23 =	simm.s32 $0x3D00;
	v20 =	vadd.s32 v3, v22;
	v22 =	vperm.xlane v18, v8  }
0x13c: {  	[tilespmem:s23], [sflag:$0x1] =	stream.indirect_vreg.gather [hbm4b:s5+s2], $0x80, v21, vm0, $0xb8;
	[tilespmem:$0x10588] =	vst v63  }
0x13d: {  	s22 =	simm.s32 $0x3D80;
	v21 =	vadd.s32 v3, v22;
	v22 =	vperm.xlane v18, v9  }
0x13e: {  	[tilespmem:s22], [sflag:$0x1] =	stream.indirect_vreg.gather [hbm4b:s5+s2], $0x80, v19, vm0, $0xb8;
	[tilespmem:$0x10588] =	vst v63  }
0x13f: {  	s23 =	simm.s32 $0x3E00;
	v19 =	vadd.s32 v3, v22;
	v22 =	vperm.xlane v18, v2  }
0x140: {  	[tilespmem:s23], [sflag:$0x1] =	stream.indirect_vreg.gather [hbm4b:s5+s2], $0x80, v20, vm0, $0xb8;
	[tilespmem:$0x10588] =	vst v63  }
0x141: {  	s22 =	simm.s32 $0x3E80;
	v20 =	vadd.s32 v3, v22;
	v22 =	vperm.xlane v18, v10  }
0x142: {  	[tilespmem:s22], [sflag:$0x1] =	stream.indirect_vreg.gather [hbm4b:s5+s2], $0x80, v21, vm0, $0xb8;
	[tilespmem:$0x10588] =	vst v63  }
0x143: {  	s23 =	simm.s32 $0x3F00;
	v21 =	vadd.s32 v3, v22;
	v22 =	vperm.xlane v18, v11  }
0x144: {  	[tilespmem:s23], [sflag:$0x1] =	stream.indirect_vreg.gather [hbm4b:s5+s2], $0x80, v19, vm0, $0xb8;
	[tilespmem:$0x10588] =	vst v63  }
0x145: {  	s22 =	simm.s32 $0x3F80;
	v19 =	vadd.s32 v3, v22;
	v22 =	vperm.xlane v18, v12  }
0x146: {  	[tilespmem:s22], [sflag:$0x1] =	stream.indirect_vreg.gather [hbm4b:s5+s2], $0x80, v20, vm0, $0xb8;
	[tilespmem:$0x10588] =	vst v63  }
0x147: {  	s23 =	simm.s32 $0x4000;
	v20 =	vadd.s32 v3, v22;
	v22 =	vperm.xlane v18, v13  }
0x148: {  	[tilespmem:s23], [sflag:$0x1] =	stream.indirect_vreg.gather [hbm4b:s5+s2], $0x80, v21, vm0, $0xb8;
	[tilespmem:$0x10588] =	vst v63  }
0x149: {  	s22 =	simm.s32 $0x4080;
	v21 =	vadd.s32 v3, v22;
	v22 =	vperm.xlane v18, v14  }
0x14a: {  	[tilespmem:s22], [sflag:$0x1] =	stream.indirect_vreg.gather [hbm4b:s5+s2], $0x80, v19, vm0, $0xb8;
	[tilespmem:$0x10588] =	vst v63  }
0x14b: {  	s23 =	simm.s32 $0x4100;
	v19 =	vadd.s32 v3, v22;
	v22 =	vperm.xlane v18, v15  }
0x14c: {  	[tilespmem:s23], [sflag:$0x1] =	stream.indirect_vreg.gather [hbm4b:s5+s2], $0x80, v20, vm0, $0xb8;
	[tilespmem:$0x10588] =	vst v63  }
0x14d: {  	s22 =	simm.s32 $0x4180;
	v20 =	vadd.s32 v3, v22;
	v22 =	vperm.xlane v18, v16  }
0x14e: {  	[tilespmem:s22], [sflag:$0x1] =	stream.indirect_vreg.gather [hbm4b:s5+s2], $0x80, v21, vm0, $0xb8;
	[tilespmem:$0x10588] =	vst v63  }
0x14f: {  	v18 =	vperm.xlane v18, v17;
	s23 =	simm.s32 $0x4200;
	v21 =	vadd.s32 v3, v22  }
0x150: {  	[tilespmem:s23], [sflag:$0x1] =	stream.indirect_vreg.gather [hbm4b:s5+s2], $0x80, v19, vm0, $0xb8;
	[tilespmem:$0x10588] =	vst v63  }
0x151: {  	v18 =	vadd.s32 v3, v18;
	s22 =	simm.s32 $0x4280  }
0x152: {  	[tilespmem:s22], [sflag:$0x1] =	stream.indirect_vreg.gather [hbm4b:s5+s2], $0x80, v20, vm0, $0xb8;
	[tilespmem:$0x10588] =	vst v63  }
0x153: {  	s23 =	simm.s32 $0x4300  }
0x154: {  	[tilespmem:s23], [sflag:$0x1] =	stream.indirect_vreg.gather [hbm4b:s5+s2], $0x80, v21, vm0, $0xb8;
	[tilespmem:$0x10588] =	vst v63  }
0x155: {  	s22 =	simm.s32 $0x4380  }
0x156: {  	[tilespmem:s22], [sflag:$0x1] =	stream.indirect_vreg.gather [hbm4b:s5+s2], $0x80, v18, vm0, $0xb8;
	[tilespmem:$0x10588] =	vst v63  }
0x157: {  	v18 =	vld [tilespmem:$0x80];
	_ =	sdelay $0x4  }
0x158: {  	v19 =	vshll.u32 v18, $0x7  }
0x159: {  	v18 =	vand.u32 $0x7, v18;
	v19 =	vand.u32 $0xFFFFFC00, v19  }
0x15a: {  	v18 =	vor.u32 v18, v19  }
0x15b: {  	v19 =	vperm.xlane v18, v1;
	_ =	sdelay $0x1  }
0x15c: {  	v20 =	vperm.xlane v18, v4;
	v19 =	vadd.s32 v3, v19;
	_ =	sdelay $0x1  }
0x15d: {  	v21 =	vperm.xlane v18, v5;
	v20 =	vadd.s32 v3, v20;
	_ =	sdelay $0x1  }
0x15e: {  	v22 =	vperm.xlane v18, v6;
	v21 =	vadd.s32 v3, v21  }
0x15f: {  	[tilespmem:s15], [sflag:$0x1] =	stream.indirect_vreg.gather [hbm4b:s6+s2], $0x80, v19, vm0, $0xb8;
	[tilespmem:$0x10588] =	vst v63  }
0x160: {  	s23 =	simm.s32 $0x4480;
	v19 =	vadd.s32 v3, v22;
	v22 =	vperm.xlane v18, v7  }
0x161: {  	[tilespmem:s23], [sflag:$0x1] =	stream.indirect_vreg.gather [hbm4b:s6+s2], $0x80, v20, vm0, $0xb8;
	[tilespmem:$0x10588] =	vst v63  }
0x162: {  	s22 =	simm.s32 $0x4500;
	v20 =	vadd.s32 v3, v22;
	v22 =	vperm.xlane v18, v8  }
0x163: {  	[tilespmem:s22], [sflag:$0x1] =	stream.indirect_vreg.gather [hbm4b:s6+s2], $0x80, v21, vm0, $0xb8;
	[tilespmem:$0x10588] =	vst v63  }
0x164: {  	s23 =	simm.s32 $0x4580;
	v21 =	vadd.s32 v3, v22;
	v22 =	vperm.xlane v18, v9  }
0x165: {  	[tilespmem:s23], [sflag:$0x1] =	stream.indirect_vreg.gather [hbm4b:s6+s2], $0x80, v19, vm0, $0xb8;
	[tilespmem:$0x10588] =	vst v63  }
0x166: {  	s22 =	simm.s32 $0x4600;
	v19 =	vadd.s32 v3, v22;
	v22 =	vperm.xlane v18, v2  }
0x167: {  	[tilespmem:s22], [sflag:$0x1] =	stream.indirect_vreg.gather [hbm4b:s6+s2], $0x80, v20, vm0, $0xb8;
	[tilespmem:$0x10588] =	vst v63  }
0x168: {  	s23 =	simm.s32 $0x4680;
	v20 =	vadd.s32 v3, v22;
	v22 =	vperm.xlane v18, v10  }
0x169: {  	[tilespmem:s23], [sflag:$0x1] =	stream.indirect_vreg.gather [hbm4b:s6+s2], $0x80, v21, vm0, $0xb8;
	[tilespmem:$0x10588] =	vst v63  }
0x16a: {  	s22 =	simm.s32 $0x4700;
	v21 =	vadd.s32 v3, v22;
	v22 =	vperm.xlane v18, v11  }
0x16b: {  	[tilespmem:s22], [sflag:$0x1] =	stream.indirect_vreg.gather [hbm4b:s6+s2], $0x80, v19, vm0, $0xb8;
	[tilespmem:$0x10588] =	vst v63  }
0x16c: {  	s23 =	simm.s32 $0x4780;
	v19 =	vadd.s32 v3, v22;
	v22 =	vperm.xlane v18, v12  }
0x16d: {  	[tilespmem:s23], [sflag:$0x1] =	stream.indirect_vreg.gather [hbm4b:s6+s2], $0x80, v20, vm0, $0xb8;
	[tilespmem:$0x10588] =	vst v63  }
0x16e: {  	s22 =	simm.s32 $0x4800;
	v20 =	vadd.s32 v3, v22;
	v22 =	vperm.xlane v18, v13  }
0x16f: {  	[tilespmem:s22], [sflag:$0x1] =	stream.indirect_vreg.gather [hbm4b:s6+s2], $0x80, v21, vm0, $0xb8;
	[tilespmem:$0x10588] =	vst v63  }
0x170: {  	s23 =	simm.s32 $0x4880;
	v21 =	vadd.s32 v3, v22;
	v22 =	vperm.xlane v18, v14  }
0x171: {  	[tilespmem:s23], [sflag:$0x1] =	stream.indirect_vreg.gather [hbm4b:s6+s2], $0x80, v19, vm0, $0xb8;
	[tilespmem:$0x10588] =	vst v63  }
0x172: {  	s22 =	simm.s32 $0x4900;
	v19 =	vadd.s32 v3, v22;
	v22 =	vperm.xlane v18, v15  }
0x173: {  	[tilespmem:s22], [sflag:$0x1] =	stream.indirect_vreg.gather [hbm4b:s6+s2], $0x80, v20, vm0, $0xb8;
	[tilespmem:$0x10588] =	vst v63  }
0x174: {  	s23 =	simm.s32 $0x4980;
	v20 =	vadd.s32 v3, v22;
	v22 =	vperm.xlane v18, v16  }
0x175: {  	[tilespmem:s23], [sflag:$0x1] =	stream.indirect_vreg.gather [hbm4b:s6+s2], $0x80, v21, vm0, $0xb8;
	[tilespmem:$0x10588] =	vst v63  }
0x176: {  	v18 =	vperm.xlane v18, v17;
	s22 =	simm.s32 $0x4A00;
	v21 =	vadd.s32 v3, v22  }
0x177: {  	[tilespmem:s22], [sflag:$0x1] =	stream.indirect_vreg.gather [hbm4b:s6+s2], $0x80, v19, vm0, $0xb8;
	[tilespmem:$0x10588] =	vst v63  }
0x178: {  	v18 =	vadd.s32 v3, v18;
	s23 =	simm.s32 $0x4A80  }
0x179: {  	[tilespmem:s23], [sflag:$0x1] =	stream.indirect_vreg.gather [hbm4b:s6+s2], $0x80, v20, vm0, $0xb8;
	[tilespmem:$0x10588] =	vst v63  }
0x17a: {  	s22 =	simm.s32 $0x4B00  }
0x17b: {  	[tilespmem:s22], [sflag:$0x1] =	stream.indirect_vreg.gather [hbm4b:s6+s2], $0x80, v21, vm0, $0xb8;
	[tilespmem:$0x10588] =	vst v63  }
0x17c: {  	s23 =	simm.s32 $0x4B80  }
0x17d: {  	[tilespmem:s23], [sflag:$0x1] =	stream.indirect_vreg.gather [hbm4b:s6+s2], $0x80, v18, vm0, $0xb8;
	[tilespmem:$0x10588] =	vst v63  }
0x17e: {  	v18 =	vld [tilespmem:$0x90];
	_ =	sdelay $0x4  }
0x17f: {  	v19 =	vshll.u32 v18, $0x7  }
0x180: {  	v18 =	vand.u32 $0x7, v18;
	v19 =	vand.u32 $0xFFFFFC00, v19  }
0x181: {  	v18 =	vor.u32 v18, v19  }
0x182: {  	v19 =	vperm.xlane v18, v1;
	_ =	sdelay $0x1  }
0x183: {  	v20 =	vperm.xlane v18, v4;
	v19 =	vadd.s32 v3, v19;
	_ =	sdelay $0x1  }
0x184: {  	v21 =	vperm.xlane v18, v5;
	v20 =	vadd.s32 v3, v20;
	_ =	sdelay $0x1  }
0x185: {  	s22 =	simm.s32 $0x4C00;
	v22 =	vperm.xlane v18, v6;
	v21 =	vadd.s32 v3, v21  }
0x186: {  	[tilespmem:s22], [sflag:$0x1] =	stream.indirect_vreg.gather [hbm4b:s6+s2], $0x80, v19, vm0, $0xb8;
	[tilespmem:$0x10588] =	vst v63  }
0x187: {  	s23 =	simm.s32 $0x4C80;
	v19 =	vadd.s32 v3, v22;
	v22 =	vperm.xlane v18, v7  }
0x188: {  	[tilespmem:s23], [sflag:$0x1] =	stream.indirect_vreg.gather [hbm4b:s6+s2], $0x80, v20, vm0, $0xb8;
	[tilespmem:$0x10588] =	vst v63  }
0x189: {  	s22 =	simm.s32 $0x4D00;
	v20 =	vadd.s32 v3, v22;
	v22 =	vperm.xlane v18, v8  }
0x18a: {  	[tilespmem:s22], [sflag:$0x1] =	stream.indirect_vreg.gather [hbm4b:s6+s2], $0x80, v21, vm0, $0xb8;
	[tilespmem:$0x10588] =	vst v63  }
0x18b: {  	s23 =	simm.s32 $0x4D80;
	v21 =	vadd.s32 v3, v22;
	v22 =	vperm.xlane v18, v9  }
0x18c: {  	[tilespmem:s23], [sflag:$0x1] =	stream.indirect_vreg.gather [hbm4b:s6+s2], $0x80, v19, vm0, $0xb8;
	[tilespmem:$0x10588] =	vst v63  }
0x18d: {  	s22 =	simm.s32 $0x4E00;
	v19 =	vadd.s32 v3, v22;
	v22 =	vperm.xlane v18, v2  }
0x18e: {  	[tilespmem:s22], [sflag:$0x1] =	stream.indirect_vreg.gather [hbm4b:s6+s2], $0x80, v20, vm0, $0xb8;
	[tilespmem:$0x10588] =	vst v63  }
0x18f: {  	s23 =	simm.s32 $0x4E80;
	v20 =	vadd.s32 v3, v22;
	v22 =	vperm.xlane v18, v10  }
0x190: {  	[tilespmem:s23], [sflag:$0x1] =	stream.indirect_vreg.gather [hbm4b:s6+s2], $0x80, v21, vm0, $0xb8;
	[tilespmem:$0x10588] =	vst v63  }
0x191: {  	s22 =	simm.s32 $0x4F00;
	v21 =	vadd.s32 v3, v22;
	v22 =	vperm.xlane v18, v11  }
0x192: {  	[tilespmem:s22], [sflag:$0x1] =	stream.indirect_vreg.gather [hbm4b:s6+s2], $0x80, v19, vm0, $0xb8;
	[tilespmem:$0x10588] =	vst v63  }
0x193: {  	s23 =	simm.s32 $0x4F80;
	v19 =	vadd.s32 v3, v22;
	v22 =	vperm.xlane v18, v12  }
0x194: {  	[tilespmem:s23], [sflag:$0x1] =	stream.indirect_vreg.gather [hbm4b:s6+s2], $0x80, v20, vm0, $0xb8;
	[tilespmem:$0x10588] =	vst v63  }
0x195: {  	s22 =	simm.s32 $0x5000;
	v20 =	vadd.s32 v3, v22;
	v22 =	vperm.xlane v18, v13  }
0x196: {  	[tilespmem:s22], [sflag:$0x1] =	stream.indirect_vreg.gather [hbm4b:s6+s2], $0x80, v21, vm0, $0xb8;
	[tilespmem:$0x10588] =	vst v63  }
0x197: {  	s23 =	simm.s32 $0x5080;
	v21 =	vadd.s32 v3, v22;
	v22 =	vperm.xlane v18, v14  }
0x198: {  	[tilespmem:s23], [sflag:$0x1] =	stream.indirect_vreg.gather [hbm4b:s6+s2], $0x80, v19, vm0, $0xb8;
	[tilespmem:$0x10588] =	vst v63  }
0x199: {  	s22 =	simm.s32 $0x5100;
	v19 =	vadd.s32 v3, v22;
	v22 =	vperm.xlane v18, v15  }
0x19a: {  	[tilespmem:s22], [sflag:$0x1] =	stream.indirect_vreg.gather [hbm4b:s6+s2], $0x80, v20, vm0, $0xb8;
	[tilespmem:$0x10588] =	vst v63  }
0x19b: {  	s23 =	simm.s32 $0x5180;
	v20 =	vadd.s32 v3, v22;
	v22 =	vperm.xlane v18, v16  }
0x19c: {  	[tilespmem:s23], [sflag:$0x1] =	stream.indirect_vreg.gather [hbm4b:s6+s2], $0x80, v21, vm0, $0xb8;
	[tilespmem:$0x10588] =	vst v63  }
0x19d: {  	v18 =	vperm.xlane v18, v17;
	s22 =	simm.s32 $0x5200;
	v21 =	vadd.s32 v3, v22  }
0x19e: {  	[tilespmem:s22], [sflag:$0x1] =	stream.indirect_vreg.gather [hbm4b:s6+s2], $0x80, v19, vm0, $0xb8;
	[tilespmem:$0x10588] =	vst v63  }
0x19f: {  	v18 =	vadd.s32 v3, v18;
	s23 =	simm.s32 $0x5280  }
0x1a0: {  	[tilespmem:s23], [sflag:$0x1] =	stream.indirect_vreg.gather [hbm4b:s6+s2], $0x80, v20, vm0, $0xb8;
	[tilespmem:$0x10588] =	vst v63  }
0x1a1: {  	s22 =	simm.s32 $0x5300  }
0x1a2: {  	[tilespmem:s22], [sflag:$0x1] =	stream.indirect_vreg.gather [hbm4b:s6+s2], $0x80, v21, vm0, $0xb8;
	[tilespmem:$0x10588] =	vst v63  }
0x1a3: {  	s23 =	simm.s32 $0x5380  }
0x1a4: {  	[tilespmem:s23], [sflag:$0x1] =	stream.indirect_vreg.gather [hbm4b:s6+s2], $0x80, v18, vm0, $0xb8;
	[tilespmem:$0x10588] =	vst v63  }
0x1a5: {  	v18 =	vld [tilespmem:$0xA0];
	_ =	sdelay $0x4  }
0x1a6: {  	v19 =	vshll.u32 v18, $0x7  }
0x1a7: {  	v18 =	vand.u32 $0x7, v18;
	v19 =	vand.u32 $0xFFFFFC00, v19  }
0x1a8: {  	v18 =	vor.u32 v18, v19  }
0x1a9: {  	v19 =	vperm.xlane v18, v1;
	_ =	sdelay $0x1  }
0x1aa: {  	v20 =	vperm.xlane v18, v4;
	v19 =	vadd.s32 v3, v19;
	_ =	sdelay $0x1  }
0x1ab: {  	v21 =	vperm.xlane v18, v5;
	v20 =	vadd.s32 v3, v20;
	_ =	sdelay $0x1  }
0x1ac: {  	s22 =	simm.s32 $0x5400;
	v22 =	vperm.xlane v18, v6;
	v21 =	vadd.s32 v3, v21  }
0x1ad: {  	[tilespmem:s22], [sflag:$0x1] =	stream.indirect_vreg.gather [hbm4b:s6+s2], $0x80, v19, vm0, $0xb8;
	[tilespmem:$0x10588] =	vst v63  }
0x1ae: {  	s23 =	simm.s32 $0x5480;
	v19 =	vadd.s32 v3, v22;
	v22 =	vperm.xlane v18, v7  }
0x1af: {  	[tilespmem:s23], [sflag:$0x1] =	stream.indirect_vreg.gather [hbm4b:s6+s2], $0x80, v20, vm0, $0xb8;
	[tilespmem:$0x10588] =	vst v63  }
0x1b0: {  	s22 =	simm.s32 $0x5500;
	v20 =	vadd.s32 v3, v22;
	v22 =	vperm.xlane v18, v8  }
0x1b1: {  	[tilespmem:s22], [sflag:$0x1] =	stream.indirect_vreg.gather [hbm4b:s6+s2], $0x80, v21, vm0, $0xb8;
	[tilespmem:$0x10588] =	vst v63  }
0x1b2: {  	s23 =	simm.s32 $0x5580;
	v21 =	vadd.s32 v3, v22;
	v22 =	vperm.xlane v18, v9  }
0x1b3: {  	[tilespmem:s23], [sflag:$0x1] =	stream.indirect_vreg.gather [hbm4b:s6+s2], $0x80, v19, vm0, $0xb8;
	[tilespmem:$0x10588] =	vst v63  }
0x1b4: {  	s22 =	simm.s32 $0x5600;
	v19 =	vadd.s32 v3, v22;
	v22 =	vperm.xlane v18, v2  }
0x1b5: {  	[tilespmem:s22], [sflag:$0x1] =	stream.indirect_vreg.gather [hbm4b:s6+s2], $0x80, v20, vm0, $0xb8;
	[tilespmem:$0x10588] =	vst v63  }
0x1b6: {  	s23 =	simm.s32 $0x5680;
	v20 =	vadd.s32 v3, v22;
	v22 =	vperm.xlane v18, v10  }
0x1b7: {  	[tilespmem:s23], [sflag:$0x1] =	stream.indirect_vreg.gather [hbm4b:s6+s2], $0x80, v21, vm0, $0xb8;
	[tilespmem:$0x10588] =	vst v63  }
0x1b8: {  	s22 =	simm.s32 $0x5700;
	v21 =	vadd.s32 v3, v22;
	v22 =	vperm.xlane v18, v11  }
0x1b9: {  	[tilespmem:s22], [sflag:$0x1] =	stream.indirect_vreg.gather [hbm4b:s6+s2], $0x80, v19, vm0, $0xb8;
	[tilespmem:$0x10588] =	vst v63  }
0x1ba: {  	s23 =	simm.s32 $0x5780;
	v19 =	vadd.s32 v3, v22;
	v22 =	vperm.xlane v18, v12  }
0x1bb: {  	[tilespmem:s23], [sflag:$0x1] =	stream.indirect_vreg.gather [hbm4b:s6+s2], $0x80, v20, vm0, $0xb8;
	[tilespmem:$0x10588] =	vst v63  }
0x1bc: {  	s22 =	simm.s32 $0x5800;
	v20 =	vadd.s32 v3, v22;
	v22 =	vperm.xlane v18, v13  }
0x1bd: {  	[tilespmem:s22], [sflag:$0x1] =	stream.indirect_vreg.gather [hbm4b:s6+s2], $0x80, v21, vm0, $0xb8;
	[tilespmem:$0x10588] =	vst v63  }
0x1be: {  	s23 =	simm.s32 $0x5880;
	v21 =	vadd.s32 v3, v22;
	v22 =	vperm.xlane v18, v14  }
0x1bf: {  	[tilespmem:s23], [sflag:$0x1] =	stream.indirect_vreg.gather [hbm4b:s6+s2], $0x80, v19, vm0, $0xb8;
	[tilespmem:$0x10588] =	vst v63  }
0x1c0: {  	s22 =	simm.s32 $0x5900;
	v19 =	vadd.s32 v3, v22;
	v22 =	vperm.xlane v18, v15  }
0x1c1: {  	[tilespmem:s22], [sflag:$0x1] =	stream.indirect_vreg.gather [hbm4b:s6+s2], $0x80, v20, vm0, $0xb8;
	[tilespmem:$0x10588] =	vst v63  }
0x1c2: {  	s23 =	simm.s32 $0x5980;
	v20 =	vadd.s32 v3, v22;
	v22 =	vperm.xlane v18, v16  }
0x1c3: {  	[tilespmem:s23], [sflag:$0x1] =	stream.indirect_vreg.gather [hbm4b:s6+s2], $0x80, v21, vm0, $0xb8;
	[tilespmem:$0x10588] =	vst v63  }
0x1c4: {  	v18 =	vperm.xlane v18, v17;
	s22 =	simm.s32 $0x5A00;
	v21 =	vadd.s32 v3, v22  }
0x1c5: {  	[tilespmem:s22], [sflag:$0x1] =	stream.indirect_vreg.gather [hbm4b:s6+s2], $0x80, v19, vm0, $0xb8;
	[tilespmem:$0x10588] =	vst v63  }
0x1c6: {  	v18 =	vadd.s32 v3, v18;
	s23 =	simm.s32 $0x5A80  }
0x1c7: {  	[tilespmem:s23], [sflag:$0x1] =	stream.indirect_vreg.gather [hbm4b:s6+s2], $0x80, v20, vm0, $0xb8;
	[tilespmem:$0x10588] =	vst v63  }
0x1c8: {  	s22 =	simm.s32 $0x5B00  }
0x1c9: {  	[tilespmem:s22], [sflag:$0x1] =	stream.indirect_vreg.gather [hbm4b:s6+s2], $0x80, v21, vm0, $0xb8;
	[tilespmem:$0x10588] =	vst v63  }
0x1ca: {  	s23 =	simm.s32 $0x5B80  }
0x1cb: {  	[tilespmem:s23], [sflag:$0x1] =	stream.indirect_vreg.gather [hbm4b:s6+s2], $0x80, v18, vm0, $0xb8;
	[tilespmem:$0x10588] =	vst v63  }
0x1cc: {  	v18 =	vld [tilespmem:$0xB0];
	_ =	sdelay $0x4  }
0x1cd: {  	v19 =	vshll.u32 v18, $0x7  }
0x1ce: {  	v18 =	vand.u32 $0x7, v18;
	v19 =	vand.u32 $0xFFFFFC00, v19  }
0x1cf: {  	v18 =	vor.u32 v18, v19  }
0x1d0: {  	v19 =	vperm.xlane v18, v1;
	_ =	sdelay $0x1  }
0x1d1: {  	v20 =	vperm.xlane v18, v4;
	v19 =	vadd.s32 v3, v19;
	_ =	sdelay $0x1  }
0x1d2: {  	v21 =	vperm.xlane v18, v5;
	v20 =	vadd.s32 v3, v20;
	_ =	sdelay $0x1  }
0x1d3: {  	s22 =	simm.s32 $0x5C00;
	v22 =	vperm.xlane v18, v6;
	v21 =	vadd.s32 v3, v21  }
0x1d4: {  	[tilespmem:s22], [sflag:$0x1] =	stream.indirect_vreg.gather [hbm4b:s6+s2], $0x80, v19, vm0, $0xb8;
	[tilespmem:$0x10588] =	vst v63  }
0x1d5: {  	s23 =	simm.s32 $0x5C80;
	v19 =	vadd.s32 v3, v22;
	v22 =	vperm.xlane v18, v7  }
0x1d6: {  	[tilespmem:s23], [sflag:$0x1] =	stream.indirect_vreg.gather [hbm4b:s6+s2], $0x80, v20, vm0, $0xb8;
	[tilespmem:$0x10588] =	vst v63  }
0x1d7: {  	s22 =	simm.s32 $0x5D00;
	v20 =	vadd.s32 v3, v22;
	v22 =	vperm.xlane v18, v8  }
0x1d8: {  	[tilespmem:s22], [sflag:$0x1] =	stream.indirect_vreg.gather [hbm4b:s6+s2], $0x80, v21, vm0, $0xb8;
	[tilespmem:$0x10588] =	vst v63  }
0x1d9: {  	s23 =	simm.s32 $0x5D80;
	v21 =	vadd.s32 v3, v22;
	v22 =	vperm.xlane v18, v9  }
0x1da: {  	[tilespmem:s23], [sflag:$0x1] =	stream.indirect_vreg.gather [hbm4b:s6+s2], $0x80, v19, vm0, $0xb8;
	[tilespmem:$0x10588] =	vst v63  }
0x1db: {  	s22 =	simm.s32 $0x5E00;
	v19 =	vadd.s32 v3, v22;
	v22 =	vperm.xlane v18, v2  }
0x1dc: {  	[tilespmem:s22], [sflag:$0x1] =	stream.indirect_vreg.gather [hbm4b:s6+s2], $0x80, v20, vm0, $0xb8;
	[tilespmem:$0x10588] =	vst v63  }
0x1dd: {  	s23 =	simm.s32 $0x5E80;
	v20 =	vadd.s32 v3, v22;
	v22 =	vperm.xlane v18, v10  }
0x1de: {  	[tilespmem:s23], [sflag:$0x1] =	stream.indirect_vreg.gather [hbm4b:s6+s2], $0x80, v21, vm0, $0xb8;
	[tilespmem:$0x10588] =	vst v63  }
0x1df: {  	s22 =	simm.s32 $0x5F00;
	v21 =	vadd.s32 v3, v22;
	v22 =	vperm.xlane v18, v11  }
0x1e0: {  	[tilespmem:s22], [sflag:$0x1] =	stream.indirect_vreg.gather [hbm4b:s6+s2], $0x80, v19, vm0, $0xb8;
	[tilespmem:$0x10588] =	vst v63  }
0x1e1: {  	s23 =	simm.s32 $0x5F80;
	v19 =	vadd.s32 v3, v22;
	v22 =	vperm.xlane v18, v12  }
0x1e2: {  	[tilespmem:s23], [sflag:$0x1] =	stream.indirect_vreg.gather [hbm4b:s6+s2], $0x80, v20, vm0, $0xb8;
	[tilespmem:$0x10588] =	vst v63  }
0x1e3: {  	s22 =	simm.s32 $0x6000;
	v20 =	vadd.s32 v3, v22;
	v22 =	vperm.xlane v18, v13  }
0x1e4: {  	[tilespmem:s22], [sflag:$0x1] =	stream.indirect_vreg.gather [hbm4b:s6+s2], $0x80, v21, vm0, $0xb8;
	[tilespmem:$0x10588] =	vst v63  }
0x1e5: {  	s23 =	simm.s32 $0x6080;
	v21 =	vadd.s32 v3, v22;
	v22 =	vperm.xlane v18, v14  }
0x1e6: {  	[tilespmem:s23], [sflag:$0x1] =	stream.indirect_vreg.gather [hbm4b:s6+s2], $0x80, v19, vm0, $0xb8;
	[tilespmem:$0x10588] =	vst v63  }
0x1e7: {  	s22 =	simm.s32 $0x6100;
	v19 =	vadd.s32 v3, v22;
	v22 =	vperm.xlane v18, v15  }
0x1e8: {  	[tilespmem:s22], [sflag:$0x1] =	stream.indirect_vreg.gather [hbm4b:s6+s2], $0x80, v20, vm0, $0xb8;
	[tilespmem:$0x10588] =	vst v63  }
0x1e9: {  	s23 =	simm.s32 $0x6180;
	v20 =	vadd.s32 v3, v22;
	v22 =	vperm.xlane v18, v16  }
0x1ea: {  	[tilespmem:s23], [sflag:$0x1] =	stream.indirect_vreg.gather [hbm4b:s6+s2], $0x80, v21, vm0, $0xb8;
	[tilespmem:$0x10588] =	vst v63  }
0x1eb: {  	v18 =	vperm.xlane v18, v17;
	s22 =	simm.s32 $0x6200;
	v21 =	vadd.s32 v3, v22  }
0x1ec: {  	[tilespmem:s22], [sflag:$0x1] =	stream.indirect_vreg.gather [hbm4b:s6+s2], $0x80, v19, vm0, $0xb8;
	[tilespmem:$0x10588] =	vst v63  }
0x1ed: {  	v18 =	vadd.s32 v3, v18;
	s23 =	simm.s32 $0x6280  }
0x1ee: {  	[tilespmem:s23], [sflag:$0x1] =	stream.indirect_vreg.gather [hbm4b:s6+s2], $0x80, v20, vm0, $0xb8;
	[tilespmem:$0x10588] =	vst v63  }
0x1ef: {  	s22 =	simm.s32 $0x6300  }
0x1f0: {  	[tilespmem:s22], [sflag:$0x1] =	stream.indirect_vreg.gather [hbm4b:s6+s2], $0x80, v21, vm0, $0xb8;
	[tilespmem:$0x10588] =	vst v63  }
0x1f1: {  	s23 =	simm.s32 $0x6380  }
0x1f2: {  	[tilespmem:s23], [sflag:$0x1] =	stream.indirect_vreg.gather [hbm4b:s6+s2], $0x80, v18, vm0, $0xb8;
	[tilespmem:$0x10588] =	vst v63  }
0x1f3: {  	v18 =	vld [tilespmem:$0xC0];
	_ =	sdelay $0x4  }
0x1f4: {  	v19 =	vshll.u32 v18, $0x7  }
0x1f5: {  	v18 =	vand.u32 $0x7, v18;
	v19 =	vand.u32 $0xFFFFFC00, v19  }
0x1f6: {  	v18 =	vor.u32 v18, v19  }
0x1f7: {  	v19 =	vperm.xlane v18, v1;
	_ =	sdelay $0x1  }
0x1f8: {  	v20 =	vperm.xlane v18, v4;
	v19 =	vadd.s32 v3, v19;
	_ =	sdelay $0x1  }
0x1f9: {  	v21 =	vperm.xlane v18, v5;
	v20 =	vadd.s32 v3, v20;
	_ =	sdelay $0x1  }
0x1fa: {  	s22 =	simm.s32 $0x6400;
	v22 =	vperm.xlane v18, v6;
	v21 =	vadd.s32 v3, v21  }
0x1fb: {  	[tilespmem:s22], [sflag:$0x1] =	stream.indirect_vreg.gather [hbm4b:s6+s2], $0x80, v19, vm0, $0xb8;
	[tilespmem:$0x10588] =	vst v63  }
0x1fc: {  	s23 =	simm.s32 $0x6480;
	v19 =	vadd.s32 v3, v22;
	v22 =	vperm.xlane v18, v7  }
0x1fd: {  	[tilespmem:s23], [sflag:$0x1] =	stream.indirect_vreg.gather [hbm4b:s6+s2], $0x80, v20, vm0, $0xb8;
	[tilespmem:$0x10588] =	vst v63  }
0x1fe: {  	s22 =	simm.s32 $0x6500;
	v20 =	vadd.s32 v3, v22;
	v22 =	vperm.xlane v18, v8  }
0x1ff: {  	[tilespmem:s22], [sflag:$0x1] =	stream.indirect_vreg.gather [hbm4b:s6+s2], $0x80, v21, vm0, $0xb8;
	[tilespmem:$0x10588] =	vst v63  }
0x200: {  	s23 =	simm.s32 $0x6580;
	v21 =	vadd.s32 v3, v22;
	v22 =	vperm.xlane v18, v9  }
0x201: {  	[tilespmem:s23], [sflag:$0x1] =	stream.indirect_vreg.gather [hbm4b:s6+s2], $0x80, v19, vm0, $0xb8;
	[tilespmem:$0x10588] =	vst v63  }
0x202: {  	s22 =	simm.s32 $0x6600;
	v19 =	vadd.s32 v3, v22;
	v22 =	vperm.xlane v18, v2  }
0x203: {  	[tilespmem:s22], [sflag:$0x1] =	stream.indirect_vreg.gather [hbm4b:s6+s2], $0x80, v20, vm0, $0xb8;
	[tilespmem:$0x10588] =	vst v63  }
0x204: {  	s23 =	simm.s32 $0x6680;
	v20 =	vadd.s32 v3, v22;
	v22 =	vperm.xlane v18, v10  }
0x205: {  	[tilespmem:s23], [sflag:$0x1] =	stream.indirect_vreg.gather [hbm4b:s6+s2], $0x80, v21, vm0, $0xb8;
	[tilespmem:$0x10588] =	vst v63  }
0x206: {  	s22 =	simm.s32 $0x6700;
	v21 =	vadd.s32 v3, v22;
	v22 =	vperm.xlane v18, v11  }
0x207: {  	[tilespmem:s22], [sflag:$0x1] =	stream.indirect_vreg.gather [hbm4b:s6+s2], $0x80, v19, vm0, $0xb8;
	[tilespmem:$0x10588] =	vst v63  }
0x208: {  	s23 =	simm.s32 $0x6780;
	v19 =	vadd.s32 v3, v22;
	v22 =	vperm.xlane v18, v12  }
0x209: {  	[tilespmem:s23], [sflag:$0x1] =	stream.indirect_vreg.gather [hbm4b:s6+s2], $0x80, v20, vm0, $0xb8;
	[tilespmem:$0x10588] =	vst v63  }
0x20a: {  	s22 =	simm.s32 $0x6800;
	v20 =	vadd.s32 v3, v22;
	v22 =	vperm.xlane v18, v13  }
0x20b: {  	[tilespmem:s22], [sflag:$0x1] =	stream.indirect_vreg.gather [hbm4b:s6+s2], $0x80, v21, vm0, $0xb8;
	[tilespmem:$0x10588] =	vst v63  }
0x20c: {  	s23 =	simm.s32 $0x6880;
	v21 =	vadd.s32 v3, v22;
	v22 =	vperm.xlane v18, v14  }
0x20d: {  	[tilespmem:s23], [sflag:$0x1] =	stream.indirect_vreg.gather [hbm4b:s6+s2], $0x80, v19, vm0, $0xb8;
	[tilespmem:$0x10588] =	vst v63  }
0x20e: {  	s22 =	simm.s32 $0x6900;
	v19 =	vadd.s32 v3, v22;
	v22 =	vperm.xlane v18, v15  }
0x20f: {  	[tilespmem:s22], [sflag:$0x1] =	stream.indirect_vreg.gather [hbm4b:s6+s2], $0x80, v20, vm0, $0xb8;
	[tilespmem:$0x10588] =	vst v63  }
0x210: {  	s23 =	simm.s32 $0x6980;
	v20 =	vadd.s32 v3, v22;
	v22 =	vperm.xlane v18, v16  }
0x211: {  	[tilespmem:s23], [sflag:$0x1] =	stream.indirect_vreg.gather [hbm4b:s6+s2], $0x80, v21, vm0, $0xb8;
	[tilespmem:$0x10588] =	vst v63  }
0x212: {  	v18 =	vperm.xlane v18, v17;
	s22 =	simm.s32 $0x6A00;
	v21 =	vadd.s32 v3, v22  }
0x213: {  	[tilespmem:s22], [sflag:$0x1] =	stream.indirect_vreg.gather [hbm4b:s6+s2], $0x80, v19, vm0, $0xb8;
	[tilespmem:$0x10588] =	vst v63  }
0x214: {  	v18 =	vadd.s32 v3, v18;
	s23 =	simm.s32 $0x6A80  }
0x215: {  	[tilespmem:s23], [sflag:$0x1] =	stream.indirect_vreg.gather [hbm4b:s6+s2], $0x80, v20, vm0, $0xb8;
	[tilespmem:$0x10588] =	vst v63  }
0x216: {  	s22 =	simm.s32 $0x6B00  }
0x217: {  	[tilespmem:s22], [sflag:$0x1] =	stream.indirect_vreg.gather [hbm4b:s6+s2], $0x80, v21, vm0, $0xb8;
	[tilespmem:$0x10588] =	vst v63  }
0x218: {  	s23 =	simm.s32 $0x6B80  }
0x219: {  	[tilespmem:s23], [sflag:$0x1] =	stream.indirect_vreg.gather [hbm4b:s6+s2], $0x80, v18, vm0, $0xb8;
	[tilespmem:$0x10588] =	vst v63  }
0x21a: {  	v18 =	vld [tilespmem:$0xD0];
	_ =	sdelay $0x4  }
0x21b: {  	v19 =	vshll.u32 v18, $0x7  }
0x21c: {  	v18 =	vand.u32 $0x7, v18;
	v19 =	vand.u32 $0xFFFFFC00, v19  }
0x21d: {  	v18 =	vor.u32 v18, v19  }
0x21e: {  	v19 =	vperm.xlane v18, v1;
	_ =	sdelay $0x1  }
0x21f: {  	v20 =	vperm.xlane v18, v4;
	v19 =	vadd.s32 v3, v19;
	_ =	sdelay $0x1  }
0x220: {  	v21 =	vperm.xlane v18, v5;
	v20 =	vadd.s32 v3, v20;
	_ =	sdelay $0x1  }
0x221: {  	s22 =	simm.s32 $0x6C00;
	v22 =	vperm.xlane v18, v6;
	v21 =	vadd.s32 v3, v21  }
0x222: {  	[tilespmem:s22], [sflag:$0x1] =	stream.indirect_vreg.gather [hbm4b:s6+s2], $0x80, v19, vm0, $0xb8;
	[tilespmem:$0x10588] =	vst v63  }
0x223: {  	s23 =	simm.s32 $0x6C80;
	v19 =	vadd.s32 v3, v22;
	v22 =	vperm.xlane v18, v7  }
0x224: {  	[tilespmem:s23], [sflag:$0x1] =	stream.indirect_vreg.gather [hbm4b:s6+s2], $0x80, v20, vm0, $0xb8;
	[tilespmem:$0x10588] =	vst v63  }
0x225: {  	s22 =	simm.s32 $0x6D00;
	v20 =	vadd.s32 v3, v22;
	v22 =	vperm.xlane v18, v8  }
0x226: {  	[tilespmem:s22], [sflag:$0x1] =	stream.indirect_vreg.gather [hbm4b:s6+s2], $0x80, v21, vm0, $0xb8;
	[tilespmem:$0x10588] =	vst v63  }
0x227: {  	s23 =	simm.s32 $0x6D80;
	v21 =	vadd.s32 v3, v22;
	v22 =	vperm.xlane v18, v9  }
0x228: {  	[tilespmem:s23], [sflag:$0x1] =	stream.indirect_vreg.gather [hbm4b:s6+s2], $0x80, v19, vm0, $0xb8;
	[tilespmem:$0x10588] =	vst v63  }
0x229: {  	s22 =	simm.s32 $0x6E00;
	v19 =	vadd.s32 v3, v22;
	v22 =	vperm.xlane v18, v2  }
0x22a: {  	[tilespmem:s22], [sflag:$0x1] =	stream.indirect_vreg.gather [hbm4b:s6+s2], $0x80, v20, vm0, $0xb8;
	[tilespmem:$0x10588] =	vst v63  }
0x22b: {  	s23 =	simm.s32 $0x6E80;
	v20 =	vadd.s32 v3, v22;
	v22 =	vperm.xlane v18, v10  }
0x22c: {  	[tilespmem:s23], [sflag:$0x1] =	stream.indirect_vreg.gather [hbm4b:s6+s2], $0x80, v21, vm0, $0xb8;
	[tilespmem:$0x10588] =	vst v63  }
0x22d: {  	s22 =	simm.s32 $0x6F00;
	v21 =	vadd.s32 v3, v22;
	v22 =	vperm.xlane v18, v11  }
0x22e: {  	[tilespmem:s22], [sflag:$0x1] =	stream.indirect_vreg.gather [hbm4b:s6+s2], $0x80, v19, vm0, $0xb8;
	[tilespmem:$0x10588] =	vst v63  }
0x22f: {  	s23 =	simm.s32 $0x6F80;
	v19 =	vadd.s32 v3, v22;
	v22 =	vperm.xlane v18, v12  }
0x230: {  	[tilespmem:s23], [sflag:$0x1] =	stream.indirect_vreg.gather [hbm4b:s6+s2], $0x80, v20, vm0, $0xb8;
	[tilespmem:$0x10588] =	vst v63  }
0x231: {  	s22 =	simm.s32 $0x7000;
	v20 =	vadd.s32 v3, v22;
	v22 =	vperm.xlane v18, v13  }
0x232: {  	[tilespmem:s22], [sflag:$0x1] =	stream.indirect_vreg.gather [hbm4b:s6+s2], $0x80, v21, vm0, $0xb8;
	[tilespmem:$0x10588] =	vst v63  }
0x233: {  	s23 =	simm.s32 $0x7080;
	v21 =	vadd.s32 v3, v22;
	v22 =	vperm.xlane v18, v14  }
0x234: {  	[tilespmem:s23], [sflag:$0x1] =	stream.indirect_vreg.gather [hbm4b:s6+s2], $0x80, v19, vm0, $0xb8;
	[tilespmem:$0x10588] =	vst v63  }
0x235: {  	s22 =	simm.s32 $0x7100;
	v19 =	vadd.s32 v3, v22;
	v22 =	vperm.xlane v18, v15  }
0x236: {  	[tilespmem:s22], [sflag:$0x1] =	stream.indirect_vreg.gather [hbm4b:s6+s2], $0x80, v20, vm0, $0xb8;
	[tilespmem:$0x10588] =	vst v63  }
0x237: {  	s23 =	simm.s32 $0x7180;
	v20 =	vadd.s32 v3, v22;
	v22 =	vperm.xlane v18, v16  }
0x238: {  	[tilespmem:s23], [sflag:$0x1] =	stream.indirect_vreg.gather [hbm4b:s6+s2], $0x80, v21, vm0, $0xb8;
	[tilespmem:$0x10588] =	vst v63  }
0x239: {  	v18 =	vperm.xlane v18, v17;
	s22 =	simm.s32 $0x7200;
	v21 =	vadd.s32 v3, v22  }
0x23a: {  	[tilespmem:s22], [sflag:$0x1] =	stream.indirect_vreg.gather [hbm4b:s6+s2], $0x80, v19, vm0, $0xb8;
	[tilespmem:$0x10588] =	vst v63  }
0x23b: {  	v18 =	vadd.s32 v3, v18;
	s23 =	simm.s32 $0x7280  }
0x23c: {  	[tilespmem:s23], [sflag:$0x1] =	stream.indirect_vreg.gather [hbm4b:s6+s2], $0x80, v20, vm0, $0xb8;
	[tilespmem:$0x10588] =	vst v63  }
0x23d: {  	s22 =	simm.s32 $0x7300  }
0x23e: {  	[tilespmem:s22], [sflag:$0x1] =	stream.indirect_vreg.gather [hbm4b:s6+s2], $0x80, v21, vm0, $0xb8;
	[tilespmem:$0x10588] =	vst v63  }
0x23f: {  	s23 =	simm.s32 $0x7380  }
0x240: {  	[tilespmem:s23], [sflag:$0x1] =	stream.indirect_vreg.gather [hbm4b:s6+s2], $0x80, v18, vm0, $0xb8;
	[tilespmem:$0x10588] =	vst v63  }
0x241: {  	v18 =	vld [tilespmem:$0xE0];
	_ =	sdelay $0x4  }
0x242: {  	v19 =	vshll.u32 v18, $0x7  }
0x243: {  	v18 =	vand.u32 $0x7, v18;
	v19 =	vand.u32 $0xFFFFFC00, v19  }
0x244: {  	v18 =	vor.u32 v18, v19  }
0x245: {  	v19 =	vperm.xlane v18, v1;
	_ =	sdelay $0x1  }
0x246: {  	v20 =	vperm.xlane v18, v4;
	v19 =	vadd.s32 v3, v19;
	_ =	sdelay $0x1  }
0x247: {  	v21 =	vperm.xlane v18, v5;
	v20 =	vadd.s32 v3, v20;
	_ =	sdelay $0x1  }
0x248: {  	s22 =	simm.s32 $0x7400;
	v22 =	vperm.xlane v18, v6;
	v21 =	vadd.s32 v3, v21  }
0x249: {  	[tilespmem:s22], [sflag:$0x1] =	stream.indirect_vreg.gather [hbm4b:s6+s2], $0x80, v19, vm0, $0xb8;
	[tilespmem:$0x10588] =	vst v63  }
0x24a: {  	s23 =	simm.s32 $0x7480;
	v19 =	vadd.s32 v3, v22;
	v22 =	vperm.xlane v18, v7  }
0x24b: {  	[tilespmem:s23], [sflag:$0x1] =	stream.indirect_vreg.gather [hbm4b:s6+s2], $0x80, v20, vm0, $0xb8;
	[tilespmem:$0x10588] =	vst v63  }
0x24c: {  	s22 =	simm.s32 $0x7500;
	v20 =	vadd.s32 v3, v22;
	v22 =	vperm.xlane v18, v8  }
0x24d: {  	[tilespmem:s22], [sflag:$0x1] =	stream.indirect_vreg.gather [hbm4b:s6+s2], $0x80, v21, vm0, $0xb8;
	[tilespmem:$0x10588] =	vst v63  }
0x24e: {  	s23 =	simm.s32 $0x7580;
	v21 =	vadd.s32 v3, v22;
	v22 =	vperm.xlane v18, v9  }
0x24f: {  	[tilespmem:s23], [sflag:$0x1] =	stream.indirect_vreg.gather [hbm4b:s6+s2], $0x80, v19, vm0, $0xb8;
	[tilespmem:$0x10588] =	vst v63  }
0x250: {  	s22 =	simm.s32 $0x7600;
	v19 =	vadd.s32 v3, v22;
	v22 =	vperm.xlane v18, v2  }
0x251: {  	[tilespmem:s22], [sflag:$0x1] =	stream.indirect_vreg.gather [hbm4b:s6+s2], $0x80, v20, vm0, $0xb8;
	[tilespmem:$0x10588] =	vst v63  }
0x252: {  	s23 =	simm.s32 $0x7680;
	v20 =	vadd.s32 v3, v22;
	v22 =	vperm.xlane v18, v10  }
0x253: {  	[tilespmem:s23], [sflag:$0x1] =	stream.indirect_vreg.gather [hbm4b:s6+s2], $0x80, v21, vm0, $0xb8;
	[tilespmem:$0x10588] =	vst v63  }
0x254: {  	s22 =	simm.s32 $0x7700;
	v21 =	vadd.s32 v3, v22;
	v22 =	vperm.xlane v18, v11  }
0x255: {  	[tilespmem:s22], [sflag:$0x1] =	stream.indirect_vreg.gather [hbm4b:s6+s2], $0x80, v19, vm0, $0xb8;
	[tilespmem:$0x10588] =	vst v63  }
0x256: {  	s23 =	simm.s32 $0x7780;
	v19 =	vadd.s32 v3, v22;
	v22 =	vperm.xlane v18, v12  }
0x257: {  	[tilespmem:s23], [sflag:$0x1] =	stream.indirect_vreg.gather [hbm4b:s6+s2], $0x80, v20, vm0, $0xb8;
	[tilespmem:$0x10588] =	vst v63  }
0x258: {  	s22 =	simm.s32 $0x7800;
	v20 =	vadd.s32 v3, v22;
	v22 =	vperm.xlane v18, v13  }
0x259: {  	[tilespmem:s22], [sflag:$0x1] =	stream.indirect_vreg.gather [hbm4b:s6+s2], $0x80, v21, vm0, $0xb8;
	[tilespmem:$0x10588] =	vst v63  }
0x25a: {  	s23 =	simm.s32 $0x7880;
	v21 =	vadd.s32 v3, v22;
	v22 =	vperm.xlane v18, v14  }
0x25b: {  	[tilespmem:s23], [sflag:$0x1] =	stream.indirect_vreg.gather [hbm4b:s6+s2], $0x80, v19, vm0, $0xb8;
	[tilespmem:$0x10588] =	vst v63  }
0x25c: {  	s22 =	simm.s32 $0x7900;
	v19 =	vadd.s32 v3, v22;
	v22 =	vperm.xlane v18, v15  }
0x25d: {  	[tilespmem:s22], [sflag:$0x1] =	stream.indirect_vreg.gather [hbm4b:s6+s2], $0x80, v20, vm0, $0xb8;
	[tilespmem:$0x10588] =	vst v63  }
0x25e: {  	s23 =	simm.s32 $0x7980;
	v20 =	vadd.s32 v3, v22;
	v22 =	vperm.xlane v18, v16  }
0x25f: {  	[tilespmem:s23], [sflag:$0x1] =	stream.indirect_vreg.gather [hbm4b:s6+s2], $0x80, v21, vm0, $0xb8;
	[tilespmem:$0x10588] =	vst v63  }
0x260: {  	v18 =	vperm.xlane v18, v17;
	s22 =	simm.s32 $0x7A00;
	v21 =	vadd.s32 v3, v22  }
0x261: {  	[tilespmem:s22], [sflag:$0x1] =	stream.indirect_vreg.gather [hbm4b:s6+s2], $0x80, v19, vm0, $0xb8;
	[tilespmem:$0x10588] =	vst v63  }
0x262: {  	v18 =	vadd.s32 v3, v18;
	s23 =	simm.s32 $0x7A80  }
0x263: {  	[tilespmem:s23], [sflag:$0x1] =	stream.indirect_vreg.gather [hbm4b:s6+s2], $0x80, v20, vm0, $0xb8;
	[tilespmem:$0x10588] =	vst v63  }
0x264: {  	s22 =	simm.s32 $0x7B00  }
0x265: {  	[tilespmem:s22], [sflag:$0x1] =	stream.indirect_vreg.gather [hbm4b:s6+s2], $0x80, v21, vm0, $0xb8;
	[tilespmem:$0x10588] =	vst v63  }
0x266: {  	s23 =	simm.s32 $0x7B80  }
0x267: {  	[tilespmem:s23], [sflag:$0x1] =	stream.indirect_vreg.gather [hbm4b:s6+s2], $0x80, v18, vm0, $0xb8;
	[tilespmem:$0x10588] =	vst v63  }
0x268: {  	v18 =	vld [tilespmem:$0xF0];
	_ =	sdelay $0x4  }
0x269: {  	v19 =	vshll.u32 v18, $0x7  }
0x26a: {  	v18 =	vand.u32 $0x7, v18;
	v19 =	vand.u32 $0xFFFFFC00, v19  }
0x26b: {  	v18 =	vor.u32 v18, v19  }
0x26c: {  	v19 =	vperm.xlane v18, v1;
	_ =	sdelay $0x1  }
0x26d: {  	v20 =	vperm.xlane v18, v4;
	v19 =	vadd.s32 v3, v19;
	_ =	sdelay $0x1  }
0x26e: {  	v21 =	vperm.xlane v18, v5;
	v20 =	vadd.s32 v3, v20;
	_ =	sdelay $0x1  }
0x26f: {  	s22 =	simm.s32 $0x7C00;
	v22 =	vperm.xlane v18, v6;
	v21 =	vadd.s32 v3, v21  }
0x270: {  	[tilespmem:s22], [sflag:$0x1] =	stream.indirect_vreg.gather [hbm4b:s6+s2], $0x80, v19, vm0, $0xb8;
	[tilespmem:$0x10588] =	vst v63  }
0x271: {  	s23 =	simm.s32 $0x7C80;
	v19 =	vadd.s32 v3, v22;
	v22 =	vperm.xlane v18, v7  }
0x272: {  	[tilespmem:s23], [sflag:$0x1] =	stream.indirect_vreg.gather [hbm4b:s6+s2], $0x80, v20, vm0, $0xb8;
	[tilespmem:$0x10588] =	vst v63  }
0x273: {  	s22 =	simm.s32 $0x7D00;
	v20 =	vadd.s32 v3, v22;
	v22 =	vperm.xlane v18, v8  }
0x274: {  	[tilespmem:s22], [sflag:$0x1] =	stream.indirect_vreg.gather [hbm4b:s6+s2], $0x80, v21, vm0, $0xb8;
	[tilespmem:$0x10588] =	vst v63  }
0x275: {  	s23 =	simm.s32 $0x7D80;
	v21 =	vadd.s32 v3, v22;
	v22 =	vperm.xlane v18, v9  }
0x276: {  	[tilespmem:s23], [sflag:$0x1] =	stream.indirect_vreg.gather [hbm4b:s6+s2], $0x80, v19, vm0, $0xb8;
	[tilespmem:$0x10588] =	vst v63  }
0x277: {  	s22 =	simm.s32 $0x7E00;
	v19 =	vadd.s32 v3, v22;
	v22 =	vperm.xlane v18, v2  }
0x278: {  	[tilespmem:s22], [sflag:$0x1] =	stream.indirect_vreg.gather [hbm4b:s6+s2], $0x80, v20, vm0, $0xb8;
	[tilespmem:$0x10588] =	vst v63  }
0x279: {  	s23 =	simm.s32 $0x7E80;
	v20 =	vadd.s32 v3, v22;
	v22 =	vperm.xlane v18, v10  }
0x27a: {  	[tilespmem:s23], [sflag:$0x1] =	stream.indirect_vreg.gather [hbm4b:s6+s2], $0x80, v21, vm0, $0xb8;
	[tilespmem:$0x10588] =	vst v63  }
0x27b: {  	s22 =	simm.s32 $0x7F00;
	v21 =	vadd.s32 v3, v22;
	v22 =	vperm.xlane v18, v11  }
0x27c: {  	[tilespmem:s22], [sflag:$0x1] =	stream.indirect_vreg.gather [hbm4b:s6+s2], $0x80, v19, vm0, $0xb8;
	[tilespmem:$0x10588] =	vst v63  }
0x27d: {  	s23 =	simm.s32 $0x7F80;
	v19 =	vadd.s32 v3, v22;
	v22 =	vperm.xlane v18, v12  }
0x27e: {  	[tilespmem:s23], [sflag:$0x1] =	stream.indirect_vreg.gather [hbm4b:s6+s2], $0x80, v20, vm0, $0xb8;
	[tilespmem:$0x10588] =	vst v63  }
0x27f: {  	s22 =	simm.s32 $0x8000;
	v20 =	vadd.s32 v3, v22;
	v22 =	vperm.xlane v18, v13  }
0x280: {  	[tilespmem:s22], [sflag:$0x1] =	stream.indirect_vreg.gather [hbm4b:s6+s2], $0x80, v21, vm0, $0xb8;
	[tilespmem:$0x10588] =	vst v63  }
0x281: {  	s23 =	simm.s32 $0x8080;
	v21 =	vadd.s32 v3, v22;
	v22 =	vperm.xlane v18, v14  }
0x282: {  	[tilespmem:s23], [sflag:$0x1] =	stream.indirect_vreg.gather [hbm4b:s6+s2], $0x80, v19, vm0, $0xb8;
	[tilespmem:$0x10588] =	vst v63  }
0x283: {  	s22 =	simm.s32 $0x8100;
	v19 =	vadd.s32 v3, v22;
	v22 =	vperm.xlane v18, v15  }
0x284: {  	[tilespmem:s22], [sflag:$0x1] =	stream.indirect_vreg.gather [hbm4b:s6+s2], $0x80, v20, vm0, $0xb8;
	[tilespmem:$0x10588] =	vst v63  }
0x285: {  	s23 =	simm.s32 $0x8180;
	v20 =	vadd.s32 v3, v22;
	v22 =	vperm.xlane v18, v16  }
0x286: {  	[tilespmem:s23], [sflag:$0x1] =	stream.indirect_vreg.gather [hbm4b:s6+s2], $0x80, v21, vm0, $0xb8;
	[tilespmem:$0x10588] =	vst v63  }
0x287: {  	v18 =	vperm.xlane v18, v17;
	s22 =	simm.s32 $0x8200;
	v21 =	vadd.s32 v3, v22  }
0x288: {  	[tilespmem:s22], [sflag:$0x1] =	stream.indirect_vreg.gather [hbm4b:s6+s2], $0x80, v19, vm0, $0xb8;
	[tilespmem:$0x10588] =	vst v63  }
0x289: {  	v18 =	vadd.s32 v3, v18;
	s23 =	simm.s32 $0x8280  }
0x28a: {  	[tilespmem:s23], [sflag:$0x1] =	stream.indirect_vreg.gather [hbm4b:s6+s2], $0x80, v20, vm0, $0xb8;
	[tilespmem:$0x10588] =	vst v63  }
0x28b: {  	s22 =	simm.s32 $0x8300  }
0x28c: {  	[tilespmem:s22], [sflag:$0x1] =	stream.indirect_vreg.gather [hbm4b:s6+s2], $0x80, v21, vm0, $0xb8;
	[tilespmem:$0x10588] =	vst v63  }
0x28d: {  	s23 =	simm.s32 $0x8380  }
0x28e: {  	[tilespmem:s23], [sflag:$0x1] =	stream.indirect_vreg.gather [hbm4b:s6+s2], $0x80, v18, vm0, $0xb8;
	[tilespmem:$0x10588] =	vst v63  }
0x28f: {  	v18 =	vld [tilespmem:$0x100];
	_ =	sdelay $0x4  }
0x290: {  	v19 =	vshll.u32 v18, $0x7  }
0x291: {  	v18 =	vand.u32 $0x7, v18;
	v19 =	vand.u32 $0xFFFFFC00, v19  }
0x292: {  	v18 =	vor.u32 v18, v19  }
0x293: {  	v19 =	vperm.xlane v18, v1;
	_ =	sdelay $0x1  }
0x294: {  	v20 =	vperm.xlane v18, v4;
	v19 =	vadd.s32 v3, v19;
	_ =	sdelay $0x1  }
0x295: {  	v21 =	vperm.xlane v18, v5;
	v20 =	vadd.s32 v3, v20;
	_ =	sdelay $0x1  }
0x296: {  	v22 =	vperm.xlane v18, v6;
	v21 =	vadd.s32 v3, v21  }
0x297: {  	[tilespmem:s0], [sflag:$0x1] =	stream.indirect_vreg.gather [hbm4b:s7+s2], $0x80, v19, vm0, $0xb8;
	[tilespmem:$0x10588] =	vst v63  }
0x298: {  	s22 =	simm.s32 $0x8480;
	v19 =	vadd.s32 v3, v22;
	v22 =	vperm.xlane v18, v7  }
0x299: {  	[tilespmem:s22], [sflag:$0x1] =	stream.indirect_vreg.gather [hbm4b:s7+s2], $0x80, v20, vm0, $0xb8;
	[tilespmem:$0x10588] =	vst v63  }
0x29a: {  	s23 =	simm.s32 $0x8500;
	v20 =	vadd.s32 v3, v22;
	v22 =	vperm.xlane v18, v8  }
0x29b: {  	[tilespmem:s23], [sflag:$0x1] =	stream.indirect_vreg.gather [hbm4b:s7+s2], $0x80, v21, vm0, $0xb8;
	[tilespmem:$0x10588] =	vst v63  }
0x29c: {  	s22 =	simm.s32 $0x8580;
	v21 =	vadd.s32 v3, v22;
	v22 =	vperm.xlane v18, v9  }
0x29d: {  	[tilespmem:s22], [sflag:$0x1] =	stream.indirect_vreg.gather [hbm4b:s7+s2], $0x80, v19, vm0, $0xb8;
	[tilespmem:$0x10588] =	vst v63  }
0x29e: {  	s23 =	simm.s32 $0x8600;
	v19 =	vadd.s32 v3, v22;
	v22 =	vperm.xlane v18, v2  }
0x29f: {  	[tilespmem:s23], [sflag:$0x1] =	stream.indirect_vreg.gather [hbm4b:s7+s2], $0x80, v20, vm0, $0xb8;
	[tilespmem:$0x10588] =	vst v63  }
0x2a0: {  	s22 =	simm.s32 $0x8680;
	v20 =	vadd.s32 v3, v22;
	v22 =	vperm.xlane v18, v10  }
0x2a1: {  	[tilespmem:s22], [sflag:$0x1] =	stream.indirect_vreg.gather [hbm4b:s7+s2], $0x80, v21, vm0, $0xb8;
	[tilespmem:$0x10588] =	vst v63  }
0x2a2: {  	s23 =	simm.s32 $0x8700;
	v21 =	vadd.s32 v3, v22;
	v22 =	vperm.xlane v18, v11  }
0x2a3: {  	[tilespmem:s23], [sflag:$0x1] =	stream.indirect_vreg.gather [hbm4b:s7+s2], $0x80, v19, vm0, $0xb8;
	[tilespmem:$0x10588] =	vst v63  }
0x2a4: {  	s22 =	simm.s32 $0x8780;
	v19 =	vadd.s32 v3, v22;
	v22 =	vperm.xlane v18, v12  }
0x2a5: {  	[tilespmem:s22], [sflag:$0x1] =	stream.indirect_vreg.gather [hbm4b:s7+s2], $0x80, v20, vm0, $0xb8;
	[tilespmem:$0x10588] =	vst v63  }
0x2a6: {  	s23 =	simm.s32 $0x8800;
	v20 =	vadd.s32 v3, v22;
	v22 =	vperm.xlane v18, v13  }
0x2a7: {  	[tilespmem:s23], [sflag:$0x1] =	stream.indirect_vreg.gather [hbm4b:s7+s2], $0x80, v21, vm0, $0xb8;
	[tilespmem:$0x10588] =	vst v63  }
0x2a8: {  	s22 =	simm.s32 $0x8880;
	v21 =	vadd.s32 v3, v22;
	v22 =	vperm.xlane v18, v14  }
0x2a9: {  	[tilespmem:s22], [sflag:$0x1] =	stream.indirect_vreg.gather [hbm4b:s7+s2], $0x80, v19, vm0, $0xb8;
	[tilespmem:$0x10588] =	vst v63  }
0x2aa: {  	s23 =	simm.s32 $0x8900;
	v19 =	vadd.s32 v3, v22;
	v22 =	vperm.xlane v18, v15  }
0x2ab: {  	[tilespmem:s23], [sflag:$0x1] =	stream.indirect_vreg.gather [hbm4b:s7+s2], $0x80, v20, vm0, $0xb8;
	[tilespmem:$0x10588] =	vst v63  }
0x2ac: {  	s22 =	simm.s32 $0x8980;
	v20 =	vadd.s32 v3, v22;
	v22 =	vperm.xlane v18, v16  }
0x2ad: {  	[tilespmem:s22], [sflag:$0x1] =	stream.indirect_vreg.gather [hbm4b:s7+s2], $0x80, v21, vm0, $0xb8;
	[tilespmem:$0x10588] =	vst v63  }
0x2ae: {  	v18 =	vperm.xlane v18, v17;
	s23 =	simm.s32 $0x8A00;
	v21 =	vadd.s32 v3, v22  }
0x2af: {  	[tilespmem:s23], [sflag:$0x1] =	stream.indirect_vreg.gather [hbm4b:s7+s2], $0x80, v19, vm0, $0xb8;
	[tilespmem:$0x10588] =	vst v63  }
0x2b0: {  	v18 =	vadd.s32 v3, v18;
	s22 =	simm.s32 $0x8A80  }
0x2b1: {  	[tilespmem:s22], [sflag:$0x1] =	stream.indirect_vreg.gather [hbm4b:s7+s2], $0x80, v20, vm0, $0xb8;
	[tilespmem:$0x10588] =	vst v63  }
0x2b2: {  	s23 =	simm.s32 $0x8B00  }
0x2b3: {  	[tilespmem:s23], [sflag:$0x1] =	stream.indirect_vreg.gather [hbm4b:s7+s2], $0x80, v21, vm0, $0xb8;
	[tilespmem:$0x10588] =	vst v63  }
0x2b4: {  	s22 =	simm.s32 $0x8B80  }
0x2b5: {  	[tilespmem:s22], [sflag:$0x1] =	stream.indirect_vreg.gather [hbm4b:s7+s2], $0x80, v18, vm0, $0xb8;
	[tilespmem:$0x10588] =	vst v63  }
0x2b6: {  	v18 =	vld [tilespmem:$0x110];
	_ =	sdelay $0x4  }
0x2b7: {  	v19 =	vshll.u32 v18, $0x7  }
0x2b8: {  	v18 =	vand.u32 $0x7, v18;
	v19 =	vand.u32 $0xFFFFFC00, v19  }
0x2b9: {  	v18 =	vor.u32 v18, v19  }
0x2ba: {  	v19 =	vperm.xlane v18, v1;
	_ =	sdelay $0x1  }
0x2bb: {  	v20 =	vperm.xlane v18, v4;
	v19 =	vadd.s32 v3, v19;
	_ =	sdelay $0x1  }
0x2bc: {  	v21 =	vperm.xlane v18, v5;
	v20 =	vadd.s32 v3, v20;
	_ =	sdelay $0x1  }
0x2bd: {  	s23 =	simm.s32 $0x8C00;
	v22 =	vperm.xlane v18, v6;
	v21 =	vadd.s32 v3, v21  }
0x2be: {  	[tilespmem:s23], [sflag:$0x1] =	stream.indirect_vreg.gather [hbm4b:s7+s2], $0x80, v19, vm0, $0xb8;
	[tilespmem:$0x10588] =	vst v63  }
0x2bf: {  	s22 =	simm.s32 $0x8C80;
	v19 =	vadd.s32 v3, v22;
	v22 =	vperm.xlane v18, v7  }
0x2c0: {  	[tilespmem:s22], [sflag:$0x1] =	stream.indirect_vreg.gather [hbm4b:s7+s2], $0x80, v20, vm0, $0xb8;
	[tilespmem:$0x10588] =	vst v63  }
0x2c1: {  	s23 =	simm.s32 $0x8D00;
	v20 =	vadd.s32 v3, v22;
	v22 =	vperm.xlane v18, v8  }
0x2c2: {  	[tilespmem:s23], [sflag:$0x1] =	stream.indirect_vreg.gather [hbm4b:s7+s2], $0x80, v21, vm0, $0xb8;
	[tilespmem:$0x10588] =	vst v63  }
0x2c3: {  	s22 =	simm.s32 $0x8D80;
	v21 =	vadd.s32 v3, v22;
	v22 =	vperm.xlane v18, v9  }
0x2c4: {  	[tilespmem:s22], [sflag:$0x1] =	stream.indirect_vreg.gather [hbm4b:s7+s2], $0x80, v19, vm0, $0xb8;
	[tilespmem:$0x10588] =	vst v63  }
0x2c5: {  	s23 =	simm.s32 $0x8E00;
	v19 =	vadd.s32 v3, v22;
	v22 =	vperm.xlane v18, v2  }
0x2c6: {  	[tilespmem:s23], [sflag:$0x1] =	stream.indirect_vreg.gather [hbm4b:s7+s2], $0x80, v20, vm0, $0xb8;
	[tilespmem:$0x10588] =	vst v63  }
0x2c7: {  	s22 =	simm.s32 $0x8E80;
	v20 =	vadd.s32 v3, v22;
	v22 =	vperm.xlane v18, v10  }
0x2c8: {  	[tilespmem:s22], [sflag:$0x1] =	stream.indirect_vreg.gather [hbm4b:s7+s2], $0x80, v21, vm0, $0xb8;
	[tilespmem:$0x10588] =	vst v63  }
0x2c9: {  	s23 =	simm.s32 $0x8F00;
	v21 =	vadd.s32 v3, v22;
	v22 =	vperm.xlane v18, v11  }
0x2ca: {  	[tilespmem:s23], [sflag:$0x1] =	stream.indirect_vreg.gather [hbm4b:s7+s2], $0x80, v19, vm0, $0xb8;
	[tilespmem:$0x10588] =	vst v63  }
0x2cb: {  	s22 =	simm.s32 $0x8F80;
	v19 =	vadd.s32 v3, v22;
	v22 =	vperm.xlane v18, v12  }
0x2cc: {  	[tilespmem:s22], [sflag:$0x1] =	stream.indirect_vreg.gather [hbm4b:s7+s2], $0x80, v20, vm0, $0xb8;
	[tilespmem:$0x10588] =	vst v63  }
0x2cd: {  	s23 =	simm.s32 $0x9000;
	v20 =	vadd.s32 v3, v22;
	v22 =	vperm.xlane v18, v13  }
0x2ce: {  	[tilespmem:s23], [sflag:$0x1] =	stream.indirect_vreg.gather [hbm4b:s7+s2], $0x80, v21, vm0, $0xb8;
	[tilespmem:$0x10588] =	vst v63  }
0x2cf: {  	s22 =	simm.s32 $0x9080;
	v21 =	vadd.s32 v3, v22;
	v22 =	vperm.xlane v18, v14  }
0x2d0: {  	[tilespmem:s22], [sflag:$0x1] =	stream.indirect_vreg.gather [hbm4b:s7+s2], $0x80, v19, vm0, $0xb8;
	[tilespmem:$0x10588] =	vst v63  }
0x2d1: {  	s23 =	simm.s32 $0x9100;
	v19 =	vadd.s32 v3, v22;
	v22 =	vperm.xlane v18, v15  }
0x2d2: {  	[tilespmem:s23], [sflag:$0x1] =	stream.indirect_vreg.gather [hbm4b:s7+s2], $0x80, v20, vm0, $0xb8;
	[tilespmem:$0x10588] =	vst v63  }
0x2d3: {  	s22 =	simm.s32 $0x9180;
	v20 =	vadd.s32 v3, v22;
	v22 =	vperm.xlane v18, v16  }
0x2d4: {  	[tilespmem:s22], [sflag:$0x1] =	stream.indirect_vreg.gather [hbm4b:s7+s2], $0x80, v21, vm0, $0xb8;
	[tilespmem:$0x10588] =	vst v63  }
0x2d5: {  	v18 =	vperm.xlane v18, v17;
	s23 =	simm.s32 $0x9200;
	v21 =	vadd.s32 v3, v22  }
0x2d6: {  	[tilespmem:s23], [sflag:$0x1] =	stream.indirect_vreg.gather [hbm4b:s7+s2], $0x80, v19, vm0, $0xb8;
	[tilespmem:$0x10588] =	vst v63  }
0x2d7: {  	v18 =	vadd.s32 v3, v18;
	s22 =	simm.s32 $0x9280  }
0x2d8: {  	[tilespmem:s22], [sflag:$0x1] =	stream.indirect_vreg.gather [hbm4b:s7+s2], $0x80, v20, vm0, $0xb8;
	[tilespmem:$0x10588] =	vst v63  }
0x2d9: {  	s23 =	simm.s32 $0x9300  }
0x2da: {  	[tilespmem:s23], [sflag:$0x1] =	stream.indirect_vreg.gather [hbm4b:s7+s2], $0x80, v21, vm0, $0xb8;
	[tilespmem:$0x10588] =	vst v63  }
0x2db: {  	s22 =	simm.s32 $0x9380  }
0x2dc: {  	[tilespmem:s22], [sflag:$0x1] =	stream.indirect_vreg.gather [hbm4b:s7+s2], $0x80, v18, vm0, $0xb8;
	[tilespmem:$0x10588] =	vst v63  }
0x2dd: {  	v18 =	vld [tilespmem:$0x120];
	_ =	sdelay $0x4  }
0x2de: {  	v19 =	vshll.u32 v18, $0x7  }
0x2df: {  	v18 =	vand.u32 $0x7, v18;
	v19 =	vand.u32 $0xFFFFFC00, v19  }
0x2e0: {  	v18 =	vor.u32 v18, v19  }
0x2e1: {  	v19 =	vperm.xlane v18, v1;
	_ =	sdelay $0x1  }
0x2e2: {  	v20 =	vperm.xlane v18, v4;
	v19 =	vadd.s32 v3, v19;
	_ =	sdelay $0x1  }
0x2e3: {  	v21 =	vperm.xlane v18, v5;
	v20 =	vadd.s32 v3, v20;
	_ =	sdelay $0x1  }
0x2e4: {  	s23 =	simm.s32 $0x9400;
	v22 =	vperm.xlane v18, v6;
	v21 =	vadd.s32 v3, v21  }
0x2e5: {  	[tilespmem:s23], [sflag:$0x1] =	stream.indirect_vreg.gather [hbm4b:s7+s2], $0x80, v19, vm0, $0xb8;
	[tilespmem:$0x10588] =	vst v63  }
0x2e6: {  	s22 =	simm.s32 $0x9480;
	v19 =	vadd.s32 v3, v22;
	v22 =	vperm.xlane v18, v7  }
0x2e7: {  	[tilespmem:s22], [sflag:$0x1] =	stream.indirect_vreg.gather [hbm4b:s7+s2], $0x80, v20, vm0, $0xb8;
	[tilespmem:$0x10588] =	vst v63  }
0x2e8: {  	s23 =	simm.s32 $0x9500;
	v20 =	vadd.s32 v3, v22;
	v22 =	vperm.xlane v18, v8  }
0x2e9: {  	[tilespmem:s23], [sflag:$0x1] =	stream.indirect_vreg.gather [hbm4b:s7+s2], $0x80, v21, vm0, $0xb8;
	[tilespmem:$0x10588] =	vst v63  }
0x2ea: {  	s22 =	simm.s32 $0x9580;
	v21 =	vadd.s32 v3, v22;
	v22 =	vperm.xlane v18, v9  }
0x2eb: {  	[tilespmem:s22], [sflag:$0x1] =	stream.indirect_vreg.gather [hbm4b:s7+s2], $0x80, v19, vm0, $0xb8;
	[tilespmem:$0x10588] =	vst v63  }
0x2ec: {  	s23 =	simm.s32 $0x9600;
	v19 =	vadd.s32 v3, v22;
	v22 =	vperm.xlane v18, v2  }
0x2ed: {  	[tilespmem:s23], [sflag:$0x1] =	stream.indirect_vreg.gather [hbm4b:s7+s2], $0x80, v20, vm0, $0xb8;
	[tilespmem:$0x10588] =	vst v63  }
0x2ee: {  	s22 =	simm.s32 $0x9680;
	v20 =	vadd.s32 v3, v22;
	v22 =	vperm.xlane v18, v10  }
0x2ef: {  	[tilespmem:s22], [sflag:$0x1] =	stream.indirect_vreg.gather [hbm4b:s7+s2], $0x80, v21, vm0, $0xb8;
	[tilespmem:$0x10588] =	vst v63  }
0x2f0: {  	s23 =	simm.s32 $0x9700;
	v21 =	vadd.s32 v3, v22;
	v22 =	vperm.xlane v18, v11  }
0x2f1: {  	[tilespmem:s23], [sflag:$0x1] =	stream.indirect_vreg.gather [hbm4b:s7+s2], $0x80, v19, vm0, $0xb8;
	[tilespmem:$0x10588] =	vst v63  }
0x2f2: {  	s22 =	simm.s32 $0x9780;
	v19 =	vadd.s32 v3, v22;
	v22 =	vperm.xlane v18, v12  }
0x2f3: {  	[tilespmem:s22], [sflag:$0x1] =	stream.indirect_vreg.gather [hbm4b:s7+s2], $0x80, v20, vm0, $0xb8;
	[tilespmem:$0x10588] =	vst v63  }
0x2f4: {  	s23 =	simm.s32 $0x9800;
	v20 =	vadd.s32 v3, v22;
	v22 =	vperm.xlane v18, v13  }
0x2f5: {  	[tilespmem:s23], [sflag:$0x1] =	stream.indirect_vreg.gather [hbm4b:s7+s2], $0x80, v21, vm0, $0xb8;
	[tilespmem:$0x10588] =	vst v63  }
0x2f6: {  	s22 =	simm.s32 $0x9880;
	v21 =	vadd.s32 v3, v22;
	v22 =	vperm.xlane v18, v14  }
0x2f7: {  	[tilespmem:s22], [sflag:$0x1] =	stream.indirect_vreg.gather [hbm4b:s7+s2], $0x80, v19, vm0, $0xb8;
	[tilespmem:$0x10588] =	vst v63  }
0x2f8: {  	s23 =	simm.s32 $0x9900;
	v19 =	vadd.s32 v3, v22;
	v22 =	vperm.xlane v18, v15  }
0x2f9: {  	[tilespmem:s23], [sflag:$0x1] =	stream.indirect_vreg.gather [hbm4b:s7+s2], $0x80, v20, vm0, $0xb8;
	[tilespmem:$0x10588] =	vst v63  }
0x2fa: {  	s22 =	simm.s32 $0x9980;
	v20 =	vadd.s32 v3, v22;
	v22 =	vperm.xlane v18, v16  }
0x2fb: {  	[tilespmem:s22], [sflag:$0x1] =	stream.indirect_vreg.gather [hbm4b:s7+s2], $0x80, v21, vm0, $0xb8;
	[tilespmem:$0x10588] =	vst v63  }
0x2fc: {  	v18 =	vperm.xlane v18, v17;
	s23 =	simm.s32 $0x9A00;
	v21 =	vadd.s32 v3, v22  }
0x2fd: {  	[tilespmem:s23], [sflag:$0x1] =	stream.indirect_vreg.gather [hbm4b:s7+s2], $0x80, v19, vm0, $0xb8;
	[tilespmem:$0x10588] =	vst v63  }
0x2fe: {  	v18 =	vadd.s32 v3, v18;
	s22 =	simm.s32 $0x9A80  }
0x2ff: {  	[tilespmem:s22], [sflag:$0x1] =	stream.indirect_vreg.gather [hbm4b:s7+s2], $0x80, v20, vm0, $0xb8;
	[tilespmem:$0x10588] =	vst v63  }
0x300: {  	s23 =	simm.s32 $0x9B00  }
0x301: {  	[tilespmem:s23], [sflag:$0x1] =	stream.indirect_vreg.gather [hbm4b:s7+s2], $0x80, v21, vm0, $0xb8;
	[tilespmem:$0x10588] =	vst v63  }
0x302: {  	s22 =	simm.s32 $0x9B80  }
0x303: {  	[tilespmem:s22], [sflag:$0x1] =	stream.indirect_vreg.gather [hbm4b:s7+s2], $0x80, v18, vm0, $0xb8;
	[tilespmem:$0x10588] =	vst v63  }
0x304: {  	v18 =	vld [tilespmem:$0x130];
	_ =	sdelay $0x4  }
0x305: {  	v19 =	vshll.u32 v18, $0x7  }
0x306: {  	v18 =	vand.u32 $0x7, v18;
	v19 =	vand.u32 $0xFFFFFC00, v19  }
0x307: {  	v18 =	vor.u32 v18, v19  }
0x308: {  	v19 =	vperm.xlane v18, v1;
	_ =	sdelay $0x1  }
0x309: {  	v20 =	vperm.xlane v18, v4;
	v19 =	vadd.s32 v3, v19;
	_ =	sdelay $0x1  }
0x30a: {  	v21 =	vperm.xlane v18, v5;
	v20 =	vadd.s32 v3, v20;
	_ =	sdelay $0x1  }
0x30b: {  	s23 =	simm.s32 $0x9C00;
	v22 =	vperm.xlane v18, v6;
	v21 =	vadd.s32 v3, v21  }
0x30c: {  	[tilespmem:s23], [sflag:$0x1] =	stream.indirect_vreg.gather [hbm4b:s7+s2], $0x80, v19, vm0, $0xb8;
	[tilespmem:$0x10588] =	vst v63  }
0x30d: {  	s22 =	simm.s32 $0x9C80;
	v19 =	vadd.s32 v3, v22;
	v22 =	vperm.xlane v18, v7  }
0x30e: {  	[tilespmem:s22], [sflag:$0x1] =	stream.indirect_vreg.gather [hbm4b:s7+s2], $0x80, v20, vm0, $0xb8;
	[tilespmem:$0x10588] =	vst v63  }
0x30f: {  	s23 =	simm.s32 $0x9D00;
	v20 =	vadd.s32 v3, v22;
	v22 =	vperm.xlane v18, v8  }
0x310: {  	[tilespmem:s23], [sflag:$0x1] =	stream.indirect_vreg.gather [hbm4b:s7+s2], $0x80, v21, vm0, $0xb8;
	[tilespmem:$0x10588] =	vst v63  }
0x311: {  	s22 =	simm.s32 $0x9D80;
	v21 =	vadd.s32 v3, v22;
	v22 =	vperm.xlane v18, v9  }
0x312: {  	[tilespmem:s22], [sflag:$0x1] =	stream.indirect_vreg.gather [hbm4b:s7+s2], $0x80, v19, vm0, $0xb8;
	[tilespmem:$0x10588] =	vst v63  }
0x313: {  	s23 =	simm.s32 $0x9E00;
	v19 =	vadd.s32 v3, v22;
	v22 =	vperm.xlane v18, v2  }
0x314: {  	[tilespmem:s23], [sflag:$0x1] =	stream.indirect_vreg.gather [hbm4b:s7+s2], $0x80, v20, vm0, $0xb8;
	[tilespmem:$0x10588] =	vst v63  }
0x315: {  	s22 =	simm.s32 $0x9E80;
	v20 =	vadd.s32 v3, v22;
	v22 =	vperm.xlane v18, v10  }
0x316: {  	[tilespmem:s22], [sflag:$0x1] =	stream.indirect_vreg.gather [hbm4b:s7+s2], $0x80, v21, vm0, $0xb8;
	[tilespmem:$0x10588] =	vst v63  }
0x317: {  	s23 =	simm.s32 $0x9F00;
	v21 =	vadd.s32 v3, v22;
	v22 =	vperm.xlane v18, v11  }
0x318: {  	[tilespmem:s23], [sflag:$0x1] =	stream.indirect_vreg.gather [hbm4b:s7+s2], $0x80, v19, vm0, $0xb8;
	[tilespmem:$0x10588] =	vst v63  }
0x319: {  	s22 =	simm.s32 $0x9F80;
	v19 =	vadd.s32 v3, v22;
	v22 =	vperm.xlane v18, v12  }
0x31a: {  	[tilespmem:s22], [sflag:$0x1] =	stream.indirect_vreg.gather [hbm4b:s7+s2], $0x80, v20, vm0, $0xb8;
	[tilespmem:$0x10588] =	vst v63  }
0x31b: {  	s23 =	simm.s32 $0xA000;
	v20 =	vadd.s32 v3, v22;
	v22 =	vperm.xlane v18, v13  }
0x31c: {  	[tilespmem:s23], [sflag:$0x1] =	stream.indirect_vreg.gather [hbm4b:s7+s2], $0x80, v21, vm0, $0xb8;
	[tilespmem:$0x10588] =	vst v63  }
0x31d: {  	s22 =	simm.s32 $0xA080;
	v21 =	vadd.s32 v3, v22;
	v22 =	vperm.xlane v18, v14  }
0x31e: {  	[tilespmem:s22], [sflag:$0x1] =	stream.indirect_vreg.gather [hbm4b:s7+s2], $0x80, v19, vm0, $0xb8;
	[tilespmem:$0x10588] =	vst v63  }
0x31f: {  	s23 =	simm.s32 $0xA100;
	v19 =	vadd.s32 v3, v22;
	v22 =	vperm.xlane v18, v15  }
0x320: {  	[tilespmem:s23], [sflag:$0x1] =	stream.indirect_vreg.gather [hbm4b:s7+s2], $0x80, v20, vm0, $0xb8;
	[tilespmem:$0x10588] =	vst v63  }
0x321: {  	s22 =	simm.s32 $0xA180;
	v20 =	vadd.s32 v3, v22;
	v22 =	vperm.xlane v18, v16  }
0x322: {  	[tilespmem:s22], [sflag:$0x1] =	stream.indirect_vreg.gather [hbm4b:s7+s2], $0x80, v21, vm0, $0xb8;
	[tilespmem:$0x10588] =	vst v63  }
0x323: {  	v18 =	vperm.xlane v18, v17;
	s23 =	simm.s32 $0xA200;
	v21 =	vadd.s32 v3, v22  }
0x324: {  	[tilespmem:s23], [sflag:$0x1] =	stream.indirect_vreg.gather [hbm4b:s7+s2], $0x80, v19, vm0, $0xb8;
	[tilespmem:$0x10588] =	vst v63  }
0x325: {  	v18 =	vadd.s32 v3, v18;
	s22 =	simm.s32 $0xA280  }
0x326: {  	[tilespmem:s22], [sflag:$0x1] =	stream.indirect_vreg.gather [hbm4b:s7+s2], $0x80, v20, vm0, $0xb8;
	[tilespmem:$0x10588] =	vst v63  }
0x327: {  	s23 =	simm.s32 $0xA300  }
0x328: {  	[tilespmem:s23], [sflag:$0x1] =	stream.indirect_vreg.gather [hbm4b:s7+s2], $0x80, v21, vm0, $0xb8;
	[tilespmem:$0x10588] =	vst v63  }
0x329: {  	s22 =	simm.s32 $0xA380  }
0x32a: {  	[tilespmem:s22], [sflag:$0x1] =	stream.indirect_vreg.gather [hbm4b:s7+s2], $0x80, v18, vm0, $0xb8;
	[tilespmem:$0x10588] =	vst v63  }
0x32b: {  	v18 =	vld [tilespmem:$0x140];
	_ =	sdelay $0x4  }
0x32c: {  	v19 =	vshll.u32 v18, $0x7  }
0x32d: {  	v18 =	vand.u32 $0x7, v18;
	v19 =	vand.u32 $0xFFFFFC00, v19  }
0x32e: {  	v18 =	vor.u32 v18, v19  }
0x32f: {  	v19 =	vperm.xlane v18, v1;
	_ =	sdelay $0x1  }
0x330: {  	v20 =	vperm.xlane v18, v4;
	v19 =	vadd.s32 v3, v19;
	_ =	sdelay $0x1  }
0x331: {  	v21 =	vperm.xlane v18, v5;
	v20 =	vadd.s32 v3, v20;
	_ =	sdelay $0x1  }
0x332: {  	s23 =	simm.s32 $0xA400;
	v22 =	vperm.xlane v18, v6;
	v21 =	vadd.s32 v3, v21  }
0x333: {  	[tilespmem:s23], [sflag:$0x1] =	stream.indirect_vreg.gather [hbm4b:s7+s2], $0x80, v19, vm0, $0xb8;
	[tilespmem:$0x10588] =	vst v63  }
0x334: {  	s22 =	simm.s32 $0xA480;
	v19 =	vadd.s32 v3, v22;
	v22 =	vperm.xlane v18, v7  }
0x335: {  	[tilespmem:s22], [sflag:$0x1] =	stream.indirect_vreg.gather [hbm4b:s7+s2], $0x80, v20, vm0, $0xb8;
	[tilespmem:$0x10588] =	vst v63  }
0x336: {  	s23 =	simm.s32 $0xA500;
	v20 =	vadd.s32 v3, v22;
	v22 =	vperm.xlane v18, v8  }
0x337: {  	[tilespmem:s23], [sflag:$0x1] =	stream.indirect_vreg.gather [hbm4b:s7+s2], $0x80, v21, vm0, $0xb8;
	[tilespmem:$0x10588] =	vst v63  }
0x338: {  	s22 =	simm.s32 $0xA580;
	v21 =	vadd.s32 v3, v22;
	v22 =	vperm.xlane v18, v9  }
0x339: {  	[tilespmem:s22], [sflag:$0x1] =	stream.indirect_vreg.gather [hbm4b:s7+s2], $0x80, v19, vm0, $0xb8;
	[tilespmem:$0x10588] =	vst v63  }
0x33a: {  	s23 =	simm.s32 $0xA600;
	v19 =	vadd.s32 v3, v22;
	v22 =	vperm.xlane v18, v2  }
0x33b: {  	[tilespmem:s23], [sflag:$0x1] =	stream.indirect_vreg.gather [hbm4b:s7+s2], $0x80, v20, vm0, $0xb8;
	[tilespmem:$0x10588] =	vst v63  }
0x33c: {  	s22 =	simm.s32 $0xA680;
	v20 =	vadd.s32 v3, v22;
	v22 =	vperm.xlane v18, v10  }
0x33d: {  	[tilespmem:s22], [sflag:$0x1] =	stream.indirect_vreg.gather [hbm4b:s7+s2], $0x80, v21, vm0, $0xb8;
	[tilespmem:$0x10588] =	vst v63  }
0x33e: {  	s23 =	simm.s32 $0xA700;
	v21 =	vadd.s32 v3, v22;
	v22 =	vperm.xlane v18, v11  }
0x33f: {  	[tilespmem:s23], [sflag:$0x1] =	stream.indirect_vreg.gather [hbm4b:s7+s2], $0x80, v19, vm0, $0xb8;
	[tilespmem:$0x10588] =	vst v63  }
0x340: {  	s22 =	simm.s32 $0xA780;
	v19 =	vadd.s32 v3, v22;
	v22 =	vperm.xlane v18, v12  }
0x341: {  	[tilespmem:s22], [sflag:$0x1] =	stream.indirect_vreg.gather [hbm4b:s7+s2], $0x80, v20, vm0, $0xb8;
	[tilespmem:$0x10588] =	vst v63  }
0x342: {  	s23 =	simm.s32 $0xA800;
	v20 =	vadd.s32 v3, v22;
	v22 =	vperm.xlane v18, v13  }
0x343: {  	[tilespmem:s23], [sflag:$0x1] =	stream.indirect_vreg.gather [hbm4b:s7+s2], $0x80, v21, vm0, $0xb8;
	[tilespmem:$0x10588] =	vst v63  }
0x344: {  	s22 =	simm.s32 $0xA880;
	v21 =	vadd.s32 v3, v22;
	v22 =	vperm.xlane v18, v14  }
0x345: {  	[tilespmem:s22], [sflag:$0x1] =	stream.indirect_vreg.gather [hbm4b:s7+s2], $0x80, v19, vm0, $0xb8;
	[tilespmem:$0x10588] =	vst v63  }
0x346: {  	s23 =	simm.s32 $0xA900;
	v19 =	vadd.s32 v3, v22;
	v22 =	vperm.xlane v18, v15  }
0x347: {  	[tilespmem:s23], [sflag:$0x1] =	stream.indirect_vreg.gather [hbm4b:s7+s2], $0x80, v20, vm0, $0xb8;
	[tilespmem:$0x10588] =	vst v63  }
0x348: {  	s22 =	simm.s32 $0xA980;
	v20 =	vadd.s32 v3, v22;
	v22 =	vperm.xlane v18, v16  }
0x349: {  	[tilespmem:s22], [sflag:$0x1] =	stream.indirect_vreg.gather [hbm4b:s7+s2], $0x80, v21, vm0, $0xb8;
	[tilespmem:$0x10588] =	vst v63  }
0x34a: {  	v18 =	vperm.xlane v18, v17;
	s23 =	simm.s32 $0xAA00;
	v21 =	vadd.s32 v3, v22  }
0x34b: {  	[tilespmem:s23], [sflag:$0x1] =	stream.indirect_vreg.gather [hbm4b:s7+s2], $0x80, v19, vm0, $0xb8;
	[tilespmem:$0x10588] =	vst v63  }
0x34c: {  	v18 =	vadd.s32 v3, v18;
	s22 =	simm.s32 $0xAA80  }
0x34d: {  	[tilespmem:s22], [sflag:$0x1] =	stream.indirect_vreg.gather [hbm4b:s7+s2], $0x80, v20, vm0, $0xb8;
	[tilespmem:$0x10588] =	vst v63  }
0x34e: {  	s23 =	simm.s32 $0xAB00  }
0x34f: {  	[tilespmem:s23], [sflag:$0x1] =	stream.indirect_vreg.gather [hbm4b:s7+s2], $0x80, v21, vm0, $0xb8;
	[tilespmem:$0x10588] =	vst v63  }
0x350: {  	s22 =	simm.s32 $0xAB80  }
0x351: {  	[tilespmem:s22], [sflag:$0x1] =	stream.indirect_vreg.gather [hbm4b:s7+s2], $0x80, v18, vm0, $0xb8;
	[tilespmem:$0x10588] =	vst v63  }
0x352: {  	v18 =	vld [tilespmem:$0x150];
	_ =	sdelay $0x4  }
0x353: {  	v19 =	vshll.u32 v18, $0x7  }
0x354: {  	v18 =	vand.u32 $0x7, v18;
	v19 =	vand.u32 $0xFFFFFC00, v19  }
0x355: {  	v18 =	vor.u32 v18, v19  }
0x356: {  	v19 =	vperm.xlane v18, v1;
	_ =	sdelay $0x1  }
0x357: {  	v20 =	vperm.xlane v18, v4;
	v19 =	vadd.s32 v3, v19;
	_ =	sdelay $0x1  }
0x358: {  	v21 =	vperm.xlane v18, v5;
	v20 =	vadd.s32 v3, v20;
	_ =	sdelay $0x1  }
0x359: {  	s23 =	simm.s32 $0xAC00;
	v22 =	vperm.xlane v18, v6;
	v21 =	vadd.s32 v3, v21  }
0x35a: {  	[tilespmem:s23], [sflag:$0x1] =	stream.indirect_vreg.gather [hbm4b:s7+s2], $0x80, v19, vm0, $0xb8;
	[tilespmem:$0x10588] =	vst v63  }
0x35b: {  	s22 =	simm.s32 $0xAC80;
	v19 =	vadd.s32 v3, v22;
	v22 =	vperm.xlane v18, v7  }
0x35c: {  	[tilespmem:s22], [sflag:$0x1] =	stream.indirect_vreg.gather [hbm4b:s7+s2], $0x80, v20, vm0, $0xb8;
	[tilespmem:$0x10588] =	vst v63  }
0x35d: {  	s23 =	simm.s32 $0xAD00;
	v20 =	vadd.s32 v3, v22;
	v22 =	vperm.xlane v18, v8  }
0x35e: {  	[tilespmem:s23], [sflag:$0x1] =	stream.indirect_vreg.gather [hbm4b:s7+s2], $0x80, v21, vm0, $0xb8;
	[tilespmem:$0x10588] =	vst v63  }
0x35f: {  	s22 =	simm.s32 $0xAD80;
	v21 =	vadd.s32 v3, v22;
	v22 =	vperm.xlane v18, v9  }
0x360: {  	[tilespmem:s22], [sflag:$0x1] =	stream.indirect_vreg.gather [hbm4b:s7+s2], $0x80, v19, vm0, $0xb8;
	[tilespmem:$0x10588] =	vst v63  }
0x361: {  	s23 =	simm.s32 $0xAE00;
	v19 =	vadd.s32 v3, v22;
	v22 =	vperm.xlane v18, v2  }
0x362: {  	[tilespmem:s23], [sflag:$0x1] =	stream.indirect_vreg.gather [hbm4b:s7+s2], $0x80, v20, vm0, $0xb8;
	[tilespmem:$0x10588] =	vst v63  }
0x363: {  	s22 =	simm.s32 $0xAE80;
	v20 =	vadd.s32 v3, v22;
	v22 =	vperm.xlane v18, v10  }
0x364: {  	[tilespmem:s22], [sflag:$0x1] =	stream.indirect_vreg.gather [hbm4b:s7+s2], $0x80, v21, vm0, $0xb8;
	[tilespmem:$0x10588] =	vst v63  }
0x365: {  	s23 =	simm.s32 $0xAF00;
	v21 =	vadd.s32 v3, v22;
	v22 =	vperm.xlane v18, v11  }
0x366: {  	[tilespmem:s23], [sflag:$0x1] =	stream.indirect_vreg.gather [hbm4b:s7+s2], $0x80, v19, vm0, $0xb8;
	[tilespmem:$0x10588] =	vst v63  }
0x367: {  	s22 =	simm.s32 $0xAF80;
	v19 =	vadd.s32 v3, v22;
	v22 =	vperm.xlane v18, v12  }
0x368: {  	[tilespmem:s22], [sflag:$0x1] =	stream.indirect_vreg.gather [hbm4b:s7+s2], $0x80, v20, vm0, $0xb8;
	[tilespmem:$0x10588] =	vst v63  }
0x369: {  	s23 =	simm.s32 $0xB000;
	v20 =	vadd.s32 v3, v22;
	v22 =	vperm.xlane v18, v13  }
0x36a: {  	[tilespmem:s23], [sflag:$0x1] =	stream.indirect_vreg.gather [hbm4b:s7+s2], $0x80, v21, vm0, $0xb8;
	[tilespmem:$0x10588] =	vst v63  }
0x36b: {  	s22 =	simm.s32 $0xB080;
	v21 =	vadd.s32 v3, v22;
	v22 =	vperm.xlane v18, v14  }
0x36c: {  	[tilespmem:s22], [sflag:$0x1] =	stream.indirect_vreg.gather [hbm4b:s7+s2], $0x80, v19, vm0, $0xb8;
	[tilespmem:$0x10588] =	vst v63  }
0x36d: {  	s23 =	simm.s32 $0xB100;
	v19 =	vadd.s32 v3, v22;
	v22 =	vperm.xlane v18, v15  }
0x36e: {  	[tilespmem:s23], [sflag:$0x1] =	stream.indirect_vreg.gather [hbm4b:s7+s2], $0x80, v20, vm0, $0xb8;
	[tilespmem:$0x10588] =	vst v63  }
0x36f: {  	s22 =	simm.s32 $0xB180;
	v20 =	vadd.s32 v3, v22;
	v22 =	vperm.xlane v18, v16  }
0x370: {  	[tilespmem:s22], [sflag:$0x1] =	stream.indirect_vreg.gather [hbm4b:s7+s2], $0x80, v21, vm0, $0xb8;
	[tilespmem:$0x10588] =	vst v63  }
0x371: {  	v18 =	vperm.xlane v18, v17;
	s23 =	simm.s32 $0xB200;
	v21 =	vadd.s32 v3, v22  }
0x372: {  	[tilespmem:s23], [sflag:$0x1] =	stream.indirect_vreg.gather [hbm4b:s7+s2], $0x80, v19, vm0, $0xb8;
	[tilespmem:$0x10588] =	vst v63  }
0x373: {  	v18 =	vadd.s32 v3, v18;
	s22 =	simm.s32 $0xB280  }
0x374: {  	[tilespmem:s22], [sflag:$0x1] =	stream.indirect_vreg.gather [hbm4b:s7+s2], $0x80, v20, vm0, $0xb8;
	[tilespmem:$0x10588] =	vst v63  }
0x375: {  	s23 =	simm.s32 $0xB300  }
0x376: {  	[tilespmem:s23], [sflag:$0x1] =	stream.indirect_vreg.gather [hbm4b:s7+s2], $0x80, v21, vm0, $0xb8;
	[tilespmem:$0x10588] =	vst v63  }
0x377: {  	s22 =	simm.s32 $0xB380  }
0x378: {  	[tilespmem:s22], [sflag:$0x1] =	stream.indirect_vreg.gather [hbm4b:s7+s2], $0x80, v18, vm0, $0xb8;
	[tilespmem:$0x10588] =	vst v63  }
0x379: {  	v18 =	vld [tilespmem:$0x160];
	_ =	sdelay $0x4  }
0x37a: {  	v19 =	vshll.u32 v18, $0x7  }
0x37b: {  	v18 =	vand.u32 $0x7, v18;
	v19 =	vand.u32 $0xFFFFFC00, v19  }
0x37c: {  	v18 =	vor.u32 v18, v19  }
0x37d: {  	v19 =	vperm.xlane v18, v1;
	_ =	sdelay $0x1  }
0x37e: {  	v20 =	vperm.xlane v18, v4;
	v19 =	vadd.s32 v3, v19;
	_ =	sdelay $0x1  }
0x37f: {  	v21 =	vperm.xlane v18, v5;
	v20 =	vadd.s32 v3, v20;
	_ =	sdelay $0x1  }
0x380: {  	s23 =	simm.s32 $0xB400;
	v22 =	vperm.xlane v18, v6;
	v21 =	vadd.s32 v3, v21  }
0x381: {  	[tilespmem:s23], [sflag:$0x1] =	stream.indirect_vreg.gather [hbm4b:s7+s2], $0x80, v19, vm0, $0xb8;
	[tilespmem:$0x10588] =	vst v63  }
0x382: {  	s22 =	simm.s32 $0xB480;
	v19 =	vadd.s32 v3, v22;
	v22 =	vperm.xlane v18, v7  }
0x383: {  	[tilespmem:s22], [sflag:$0x1] =	stream.indirect_vreg.gather [hbm4b:s7+s2], $0x80, v20, vm0, $0xb8;
	[tilespmem:$0x10588] =	vst v63  }
0x384: {  	s23 =	simm.s32 $0xB500;
	v20 =	vadd.s32 v3, v22;
	v22 =	vperm.xlane v18, v8  }
0x385: {  	[tilespmem:s23], [sflag:$0x1] =	stream.indirect_vreg.gather [hbm4b:s7+s2], $0x80, v21, vm0, $0xb8;
	[tilespmem:$0x10588] =	vst v63  }
0x386: {  	s22 =	simm.s32 $0xB580;
	v21 =	vadd.s32 v3, v22;
	v22 =	vperm.xlane v18, v9  }
0x387: {  	[tilespmem:s22], [sflag:$0x1] =	stream.indirect_vreg.gather [hbm4b:s7+s2], $0x80, v19, vm0, $0xb8;
	[tilespmem:$0x10588] =	vst v63  }
0x388: {  	s23 =	simm.s32 $0xB600;
	v19 =	vadd.s32 v3, v22;
	v22 =	vperm.xlane v18, v2  }
0x389: {  	[tilespmem:s23], [sflag:$0x1] =	stream.indirect_vreg.gather [hbm4b:s7+s2], $0x80, v20, vm0, $0xb8;
	[tilespmem:$0x10588] =	vst v63  }
0x38a: {  	s22 =	simm.s32 $0xB680;
	v20 =	vadd.s32 v3, v22;
	v22 =	vperm.xlane v18, v10  }
0x38b: {  	[tilespmem:s22], [sflag:$0x1] =	stream.indirect_vreg.gather [hbm4b:s7+s2], $0x80, v21, vm0, $0xb8;
	[tilespmem:$0x10588] =	vst v63  }
0x38c: {  	s23 =	simm.s32 $0xB700;
	v21 =	vadd.s32 v3, v22;
	v22 =	vperm.xlane v18, v11  }
0x38d: {  	[tilespmem:s23], [sflag:$0x1] =	stream.indirect_vreg.gather [hbm4b:s7+s2], $0x80, v19, vm0, $0xb8;
	[tilespmem:$0x10588] =	vst v63  }
0x38e: {  	s22 =	simm.s32 $0xB780;
	v19 =	vadd.s32 v3, v22;
	v22 =	vperm.xlane v18, v12  }
0x38f: {  	[tilespmem:s22], [sflag:$0x1] =	stream.indirect_vreg.gather [hbm4b:s7+s2], $0x80, v20, vm0, $0xb8;
	[tilespmem:$0x10588] =	vst v63  }
0x390: {  	s23 =	simm.s32 $0xB800;
	v20 =	vadd.s32 v3, v22;
	v22 =	vperm.xlane v18, v13  }
0x391: {  	[tilespmem:s23], [sflag:$0x1] =	stream.indirect_vreg.gather [hbm4b:s7+s2], $0x80, v21, vm0, $0xb8;
	[tilespmem:$0x10588] =	vst v63  }
0x392: {  	s22 =	simm.s32 $0xB880;
	v21 =	vadd.s32 v3, v22;
	v22 =	vperm.xlane v18, v14  }
0x393: {  	[tilespmem:s22], [sflag:$0x1] =	stream.indirect_vreg.gather [hbm4b:s7+s2], $0x80, v19, vm0, $0xb8;
	[tilespmem:$0x10588] =	vst v63  }
0x394: {  	s23 =	simm.s32 $0xB900;
	v19 =	vadd.s32 v3, v22;
	v22 =	vperm.xlane v18, v15  }
0x395: {  	[tilespmem:s23], [sflag:$0x1] =	stream.indirect_vreg.gather [hbm4b:s7+s2], $0x80, v20, vm0, $0xb8;
	[tilespmem:$0x10588] =	vst v63  }
0x396: {  	s22 =	simm.s32 $0xB980;
	v20 =	vadd.s32 v3, v22;
	v22 =	vperm.xlane v18, v16  }
0x397: {  	[tilespmem:s22], [sflag:$0x1] =	stream.indirect_vreg.gather [hbm4b:s7+s2], $0x80, v21, vm0, $0xb8;
	[tilespmem:$0x10588] =	vst v63  }
0x398: {  	v18 =	vperm.xlane v18, v17;
	s23 =	simm.s32 $0xBA00;
	v21 =	vadd.s32 v3, v22  }
0x399: {  	[tilespmem:s23], [sflag:$0x1] =	stream.indirect_vreg.gather [hbm4b:s7+s2], $0x80, v19, vm0, $0xb8;
	[tilespmem:$0x10588] =	vst v63  }
0x39a: {  	v18 =	vadd.s32 v3, v18;
	s22 =	simm.s32 $0xBA80  }
0x39b: {  	[tilespmem:s22], [sflag:$0x1] =	stream.indirect_vreg.gather [hbm4b:s7+s2], $0x80, v20, vm0, $0xb8;
	[tilespmem:$0x10588] =	vst v63  }
0x39c: {  	s23 =	simm.s32 $0xBB00  }
0x39d: {  	[tilespmem:s23], [sflag:$0x1] =	stream.indirect_vreg.gather [hbm4b:s7+s2], $0x80, v21, vm0, $0xb8;
	[tilespmem:$0x10588] =	vst v63  }
0x39e: {  	s22 =	simm.s32 $0xBB80  }
0x39f: {  	[tilespmem:s22], [sflag:$0x1] =	stream.indirect_vreg.gather [hbm4b:s7+s2], $0x80, v18, vm0, $0xb8;
	[tilespmem:$0x10588] =	vst v63  }
0x3a0: {  	v18 =	vld [tilespmem:$0x170];
	_ =	sdelay $0x4  }
0x3a1: {  	v19 =	vshll.u32 v18, $0x7  }
0x3a2: {  	v18 =	vand.u32 $0x7, v18;
	v19 =	vand.u32 $0xFFFFFC00, v19  }
0x3a3: {  	v18 =	vor.u32 v18, v19  }
0x3a4: {  	v19 =	vperm.xlane v18, v1;
	_ =	sdelay $0x1  }
0x3a5: {  	v20 =	vperm.xlane v18, v4;
	v19 =	vadd.s32 v3, v19;
	_ =	sdelay $0x1  }
0x3a6: {  	v21 =	vperm.xlane v18, v5;
	v20 =	vadd.s32 v3, v20;
	_ =	sdelay $0x1  }
0x3a7: {  	s23 =	simm.s32 $0xBC00;
	v22 =	vperm.xlane v18, v6;
	v21 =	vadd.s32 v3, v21  }
0x3a8: {  	[tilespmem:s23], [sflag:$0x1] =	stream.indirect_vreg.gather [hbm4b:s7+s2], $0x80, v19, vm0, $0xb8;
	[tilespmem:$0x10588] =	vst v63  }
0x3a9: {  	s22 =	simm.s32 $0xBC80;
	v19 =	vadd.s32 v3, v22;
	v22 =	vperm.xlane v18, v7  }
0x3aa: {  	[tilespmem:s22], [sflag:$0x1] =	stream.indirect_vreg.gather [hbm4b:s7+s2], $0x80, v20, vm0, $0xb8;
	[tilespmem:$0x10588] =	vst v63  }
0x3ab: {  	s23 =	simm.s32 $0xBD00;
	v20 =	vadd.s32 v3, v22;
	v22 =	vperm.xlane v18, v8  }
0x3ac: {  	[tilespmem:s23], [sflag:$0x1] =	stream.indirect_vreg.gather [hbm4b:s7+s2], $0x80, v21, vm0, $0xb8;
	[tilespmem:$0x10588] =	vst v63  }
0x3ad: {  	s22 =	simm.s32 $0xBD80;
	v21 =	vadd.s32 v3, v22;
	v22 =	vperm.xlane v18, v9  }
0x3ae: {  	[tilespmem:s22], [sflag:$0x1] =	stream.indirect_vreg.gather [hbm4b:s7+s2], $0x80, v19, vm0, $0xb8;
	[tilespmem:$0x10588] =	vst v63  }
0x3af: {  	s23 =	simm.s32 $0xBE00;
	v19 =	vadd.s32 v3, v22;
	v22 =	vperm.xlane v18, v2  }
0x3b0: {  	[tilespmem:s23], [sflag:$0x1] =	stream.indirect_vreg.gather [hbm4b:s7+s2], $0x80, v20, vm0, $0xb8;
	[tilespmem:$0x10588] =	vst v63  }
0x3b1: {  	s22 =	simm.s32 $0xBE80;
	v20 =	vadd.s32 v3, v22;
	v22 =	vperm.xlane v18, v10  }
0x3b2: {  	[tilespmem:s22], [sflag:$0x1] =	stream.indirect_vreg.gather [hbm4b:s7+s2], $0x80, v21, vm0, $0xb8;
	[tilespmem:$0x10588] =	vst v63  }
0x3b3: {  	s23 =	simm.s32 $0xBF00;
	v21 =	vadd.s32 v3, v22;
	v22 =	vperm.xlane v18, v11  }
0x3b4: {  	[tilespmem:s23], [sflag:$0x1] =	stream.indirect_vreg.gather [hbm4b:s7+s2], $0x80, v19, vm0, $0xb8;
	[tilespmem:$0x10588] =	vst v63  }
0x3b5: {  	s22 =	simm.s32 $0xBF80;
	v19 =	vadd.s32 v3, v22;
	v22 =	vperm.xlane v18, v12  }
0x3b6: {  	[tilespmem:s22], [sflag:$0x1] =	stream.indirect_vreg.gather [hbm4b:s7+s2], $0x80, v20, vm0, $0xb8;
	[tilespmem:$0x10588] =	vst v63  }
0x3b7: {  	s23 =	simm.s32 $0xC000;
	v20 =	vadd.s32 v3, v22;
	v22 =	vperm.xlane v18, v13  }
0x3b8: {  	[tilespmem:s23], [sflag:$0x1] =	stream.indirect_vreg.gather [hbm4b:s7+s2], $0x80, v21, vm0, $0xb8;
	[tilespmem:$0x10588] =	vst v63  }
0x3b9: {  	s22 =	simm.s32 $0xC080;
	v21 =	vadd.s32 v3, v22;
	v22 =	vperm.xlane v18, v14  }
0x3ba: {  	[tilespmem:s22], [sflag:$0x1] =	stream.indirect_vreg.gather [hbm4b:s7+s2], $0x80, v19, vm0, $0xb8;
	[tilespmem:$0x10588] =	vst v63  }
0x3bb: {  	s23 =	simm.s32 $0xC100;
	v19 =	vadd.s32 v3, v22;
	v22 =	vperm.xlane v18, v15  }
0x3bc: {  	[tilespmem:s23], [sflag:$0x1] =	stream.indirect_vreg.gather [hbm4b:s7+s2], $0x80, v20, vm0, $0xb8;
	[tilespmem:$0x10588] =	vst v63  }
0x3bd: {  	s22 =	simm.s32 $0xC180;
	v20 =	vadd.s32 v3, v22;
	v22 =	vperm.xlane v18, v16  }
0x3be: {  	[tilespmem:s22], [sflag:$0x1] =	stream.indirect_vreg.gather [hbm4b:s7+s2], $0x80, v21, vm0, $0xb8;
	[tilespmem:$0x10588] =	vst v63  }
0x3bf: {  	v18 =	vperm.xlane v18, v17;
	s23 =	simm.s32 $0xC200;
	v21 =	vadd.s32 v3, v22  }
0x3c0: {  	[tilespmem:s23], [sflag:$0x1] =	stream.indirect_vreg.gather [hbm4b:s7+s2], $0x80, v19, vm0, $0xb8;
	[tilespmem:$0x10588] =	vst v63  }
0x3c1: {  	v18 =	vadd.s32 v3, v18;
	s22 =	simm.s32 $0xC280  }
0x3c2: {  	[tilespmem:s22], [sflag:$0x1] =	stream.indirect_vreg.gather [hbm4b:s7+s2], $0x80, v20, vm0, $0xb8;
	[tilespmem:$0x10588] =	vst v63  }
0x3c3: {  	s23 =	simm.s32 $0xC300  }
0x3c4: {  	[tilespmem:s23], [sflag:$0x1] =	stream.indirect_vreg.gather [hbm4b:s7+s2], $0x80, v21, vm0, $0xb8;
	[tilespmem:$0x10588] =	vst v63  }
0x3c5: {  	s22 =	simm.s32 $0xC380  }
0x3c6: {  	[tilespmem:s22], [sflag:$0x1] =	stream.indirect_vreg.gather [hbm4b:s7+s2], $0x80, v18, vm0, $0xb8;
	[tilespmem:$0x10588] =	vst v63  }
0x3c7: {  	v18 =	vld [tilespmem:$0x180];
	_ =	sdelay $0x4  }
0x3c8: {  	v19 =	vshll.u32 v18, $0x7  }
0x3c9: {  	v18 =	vand.u32 $0x7, v18;
	v19 =	vand.u32 $0xFFFFFC00, v19  }
0x3ca: {  	v18 =	vor.u32 v18, v19  }
0x3cb: {  	v19 =	vperm.xlane v18, v1;
	_ =	sdelay $0x1  }
0x3cc: {  	v20 =	vperm.xlane v18, v4;
	v19 =	vadd.s32 v3, v19;
	_ =	sdelay $0x1  }
0x3cd: {  	v21 =	vperm.xlane v18, v5;
	v20 =	vadd.s32 v3, v20;
	_ =	sdelay $0x1  }
0x3ce: {  	v22 =	vperm.xlane v18, v6;
	v21 =	vadd.s32 v3, v21  }
0x3cf: {  	[tilespmem:s24], [sflag:$0x1] =	stream.indirect_vreg.gather [hbm4b:s8+s2], $0x80, v19, vm0, $0xb8;
	[tilespmem:$0x10588] =	vst v63  }
0x3d0: {  	s23 =	simm.s32 $0xC480;
	v19 =	vadd.s32 v3, v22;
	v22 =	vperm.xlane v18, v7  }
0x3d1: {  	[tilespmem:s23], [sflag:$0x1] =	stream.indirect_vreg.gather [hbm4b:s8+s2], $0x80, v20, vm0, $0xb8;
	[tilespmem:$0x10588] =	vst v63  }
0x3d2: {  	s22 =	simm.s32 $0xC500;
	v20 =	vadd.s32 v3, v22;
	v22 =	vperm.xlane v18, v8  }
0x3d3: {  	[tilespmem:s22], [sflag:$0x1] =	stream.indirect_vreg.gather [hbm4b:s8+s2], $0x80, v21, vm0, $0xb8;
	[tilespmem:$0x10588] =	vst v63  }
0x3d4: {  	s23 =	simm.s32 $0xC580;
	v21 =	vadd.s32 v3, v22;
	v22 =	vperm.xlane v18, v9  }
0x3d5: {  	[tilespmem:s23], [sflag:$0x1] =	stream.indirect_vreg.gather [hbm4b:s8+s2], $0x80, v19, vm0, $0xb8;
	[tilespmem:$0x10588] =	vst v63  }
0x3d6: {  	s22 =	simm.s32 $0xC600;
	v19 =	vadd.s32 v3, v22;
	v22 =	vperm.xlane v18, v2  }
0x3d7: {  	[tilespmem:s22], [sflag:$0x1] =	stream.indirect_vreg.gather [hbm4b:s8+s2], $0x80, v20, vm0, $0xb8;
	[tilespmem:$0x10588] =	vst v63  }
0x3d8: {  	s23 =	simm.s32 $0xC680;
	v20 =	vadd.s32 v3, v22;
	v22 =	vperm.xlane v18, v10  }
0x3d9: {  	[tilespmem:s23], [sflag:$0x1] =	stream.indirect_vreg.gather [hbm4b:s8+s2], $0x80, v21, vm0, $0xb8;
	[tilespmem:$0x10588] =	vst v63  }
0x3da: {  	s22 =	simm.s32 $0xC700;
	v21 =	vadd.s32 v3, v22;
	v22 =	vperm.xlane v18, v11  }
0x3db: {  	[tilespmem:s22], [sflag:$0x1] =	stream.indirect_vreg.gather [hbm4b:s8+s2], $0x80, v19, vm0, $0xb8;
	[tilespmem:$0x10588] =	vst v63  }
0x3dc: {  	s23 =	simm.s32 $0xC780;
	v19 =	vadd.s32 v3, v22;
	v22 =	vperm.xlane v18, v12  }
0x3dd: {  	[tilespmem:s23], [sflag:$0x1] =	stream.indirect_vreg.gather [hbm4b:s8+s2], $0x80, v20, vm0, $0xb8;
	[tilespmem:$0x10588] =	vst v63  }
0x3de: {  	s22 =	simm.s32 $0xC800;
	v20 =	vadd.s32 v3, v22;
	v22 =	vperm.xlane v18, v13  }
0x3df: {  	[tilespmem:s22], [sflag:$0x1] =	stream.indirect_vreg.gather [hbm4b:s8+s2], $0x80, v21, vm0, $0xb8;
	[tilespmem:$0x10588] =	vst v63  }
0x3e0: {  	s23 =	simm.s32 $0xC880;
	v21 =	vadd.s32 v3, v22;
	v22 =	vperm.xlane v18, v14  }
0x3e1: {  	[tilespmem:s23], [sflag:$0x1] =	stream.indirect_vreg.gather [hbm4b:s8+s2], $0x80, v19, vm0, $0xb8;
	[tilespmem:$0x10588] =	vst v63  }
0x3e2: {  	s22 =	simm.s32 $0xC900;
	v19 =	vadd.s32 v3, v22;
	v22 =	vperm.xlane v18, v15  }
0x3e3: {  	[tilespmem:s22], [sflag:$0x1] =	stream.indirect_vreg.gather [hbm4b:s8+s2], $0x80, v20, vm0, $0xb8;
	[tilespmem:$0x10588] =	vst v63  }
0x3e4: {  	s23 =	simm.s32 $0xC980;
	v20 =	vadd.s32 v3, v22;
	v22 =	vperm.xlane v18, v16  }
0x3e5: {  	[tilespmem:s23], [sflag:$0x1] =	stream.indirect_vreg.gather [hbm4b:s8+s2], $0x80, v21, vm0, $0xb8;
	[tilespmem:$0x10588] =	vst v63  }
0x3e6: {  	v18 =	vperm.xlane v18, v17;
	s22 =	simm.s32 $0xCA00;
	v21 =	vadd.s32 v3, v22  }
0x3e7: {  	[tilespmem:s22], [sflag:$0x1] =	stream.indirect_vreg.gather [hbm4b:s8+s2], $0x80, v19, vm0, $0xb8;
	[tilespmem:$0x10588] =	vst v63  }
0x3e8: {  	v18 =	vadd.s32 v3, v18;
	s23 =	simm.s32 $0xCA80  }
0x3e9: {  	[tilespmem:s23], [sflag:$0x1] =	stream.indirect_vreg.gather [hbm4b:s8+s2], $0x80, v20, vm0, $0xb8;
	[tilespmem:$0x10588] =	vst v63  }
0x3ea: {  	s22 =	simm.s32 $0xCB00  }
0x3eb: {  	[tilespmem:s22], [sflag:$0x1] =	stream.indirect_vreg.gather [hbm4b:s8+s2], $0x80, v21, vm0, $0xb8;
	[tilespmem:$0x10588] =	vst v63  }
0x3ec: {  	s23 =	simm.s32 $0xCB80  }
0x3ed: {  	[tilespmem:s23], [sflag:$0x1] =	stream.indirect_vreg.gather [hbm4b:s8+s2], $0x80, v18, vm0, $0xb8;
	[tilespmem:$0x10588] =	vst v63  }
0x3ee: {  	v18 =	vld [tilespmem:$0x190];
	_ =	sdelay $0x4  }
0x3ef: {  	v19 =	vshll.u32 v18, $0x7  }
0x3f0: {  	v18 =	vand.u32 $0x7, v18;
	v19 =	vand.u32 $0xFFFFFC00, v19  }
0x3f1: {  	v18 =	vor.u32 v18, v19  }
0x3f2: {  	v19 =	vperm.xlane v18, v1;
	_ =	sdelay $0x1  }
0x3f3: {  	v20 =	vperm.xlane v18, v4;
	v19 =	vadd.s32 v3, v19;
	_ =	sdelay $0x1  }
0x3f4: {  	v21 =	vperm.xlane v18, v5;
	v20 =	vadd.s32 v3, v20;
	_ =	sdelay $0x1  }
0x3f5: {  	s22 =	simm.s32 $0xCC00;
	v22 =	vperm.xlane v18, v6;
	v21 =	vadd.s32 v3, v21  }
0x3f6: {  	[tilespmem:s22], [sflag:$0x1] =	stream.indirect_vreg.gather [hbm4b:s8+s2], $0x80, v19, vm0, $0xb8;
	[tilespmem:$0x10588] =	vst v63  }
0x3f7: {  	s23 =	simm.s32 $0xCC80;
	v19 =	vadd.s32 v3, v22;
	v22 =	vperm.xlane v18, v7  }
0x3f8: {  	[tilespmem:s23], [sflag:$0x1] =	stream.indirect_vreg.gather [hbm4b:s8+s2], $0x80, v20, vm0, $0xb8;
	[tilespmem:$0x10588] =	vst v63  }
0x3f9: {  	s22 =	simm.s32 $0xCD00;
	v20 =	vadd.s32 v3, v22;
	v22 =	vperm.xlane v18, v8  }
0x3fa: {  	[tilespmem:s22], [sflag:$0x1] =	stream.indirect_vreg.gather [hbm4b:s8+s2], $0x80, v21, vm0, $0xb8;
	[tilespmem:$0x10588] =	vst v63  }
0x3fb: {  	s23 =	simm.s32 $0xCD80;
	v21 =	vadd.s32 v3, v22;
	v22 =	vperm.xlane v18, v9  }
0x3fc: {  	[tilespmem:s23], [sflag:$0x1] =	stream.indirect_vreg.gather [hbm4b:s8+s2], $0x80, v19, vm0, $0xb8;
	[tilespmem:$0x10588] =	vst v63  }
0x3fd: {  	s22 =	simm.s32 $0xCE00;
	v19 =	vadd.s32 v3, v22;
	v22 =	vperm.xlane v18, v2  }
0x3fe: {  	[tilespmem:s22], [sflag:$0x1] =	stream.indirect_vreg.gather [hbm4b:s8+s2], $0x80, v20, vm0, $0xb8;
	[tilespmem:$0x10588] =	vst v63  }
0x3ff: {  	s23 =	simm.s32 $0xCE80;
	v20 =	vadd.s32 v3, v22;
	v22 =	vperm.xlane v18, v10  }
0x400: {  	[tilespmem:s23], [sflag:$0x1] =	stream.indirect_vreg.gather [hbm4b:s8+s2], $0x80, v21, vm0, $0xb8;
	[tilespmem:$0x10588] =	vst v63  }
0x401: {  	s22 =	simm.s32 $0xCF00;
	v21 =	vadd.s32 v3, v22;
	v22 =	vperm.xlane v18, v11  }
0x402: {  	[tilespmem:s22], [sflag:$0x1] =	stream.indirect_vreg.gather [hbm4b:s8+s2], $0x80, v19, vm0, $0xb8;
	[tilespmem:$0x10588] =	vst v63  }
0x403: {  	s23 =	simm.s32 $0xCF80;
	v19 =	vadd.s32 v3, v22;
	v22 =	vperm.xlane v18, v12  }
0x404: {  	[tilespmem:s23], [sflag:$0x1] =	stream.indirect_vreg.gather [hbm4b:s8+s2], $0x80, v20, vm0, $0xb8;
	[tilespmem:$0x10588] =	vst v63  }
0x405: {  	s22 =	simm.s32 $0xD000;
	v20 =	vadd.s32 v3, v22;
	v22 =	vperm.xlane v18, v13  }
0x406: {  	[tilespmem:s22], [sflag:$0x1] =	stream.indirect_vreg.gather [hbm4b:s8+s2], $0x80, v21, vm0, $0xb8;
	[tilespmem:$0x10588] =	vst v63  }
0x407: {  	s23 =	simm.s32 $0xD080;
	v21 =	vadd.s32 v3, v22;
	v22 =	vperm.xlane v18, v14  }
0x408: {  	[tilespmem:s23], [sflag:$0x1] =	stream.indirect_vreg.gather [hbm4b:s8+s2], $0x80, v19, vm0, $0xb8;
	[tilespmem:$0x10588] =	vst v63  }
0x409: {  	s22 =	simm.s32 $0xD100;
	v19 =	vadd.s32 v3, v22;
	v22 =	vperm.xlane v18, v15  }
0x40a: {  	[tilespmem:s22], [sflag:$0x1] =	stream.indirect_vreg.gather [hbm4b:s8+s2], $0x80, v20, vm0, $0xb8;
	[tilespmem:$0x10588] =	vst v63  }
0x40b: {  	s23 =	simm.s32 $0xD180;
	v20 =	vadd.s32 v3, v22;
	v22 =	vperm.xlane v18, v16  }
0x40c: {  	[tilespmem:s23], [sflag:$0x1] =	stream.indirect_vreg.gather [hbm4b:s8+s2], $0x80, v21, vm0, $0xb8;
	[tilespmem:$0x10588] =	vst v63  }
0x40d: {  	v18 =	vperm.xlane v18, v17;
	s22 =	simm.s32 $0xD200;
	v21 =	vadd.s32 v3, v22  }
0x40e: {  	[tilespmem:s22], [sflag:$0x1] =	stream.indirect_vreg.gather [hbm4b:s8+s2], $0x80, v19, vm0, $0xb8;
	[tilespmem:$0x10588] =	vst v63  }
0x40f: {  	v18 =	vadd.s32 v3, v18;
	s23 =	simm.s32 $0xD280  }
0x410: {  	[tilespmem:s23], [sflag:$0x1] =	stream.indirect_vreg.gather [hbm4b:s8+s2], $0x80, v20, vm0, $0xb8;
	[tilespmem:$0x10588] =	vst v63  }
0x411: {  	s22 =	simm.s32 $0xD300  }
0x412: {  	[tilespmem:s22], [sflag:$0x1] =	stream.indirect_vreg.gather [hbm4b:s8+s2], $0x80, v21, vm0, $0xb8;
	[tilespmem:$0x10588] =	vst v63  }
0x413: {  	s23 =	simm.s32 $0xD380  }
0x414: {  	[tilespmem:s23], [sflag:$0x1] =	stream.indirect_vreg.gather [hbm4b:s8+s2], $0x80, v18, vm0, $0xb8;
	[tilespmem:$0x10588] =	vst v63  }
0x415: {  	v18 =	vld [tilespmem:$0x1A0];
	_ =	sdelay $0x4  }
0x416: {  	v19 =	vshll.u32 v18, $0x7  }
0x417: {  	v18 =	vand.u32 $0x7, v18;
	v19 =	vand.u32 $0xFFFFFC00, v19  }
0x418: {  	v18 =	vor.u32 v18, v19  }
0x419: {  	v19 =	vperm.xlane v18, v1;
	_ =	sdelay $0x1  }
0x41a: {  	v20 =	vperm.xlane v18, v4;
	v19 =	vadd.s32 v3, v19;
	_ =	sdelay $0x1  }
0x41b: {  	v21 =	vperm.xlane v18, v5;
	v20 =	vadd.s32 v3, v20;
	_ =	sdelay $0x1  }
0x41c: {  	s22 =	simm.s32 $0xD400;
	v22 =	vperm.xlane v18, v6;
	v21 =	vadd.s32 v3, v21  }
0x41d: {  	[tilespmem:s22], [sflag:$0x1] =	stream.indirect_vreg.gather [hbm4b:s8+s2], $0x80, v19, vm0, $0xb8;
	[tilespmem:$0x10588] =	vst v63  }
0x41e: {  	s23 =	simm.s32 $0xD480;
	v19 =	vadd.s32 v3, v22;
	v22 =	vperm.xlane v18, v7  }
0x41f: {  	[tilespmem:s23], [sflag:$0x1] =	stream.indirect_vreg.gather [hbm4b:s8+s2], $0x80, v20, vm0, $0xb8;
	[tilespmem:$0x10588] =	vst v63  }
0x420: {  	s22 =	simm.s32 $0xD500;
	v20 =	vadd.s32 v3, v22;
	v22 =	vperm.xlane v18, v8  }
0x421: {  	[tilespmem:s22], [sflag:$0x1] =	stream.indirect_vreg.gather [hbm4b:s8+s2], $0x80, v21, vm0, $0xb8;
	[tilespmem:$0x10588] =	vst v63  }
0x422: {  	s23 =	simm.s32 $0xD580;
	v21 =	vadd.s32 v3, v22;
	v22 =	vperm.xlane v18, v9  }
0x423: {  	[tilespmem:s23], [sflag:$0x1] =	stream.indirect_vreg.gather [hbm4b:s8+s2], $0x80, v19, vm0, $0xb8;
	[tilespmem:$0x10588] =	vst v63  }
0x424: {  	s22 =	simm.s32 $0xD600;
	v19 =	vadd.s32 v3, v22;
	v22 =	vperm.xlane v18, v2  }
0x425: {  	[tilespmem:s22], [sflag:$0x1] =	stream.indirect_vreg.gather [hbm4b:s8+s2], $0x80, v20, vm0, $0xb8;
	[tilespmem:$0x10588] =	vst v63  }
0x426: {  	s23 =	simm.s32 $0xD680;
	v20 =	vadd.s32 v3, v22;
	v22 =	vperm.xlane v18, v10  }
0x427: {  	[tilespmem:s23], [sflag:$0x1] =	stream.indirect_vreg.gather [hbm4b:s8+s2], $0x80, v21, vm0, $0xb8;
	[tilespmem:$0x10588] =	vst v63  }
0x428: {  	s22 =	simm.s32 $0xD700;
	v21 =	vadd.s32 v3, v22;
	v22 =	vperm.xlane v18, v11  }
0x429: {  	[tilespmem:s22], [sflag:$0x1] =	stream.indirect_vreg.gather [hbm4b:s8+s2], $0x80, v19, vm0, $0xb8;
	[tilespmem:$0x10588] =	vst v63  }
0x42a: {  	s23 =	simm.s32 $0xD780;
	v19 =	vadd.s32 v3, v22;
	v22 =	vperm.xlane v18, v12  }
0x42b: {  	[tilespmem:s23], [sflag:$0x1] =	stream.indirect_vreg.gather [hbm4b:s8+s2], $0x80, v20, vm0, $0xb8;
	[tilespmem:$0x10588] =	vst v63  }
0x42c: {  	s22 =	simm.s32 $0xD800;
	v20 =	vadd.s32 v3, v22;
	v22 =	vperm.xlane v18, v13  }
0x42d: {  	[tilespmem:s22], [sflag:$0x1] =	stream.indirect_vreg.gather [hbm4b:s8+s2], $0x80, v21, vm0, $0xb8;
	[tilespmem:$0x10588] =	vst v63  }
0x42e: {  	s23 =	simm.s32 $0xD880;
	v21 =	vadd.s32 v3, v22;
	v22 =	vperm.xlane v18, v14  }
0x42f: {  	[tilespmem:s23], [sflag:$0x1] =	stream.indirect_vreg.gather [hbm4b:s8+s2], $0x80, v19, vm0, $0xb8;
	[tilespmem:$0x10588] =	vst v63  }
0x430: {  	s22 =	simm.s32 $0xD900;
	v19 =	vadd.s32 v3, v22;
	v22 =	vperm.xlane v18, v15  }
0x431: {  	[tilespmem:s22], [sflag:$0x1] =	stream.indirect_vreg.gather [hbm4b:s8+s2], $0x80, v20, vm0, $0xb8;
	[tilespmem:$0x10588] =	vst v63  }
0x432: {  	s23 =	simm.s32 $0xD980;
	v20 =	vadd.s32 v3, v22;
	v22 =	vperm.xlane v18, v16  }
0x433: {  	[tilespmem:s23], [sflag:$0x1] =	stream.indirect_vreg.gather [hbm4b:s8+s2], $0x80, v21, vm0, $0xb8;
	[tilespmem:$0x10588] =	vst v63  }
0x434: {  	v18 =	vperm.xlane v18, v17;
	s22 =	simm.s32 $0xDA00;
	v21 =	vadd.s32 v3, v22  }
0x435: {  	[tilespmem:s22], [sflag:$0x1] =	stream.indirect_vreg.gather [hbm4b:s8+s2], $0x80, v19, vm0, $0xb8;
	[tilespmem:$0x10588] =	vst v63  }
0x436: {  	v18 =	vadd.s32 v3, v18;
	s23 =	simm.s32 $0xDA80  }
0x437: {  	[tilespmem:s23], [sflag:$0x1] =	stream.indirect_vreg.gather [hbm4b:s8+s2], $0x80, v20, vm0, $0xb8;
	[tilespmem:$0x10588] =	vst v63  }
0x438: {  	s22 =	simm.s32 $0xDB00  }
0x439: {  	[tilespmem:s22], [sflag:$0x1] =	stream.indirect_vreg.gather [hbm4b:s8+s2], $0x80, v21, vm0, $0xb8;
	[tilespmem:$0x10588] =	vst v63  }
0x43a: {  	s23 =	simm.s32 $0xDB80  }
0x43b: {  	[tilespmem:s23], [sflag:$0x1] =	stream.indirect_vreg.gather [hbm4b:s8+s2], $0x80, v18, vm0, $0xb8;
	[tilespmem:$0x10588] =	vst v63  }
0x43c: {  	v18 =	vld [tilespmem:$0x1B0];
	_ =	sdelay $0x4  }
0x43d: {  	v19 =	vshll.u32 v18, $0x7  }
0x43e: {  	v18 =	vand.u32 $0x7, v18;
	v19 =	vand.u32 $0xFFFFFC00, v19  }
0x43f: {  	v18 =	vor.u32 v18, v19  }
0x440: {  	v19 =	vperm.xlane v18, v1;
	_ =	sdelay $0x1  }
0x441: {  	v20 =	vperm.xlane v18, v4;
	v19 =	vadd.s32 v3, v19;
	_ =	sdelay $0x1  }
0x442: {  	v21 =	vperm.xlane v18, v5;
	v20 =	vadd.s32 v3, v20;
	_ =	sdelay $0x1  }
0x443: {  	s22 =	simm.s32 $0xDC00;
	v22 =	vperm.xlane v18, v6;
	v21 =	vadd.s32 v3, v21  }
0x444: {  	[tilespmem:s22], [sflag:$0x1] =	stream.indirect_vreg.gather [hbm4b:s8+s2], $0x80, v19, vm0, $0xb8;
	[tilespmem:$0x10588] =	vst v63  }
0x445: {  	s23 =	simm.s32 $0xDC80;
	v19 =	vadd.s32 v3, v22;
	v22 =	vperm.xlane v18, v7  }
0x446: {  	[tilespmem:s23], [sflag:$0x1] =	stream.indirect_vreg.gather [hbm4b:s8+s2], $0x80, v20, vm0, $0xb8;
	[tilespmem:$0x10588] =	vst v63  }
0x447: {  	s22 =	simm.s32 $0xDD00;
	v20 =	vadd.s32 v3, v22;
	v22 =	vperm.xlane v18, v8  }
0x448: {  	[tilespmem:s22], [sflag:$0x1] =	stream.indirect_vreg.gather [hbm4b:s8+s2], $0x80, v21, vm0, $0xb8;
	[tilespmem:$0x10588] =	vst v63  }
0x449: {  	s23 =	simm.s32 $0xDD80;
	v21 =	vadd.s32 v3, v22;
	v22 =	vperm.xlane v18, v9  }
0x44a: {  	[tilespmem:s23], [sflag:$0x1] =	stream.indirect_vreg.gather [hbm4b:s8+s2], $0x80, v19, vm0, $0xb8;
	[tilespmem:$0x10588] =	vst v63  }
0x44b: {  	s22 =	simm.s32 $0xDE00;
	v19 =	vadd.s32 v3, v22;
	v22 =	vperm.xlane v18, v2  }
0x44c: {  	[tilespmem:s22], [sflag:$0x1] =	stream.indirect_vreg.gather [hbm4b:s8+s2], $0x80, v20, vm0, $0xb8;
	[tilespmem:$0x10588] =	vst v63  }
0x44d: {  	s23 =	simm.s32 $0xDE80;
	v20 =	vadd.s32 v3, v22;
	v22 =	vperm.xlane v18, v10  }
0x44e: {  	[tilespmem:s23], [sflag:$0x1] =	stream.indirect_vreg.gather [hbm4b:s8+s2], $0x80, v21, vm0, $0xb8;
	[tilespmem:$0x10588] =	vst v63  }
0x44f: {  	s22 =	simm.s32 $0xDF00;
	v21 =	vadd.s32 v3, v22;
	v22 =	vperm.xlane v18, v11  }
0x450: {  	[tilespmem:s22], [sflag:$0x1] =	stream.indirect_vreg.gather [hbm4b:s8+s2], $0x80, v19, vm0, $0xb8;
	[tilespmem:$0x10588] =	vst v63  }
0x451: {  	s23 =	simm.s32 $0xDF80;
	v19 =	vadd.s32 v3, v22;
	v22 =	vperm.xlane v18, v12  }
0x452: {  	[tilespmem:s23], [sflag:$0x1] =	stream.indirect_vreg.gather [hbm4b:s8+s2], $0x80, v20, vm0, $0xb8;
	[tilespmem:$0x10588] =	vst v63  }
0x453: {  	s22 =	simm.s32 $0xE000;
	v20 =	vadd.s32 v3, v22;
	v22 =	vperm.xlane v18, v13  }
0x454: {  	[tilespmem:s22], [sflag:$0x1] =	stream.indirect_vreg.gather [hbm4b:s8+s2], $0x80, v21, vm0, $0xb8;
	[tilespmem:$0x10588] =	vst v63  }
0x455: {  	s23 =	simm.s32 $0xE080;
	v21 =	vadd.s32 v3, v22;
	v22 =	vperm.xlane v18, v14  }
0x456: {  	[tilespmem:s23], [sflag:$0x1] =	stream.indirect_vreg.gather [hbm4b:s8+s2], $0x80, v19, vm0, $0xb8;
	[tilespmem:$0x10588] =	vst v63  }
0x457: {  	s22 =	simm.s32 $0xE100;
	v19 =	vadd.s32 v3, v22;
	v22 =	vperm.xlane v18, v15  }
0x458: {  	[tilespmem:s22], [sflag:$0x1] =	stream.indirect_vreg.gather [hbm4b:s8+s2], $0x80, v20, vm0, $0xb8;
	[tilespmem:$0x10588] =	vst v63  }
0x459: {  	s23 =	simm.s32 $0xE180;
	v20 =	vadd.s32 v3, v22;
	v22 =	vperm.xlane v18, v16  }
0x45a: {  	[tilespmem:s23], [sflag:$0x1] =	stream.indirect_vreg.gather [hbm4b:s8+s2], $0x80, v21, vm0, $0xb8;
	[tilespmem:$0x10588] =	vst v63  }
0x45b: {  	v18 =	vperm.xlane v18, v17;
	s22 =	simm.s32 $0xE200;
	v21 =	vadd.s32 v3, v22  }
0x45c: {  	[tilespmem:s22], [sflag:$0x1] =	stream.indirect_vreg.gather [hbm4b:s8+s2], $0x80, v19, vm0, $0xb8;
	[tilespmem:$0x10588] =	vst v63  }
0x45d: {  	v18 =	vadd.s32 v3, v18;
	s23 =	simm.s32 $0xE280  }
0x45e: {  	[tilespmem:s23], [sflag:$0x1] =	stream.indirect_vreg.gather [hbm4b:s8+s2], $0x80, v20, vm0, $0xb8;
	[tilespmem:$0x10588] =	vst v63  }
0x45f: {  	s22 =	simm.s32 $0xE300  }
0x460: {  	[tilespmem:s22], [sflag:$0x1] =	stream.indirect_vreg.gather [hbm4b:s8+s2], $0x80, v21, vm0, $0xb8;
	[tilespmem:$0x10588] =	vst v63  }
0x461: {  	s23 =	simm.s32 $0xE380  }
0x462: {  	[tilespmem:s23], [sflag:$0x1] =	stream.indirect_vreg.gather [hbm4b:s8+s2], $0x80, v18, vm0, $0xb8;
	[tilespmem:$0x10588] =	vst v63  }
0x463: {  	v18 =	vld [tilespmem:$0x1C0];
	_ =	sdelay $0x4  }
0x464: {  	v19 =	vshll.u32 v18, $0x7  }
0x465: {  	v18 =	vand.u32 $0x7, v18;
	v19 =	vand.u32 $0xFFFFFC00, v19  }
0x466: {  	v18 =	vor.u32 v18, v19  }
0x467: {  	v19 =	vperm.xlane v18, v1;
	_ =	sdelay $0x1  }
0x468: {  	v20 =	vperm.xlane v18, v4;
	v19 =	vadd.s32 v3, v19;
	_ =	sdelay $0x1  }
0x469: {  	v21 =	vperm.xlane v18, v5;
	v20 =	vadd.s32 v3, v20;
	_ =	sdelay $0x1  }
0x46a: {  	s22 =	simm.s32 $0xE400;
	v22 =	vperm.xlane v18, v6;
	v21 =	vadd.s32 v3, v21  }
0x46b: {  	[tilespmem:s22], [sflag:$0x1] =	stream.indirect_vreg.gather [hbm4b:s8+s2], $0x80, v19, vm0, $0xb8;
	[tilespmem:$0x10588] =	vst v63  }
0x46c: {  	s23 =	simm.s32 $0xE480;
	v19 =	vadd.s32 v3, v22;
	v22 =	vperm.xlane v18, v7  }
0x46d: {  	[tilespmem:s23], [sflag:$0x1] =	stream.indirect_vreg.gather [hbm4b:s8+s2], $0x80, v20, vm0, $0xb8;
	[tilespmem:$0x10588] =	vst v63  }
0x46e: {  	s22 =	simm.s32 $0xE500;
	v20 =	vadd.s32 v3, v22;
	v22 =	vperm.xlane v18, v8  }
0x46f: {  	[tilespmem:s22], [sflag:$0x1] =	stream.indirect_vreg.gather [hbm4b:s8+s2], $0x80, v21, vm0, $0xb8;
	[tilespmem:$0x10588] =	vst v63  }
0x470: {  	s23 =	simm.s32 $0xE580;
	v21 =	vadd.s32 v3, v22;
	v22 =	vperm.xlane v18, v9  }
0x471: {  	[tilespmem:s23], [sflag:$0x1] =	stream.indirect_vreg.gather [hbm4b:s8+s2], $0x80, v19, vm0, $0xb8;
	[tilespmem:$0x10588] =	vst v63  }
0x472: {  	s22 =	simm.s32 $0xE600;
	v19 =	vadd.s32 v3, v22;
	v22 =	vperm.xlane v18, v2  }
0x473: {  	[tilespmem:s22], [sflag:$0x1] =	stream.indirect_vreg.gather [hbm4b:s8+s2], $0x80, v20, vm0, $0xb8;
	[tilespmem:$0x10588] =	vst v63  }
0x474: {  	s23 =	simm.s32 $0xE680;
	v20 =	vadd.s32 v3, v22;
	v22 =	vperm.xlane v18, v10  }
0x475: {  	[tilespmem:s23], [sflag:$0x1] =	stream.indirect_vreg.gather [hbm4b:s8+s2], $0x80, v21, vm0, $0xb8;
	[tilespmem:$0x10588] =	vst v63  }
0x476: {  	s22 =	simm.s32 $0xE700;
	v21 =	vadd.s32 v3, v22;
	v22 =	vperm.xlane v18, v11  }
0x477: {  	[tilespmem:s22], [sflag:$0x1] =	stream.indirect_vreg.gather [hbm4b:s8+s2], $0x80, v19, vm0, $0xb8;
	[tilespmem:$0x10588] =	vst v63  }
0x478: {  	s23 =	simm.s32 $0xE780;
	v19 =	vadd.s32 v3, v22;
	v22 =	vperm.xlane v18, v12  }
0x479: {  	[tilespmem:s23], [sflag:$0x1] =	stream.indirect_vreg.gather [hbm4b:s8+s2], $0x80, v20, vm0, $0xb8;
	[tilespmem:$0x10588] =	vst v63  }
0x47a: {  	s22 =	simm.s32 $0xE800;
	v20 =	vadd.s32 v3, v22;
	v22 =	vperm.xlane v18, v13  }
0x47b: {  	[tilespmem:s22], [sflag:$0x1] =	stream.indirect_vreg.gather [hbm4b:s8+s2], $0x80, v21, vm0, $0xb8;
	[tilespmem:$0x10588] =	vst v63  }
0x47c: {  	s23 =	simm.s32 $0xE880;
	v21 =	vadd.s32 v3, v22;
	v22 =	vperm.xlane v18, v14  }
0x47d: {  	[tilespmem:s23], [sflag:$0x1] =	stream.indirect_vreg.gather [hbm4b:s8+s2], $0x80, v19, vm0, $0xb8;
	[tilespmem:$0x10588] =	vst v63  }
0x47e: {  	s22 =	simm.s32 $0xE900;
	v19 =	vadd.s32 v3, v22;
	v22 =	vperm.xlane v18, v15  }
0x47f: {  	[tilespmem:s22], [sflag:$0x1] =	stream.indirect_vreg.gather [hbm4b:s8+s2], $0x80, v20, vm0, $0xb8;
	[tilespmem:$0x10588] =	vst v63  }
0x480: {  	s23 =	simm.s32 $0xE980;
	v20 =	vadd.s32 v3, v22;
	v22 =	vperm.xlane v18, v16  }
0x481: {  	[tilespmem:s23], [sflag:$0x1] =	stream.indirect_vreg.gather [hbm4b:s8+s2], $0x80, v21, vm0, $0xb8;
	[tilespmem:$0x10588] =	vst v63  }
0x482: {  	v18 =	vperm.xlane v18, v17;
	s22 =	simm.s32 $0xEA00;
	v21 =	vadd.s32 v3, v22  }
0x483: {  	[tilespmem:s22], [sflag:$0x1] =	stream.indirect_vreg.gather [hbm4b:s8+s2], $0x80, v19, vm0, $0xb8;
	[tilespmem:$0x10588] =	vst v63  }
0x484: {  	v18 =	vadd.s32 v3, v18;
	s23 =	simm.s32 $0xEA80  }
0x485: {  	[tilespmem:s23], [sflag:$0x1] =	stream.indirect_vreg.gather [hbm4b:s8+s2], $0x80, v20, vm0, $0xb8;
	[tilespmem:$0x10588] =	vst v63  }
0x486: {  	s22 =	simm.s32 $0xEB00  }
0x487: {  	[tilespmem:s22], [sflag:$0x1] =	stream.indirect_vreg.gather [hbm4b:s8+s2], $0x80, v21, vm0, $0xb8;
	[tilespmem:$0x10588] =	vst v63  }
0x488: {  	s23 =	simm.s32 $0xEB80  }
0x489: {  	[tilespmem:s23], [sflag:$0x1] =	stream.indirect_vreg.gather [hbm4b:s8+s2], $0x80, v18, vm0, $0xb8;
	[tilespmem:$0x10588] =	vst v63  }
0x48a: {  	v18 =	vld [tilespmem:$0x1D0];
	_ =	sdelay $0x4  }
0x48b: {  	v19 =	vshll.u32 v18, $0x7  }
0x48c: {  	v18 =	vand.u32 $0x7, v18;
	v19 =	vand.u32 $0xFFFFFC00, v19  }
0x48d: {  	v18 =	vor.u32 v18, v19  }
0x48e: {  	v19 =	vperm.xlane v18, v1;
	_ =	sdelay $0x1  }
0x48f: {  	v20 =	vperm.xlane v18, v4;
	v19 =	vadd.s32 v3, v19;
	_ =	sdelay $0x1  }
0x490: {  	v21 =	vperm.xlane v18, v5;
	v20 =	vadd.s32 v3, v20;
	_ =	sdelay $0x1  }
0x491: {  	s22 =	simm.s32 $0xEC00;
	v22 =	vperm.xlane v18, v6;
	v21 =	vadd.s32 v3, v21  }
0x492: {  	[tilespmem:s22], [sflag:$0x1] =	stream.indirect_vreg.gather [hbm4b:s8+s2], $0x80, v19, vm0, $0xb8;
	[tilespmem:$0x10588] =	vst v63  }
0x493: {  	s23 =	simm.s32 $0xEC80;
	v19 =	vadd.s32 v3, v22;
	v22 =	vperm.xlane v18, v7  }
0x494: {  	[tilespmem:s23], [sflag:$0x1] =	stream.indirect_vreg.gather [hbm4b:s8+s2], $0x80, v20, vm0, $0xb8;
	[tilespmem:$0x10588] =	vst v63  }
0x495: {  	s22 =	simm.s32 $0xED00;
	v20 =	vadd.s32 v3, v22;
	v22 =	vperm.xlane v18, v8  }
0x496: {  	[tilespmem:s22], [sflag:$0x1] =	stream.indirect_vreg.gather [hbm4b:s8+s2], $0x80, v21, vm0, $0xb8;
	[tilespmem:$0x10588] =	vst v63  }
0x497: {  	s23 =	simm.s32 $0xED80;
	v21 =	vadd.s32 v3, v22;
	v22 =	vperm.xlane v18, v9  }
0x498: {  	[tilespmem:s23], [sflag:$0x1] =	stream.indirect_vreg.gather [hbm4b:s8+s2], $0x80, v19, vm0, $0xb8;
	[tilespmem:$0x10588] =	vst v63  }
0x499: {  	s22 =	simm.s32 $0xEE00;
	v19 =	vadd.s32 v3, v22;
	v22 =	vperm.xlane v18, v2  }
0x49a: {  	[tilespmem:s22], [sflag:$0x1] =	stream.indirect_vreg.gather [hbm4b:s8+s2], $0x80, v20, vm0, $0xb8;
	[tilespmem:$0x10588] =	vst v63  }
0x49b: {  	s23 =	simm.s32 $0xEE80;
	v20 =	vadd.s32 v3, v22;
	v22 =	vperm.xlane v18, v10  }
0x49c: {  	[tilespmem:s23], [sflag:$0x1] =	stream.indirect_vreg.gather [hbm4b:s8+s2], $0x80, v21, vm0, $0xb8;
	[tilespmem:$0x10588] =	vst v63  }
0x49d: {  	s22 =	simm.s32 $0xEF00;
	v21 =	vadd.s32 v3, v22;
	v22 =	vperm.xlane v18, v11  }
0x49e: {  	[tilespmem:s22], [sflag:$0x1] =	stream.indirect_vreg.gather [hbm4b:s8+s2], $0x80, v19, vm0, $0xb8;
	[tilespmem:$0x10588] =	vst v63  }
0x49f: {  	s23 =	simm.s32 $0xEF80;
	v19 =	vadd.s32 v3, v22;
	v22 =	vperm.xlane v18, v12  }
0x4a0: {  	[tilespmem:s23], [sflag:$0x1] =	stream.indirect_vreg.gather [hbm4b:s8+s2], $0x80, v20, vm0, $0xb8;
	[tilespmem:$0x10588] =	vst v63  }
0x4a1: {  	s22 =	simm.s32 $0xF000;
	v20 =	vadd.s32 v3, v22;
	v22 =	vperm.xlane v18, v13  }
0x4a2: {  	[tilespmem:s22], [sflag:$0x1] =	stream.indirect_vreg.gather [hbm4b:s8+s2], $0x80, v21, vm0, $0xb8;
	[tilespmem:$0x10588] =	vst v63  }
0x4a3: {  	s23 =	simm.s32 $0xF080;
	v21 =	vadd.s32 v3, v22;
	v22 =	vperm.xlane v18, v14  }
0x4a4: {  	[tilespmem:s23], [sflag:$0x1] =	stream.indirect_vreg.gather [hbm4b:s8+s2], $0x80, v19, vm0, $0xb8;
	[tilespmem:$0x10588] =	vst v63  }
0x4a5: {  	s22 =	simm.s32 $0xF100;
	v19 =	vadd.s32 v3, v22;
	v22 =	vperm.xlane v18, v15  }
0x4a6: {  	[tilespmem:s22], [sflag:$0x1] =	stream.indirect_vreg.gather [hbm4b:s8+s2], $0x80, v20, vm0, $0xb8;
	[tilespmem:$0x10588] =	vst v63  }
0x4a7: {  	s23 =	simm.s32 $0xF180;
	v20 =	vadd.s32 v3, v22;
	v22 =	vperm.xlane v18, v16  }
0x4a8: {  	[tilespmem:s23], [sflag:$0x1] =	stream.indirect_vreg.gather [hbm4b:s8+s2], $0x80, v21, vm0, $0xb8;
	[tilespmem:$0x10588] =	vst v63  }
0x4a9: {  	v18 =	vperm.xlane v18, v17;
	s22 =	simm.s32 $0xF200;
	v21 =	vadd.s32 v3, v22  }
0x4aa: {  	[tilespmem:s22], [sflag:$0x1] =	stream.indirect_vreg.gather [hbm4b:s8+s2], $0x80, v19, vm0, $0xb8;
	[tilespmem:$0x10588] =	vst v63  }
0x4ab: {  	v18 =	vadd.s32 v3, v18;
	s23 =	simm.s32 $0xF280  }
0x4ac: {  	[tilespmem:s23], [sflag:$0x1] =	stream.indirect_vreg.gather [hbm4b:s8+s2], $0x80, v20, vm0, $0xb8;
	[tilespmem:$0x10588] =	vst v63  }
0x4ad: {  	s22 =	simm.s32 $0xF300  }
0x4ae: {  	[tilespmem:s22], [sflag:$0x1] =	stream.indirect_vreg.gather [hbm4b:s8+s2], $0x80, v21, vm0, $0xb8;
	[tilespmem:$0x10588] =	vst v63  }
0x4af: {  	s23 =	simm.s32 $0xF380  }
0x4b0: {  	[tilespmem:s23], [sflag:$0x1] =	stream.indirect_vreg.gather [hbm4b:s8+s2], $0x80, v18, vm0, $0xb8;
	[tilespmem:$0x10588] =	vst v63  }
0x4b1: {  	v18 =	vld [tilespmem:$0x1E0];
	_ =	sdelay $0x4  }
0x4b2: {  	v19 =	vshll.u32 v18, $0x7  }
0x4b3: {  	v18 =	vand.u32 $0x7, v18;
	v19 =	vand.u32 $0xFFFFFC00, v19  }
0x4b4: {  	v18 =	vor.u32 v18, v19  }
0x4b5: {  	v19 =	vperm.xlane v18, v1;
	_ =	sdelay $0x1  }
0x4b6: {  	v20 =	vperm.xlane v18, v4;
	v19 =	vadd.s32 v3, v19;
	_ =	sdelay $0x1  }
0x4b7: {  	v21 =	vperm.xlane v18, v5;
	v20 =	vadd.s32 v3, v20;
	_ =	sdelay $0x1  }
0x4b8: {  	s22 =	simm.s32 $0xF400;
	v22 =	vperm.xlane v18, v6;
	v21 =	vadd.s32 v3, v21  }
0x4b9: {  	[tilespmem:s22], [sflag:$0x1] =	stream.indirect_vreg.gather [hbm4b:s8+s2], $0x80, v19, vm0, $0xb8;
	[tilespmem:$0x10588] =	vst v63  }
0x4ba: {  	s23 =	simm.s32 $0xF480;
	v19 =	vadd.s32 v3, v22;
	v22 =	vperm.xlane v18, v7  }
0x4bb: {  	[tilespmem:s23], [sflag:$0x1] =	stream.indirect_vreg.gather [hbm4b:s8+s2], $0x80, v20, vm0, $0xb8;
	[tilespmem:$0x10588] =	vst v63  }
0x4bc: {  	s22 =	simm.s32 $0xF500;
	v20 =	vadd.s32 v3, v22;
	v22 =	vperm.xlane v18, v8  }
0x4bd: {  	[tilespmem:s22], [sflag:$0x1] =	stream.indirect_vreg.gather [hbm4b:s8+s2], $0x80, v21, vm0, $0xb8;
	[tilespmem:$0x10588] =	vst v63  }
0x4be: {  	s23 =	simm.s32 $0xF580;
	v21 =	vadd.s32 v3, v22;
	v22 =	vperm.xlane v18, v9  }
0x4bf: {  	[tilespmem:s23], [sflag:$0x1] =	stream.indirect_vreg.gather [hbm4b:s8+s2], $0x80, v19, vm0, $0xb8;
	[tilespmem:$0x10588] =	vst v63  }
0x4c0: {  	s22 =	simm.s32 $0xF600;
	v19 =	vadd.s32 v3, v22;
	v22 =	vperm.xlane v18, v2  }
0x4c1: {  	[tilespmem:s22], [sflag:$0x1] =	stream.indirect_vreg.gather [hbm4b:s8+s2], $0x80, v20, vm0, $0xb8;
	[tilespmem:$0x10588] =	vst v63  }
0x4c2: {  	s23 =	simm.s32 $0xF680;
	v20 =	vadd.s32 v3, v22;
	v22 =	vperm.xlane v18, v10  }
0x4c3: {  	[tilespmem:s23], [sflag:$0x1] =	stream.indirect_vreg.gather [hbm4b:s8+s2], $0x80, v21, vm0, $0xb8;
	[tilespmem:$0x10588] =	vst v63  }
0x4c4: {  	s22 =	simm.s32 $0xF700;
	v21 =	vadd.s32 v3, v22;
	v22 =	vperm.xlane v18, v11  }
0x4c5: {  	[tilespmem:s22], [sflag:$0x1] =	stream.indirect_vreg.gather [hbm4b:s8+s2], $0x80, v19, vm0, $0xb8;
	[tilespmem:$0x10588] =	vst v63  }
0x4c6: {  	s23 =	simm.s32 $0xF780;
	v19 =	vadd.s32 v3, v22;
	v22 =	vperm.xlane v18, v12  }
0x4c7: {  	[tilespmem:s23], [sflag:$0x1] =	stream.indirect_vreg.gather [hbm4b:s8+s2], $0x80, v20, vm0, $0xb8;
	[tilespmem:$0x10588] =	vst v63  }
0x4c8: {  	s22 =	simm.s32 $0xF800;
	v20 =	vadd.s32 v3, v22;
	v22 =	vperm.xlane v18, v13  }
0x4c9: {  	[tilespmem:s22], [sflag:$0x1] =	stream.indirect_vreg.gather [hbm4b:s8+s2], $0x80, v21, vm0, $0xb8;
	[tilespmem:$0x10588] =	vst v63  }
0x4ca: {  	s23 =	simm.s32 $0xF880;
	v21 =	vadd.s32 v3, v22;
	v22 =	vperm.xlane v18, v14  }
0x4cb: {  	[tilespmem:s23], [sflag:$0x1] =	stream.indirect_vreg.gather [hbm4b:s8+s2], $0x80, v19, vm0, $0xb8;
	[tilespmem:$0x10588] =	vst v63  }
0x4cc: {  	s22 =	simm.s32 $0xF900;
	v19 =	vadd.s32 v3, v22;
	v22 =	vperm.xlane v18, v15  }
0x4cd: {  	[tilespmem:s22], [sflag:$0x1] =	stream.indirect_vreg.gather [hbm4b:s8+s2], $0x80, v20, vm0, $0xb8;
	[tilespmem:$0x10588] =	vst v63  }
0x4ce: {  	s23 =	simm.s32 $0xF980;
	v20 =	vadd.s32 v3, v22;
	v22 =	vperm.xlane v18, v16  }
0x4cf: {  	[tilespmem:s23], [sflag:$0x1] =	stream.indirect_vreg.gather [hbm4b:s8+s2], $0x80, v21, vm0, $0xb8;
	[tilespmem:$0x10588] =	vst v63  }
0x4d0: {  	v18 =	vperm.xlane v18, v17;
	s22 =	simm.s32 $0xFA00;
	v21 =	vadd.s32 v3, v22  }
0x4d1: {  	[tilespmem:s22], [sflag:$0x1] =	stream.indirect_vreg.gather [hbm4b:s8+s2], $0x80, v19, vm0, $0xb8;
	[tilespmem:$0x10588] =	vst v63  }
0x4d2: {  	v18 =	vadd.s32 v3, v18  }
0x4d3: {  	[tilespmem:s31], [sflag:$0x1] =	stream.indirect_vreg.gather [hbm4b:s8+s2], $0x80, v20, vm0, $0xb8;
	[tilespmem:$0x10588] =	vst v63  }
0x4d4: {  	_ = 	snop  }
0x4d5: {  	[tilespmem:s14], [sflag:$0x1] =	stream.indirect_vreg.gather [hbm4b:s8+s2], $0x80, v21, vm0, $0xb8;
	[tilespmem:$0x10588] =	vst v63  }
0x4d6: {  	_ = 	snop  }
0x4d7: {  	[tilespmem:s16], [sflag:$0x1] =	stream.indirect_vreg.gather [hbm4b:s8+s2], $0x80, v18, vm0, $0xb8;
	[tilespmem:$0x10588] =	vst v63  }
0x4d8: {  	v18 =	vld [tilespmem:$0x1F0];
	_ =	sdelay $0x4  }
0x4d9: {  	v19 =	vshll.u32 v18, $0x7  }
0x4da: {  	v18 =	vand.u32 $0x7, v18;
	v19 =	vand.u32 $0xFFFFFC00, v19  }
0x4db: {  	v18 =	vor.u32 v18, v19  }
0x4dc: {  	v19 =	vperm.xlane v18, v1;
	_ =	sdelay $0x1  }
0x4dd: {  	v20 =	vperm.xlane v18, v4;
	v19 =	vadd.s32 v3, v19;
	_ =	sdelay $0x1  }
0x4de: {  	v21 =	vperm.xlane v18, v5;
	v20 =	vadd.s32 v3, v20;
	_ =	sdelay $0x1  }
0x4df: {  	v22 =	vperm.xlane v18, v6;
	v21 =	vadd.s32 v3, v21  }
0x4e0: {  	[tilespmem:s17], [sflag:$0x1] =	stream.indirect_vreg.gather [hbm4b:s8+s2], $0x80, v19, vm0, $0xb8;
	[tilespmem:$0x10588] =	vst v63  }
0x4e1: {  	v19 =	vadd.s32 v3, v22;
	v22 =	vperm.xlane v18, v7  }
0x4e2: {  	[tilespmem:s30], [sflag:$0x1] =	stream.indirect_vreg.gather [hbm4b:s8+s2], $0x80, v20, vm0, $0xb8;
	[tilespmem:$0x10588] =	vst v63  }
0x4e3: {  	v20 =	vadd.s32 v3, v22;
	v22 =	vperm.xlane v18, v8  }
0x4e4: {  	[tilespmem:s29], [sflag:$0x1] =	stream.indirect_vreg.gather [hbm4b:s8+s2], $0x80, v21, vm0, $0xb8;
	[tilespmem:$0x10588] =	vst v63  }
0x4e5: {  	s23 =	simm.s32 $0xFD80;
	v21 =	vadd.s32 v3, v22;
	v22 =	vperm.xlane v18, v9  }
0x4e6: {  	[tilespmem:s23], [sflag:$0x1] =	stream.indirect_vreg.gather [hbm4b:s8+s2], $0x80, v19, vm0, $0xb8;
	[tilespmem:$0x10588] =	vst v63  }
0x4e7: {  	v19 =	vadd.s32 v3, v22;
	v22 =	vperm.xlane v18, v2  }
0x4e8: {  	[tilespmem:s25], [sflag:$0x1] =	stream.indirect_vreg.gather [hbm4b:s8+s2], $0x80, v20, vm0, $0xb8;
	[tilespmem:$0x10588] =	vst v63  }
0x4e9: {  	v20 =	vadd.s32 v3, v22;
	v22 =	vperm.xlane v18, v10  }
0x4ea: {  	[tilespmem:s26], [sflag:$0x1] =	stream.indirect_vreg.gather [hbm4b:s8+s2], $0x80, v21, vm0, $0xb8;
	[tilespmem:$0x10588] =	vst v63  }
0x4eb: {  	s22 =	simm.s32 $0xFF00;
	v21 =	vadd.s32 v3, v22;
	v22 =	vperm.xlane v18, v11  }
0x4ec: {  	[tilespmem:s22], [sflag:$0x1] =	stream.indirect_vreg.gather [hbm4b:s8+s2], $0x80, v19, vm0, $0xb8;
	[tilespmem:$0x10588] =	vst v63  }
0x4ed: {  	s23 =	simm.s32 $0xFF80;
	v19 =	vadd.s32 v3, v22;
	v22 =	vperm.xlane v18, v12  }
0x4ee: {  	[tilespmem:s23], [sflag:$0x1] =	stream.indirect_vreg.gather [hbm4b:s8+s2], $0x80, v20, vm0, $0xb8;
	[tilespmem:$0x10588] =	vst v63  }
0x4ef: {  	s22 =	simm.s32 $0x10000;
	v20 =	vadd.s32 v3, v22;
	v22 =	vperm.xlane v18, v13  }
0x4f0: {  	[tilespmem:s22], [sflag:$0x1] =	stream.indirect_vreg.gather [hbm4b:s8+s2], $0x80, v21, vm0, $0xb8;
	[tilespmem:$0x10588] =	vst v63  }
0x4f1: {  	s23 =	simm.s32 $0x10080;
	v21 =	vadd.s32 v3, v22;
	v22 =	vperm.xlane v18, v14  }
0x4f2: {  	[tilespmem:s23], [sflag:$0x1] =	stream.indirect_vreg.gather [hbm4b:s8+s2], $0x80, v19, vm0, $0xb8;
	[tilespmem:$0x10588] =	vst v63  }
0x4f3: {  	s22 =	simm.s32 $0x10100;
	v19 =	vadd.s32 v3, v22;
	v22 =	vperm.xlane v18, v15  }
0x4f4: {  	[tilespmem:s22], [sflag:$0x1] =	stream.indirect_vreg.gather [hbm4b:s8+s2], $0x80, v20, vm0, $0xb8;
	[tilespmem:$0x10588] =	vst v63  }
0x4f5: {  	s23 =	simm.s32 $0x10180;
	v20 =	vadd.s32 v3, v22;
	v22 =	vperm.xlane v18, v16  }
0x4f6: {  	[tilespmem:s23], [sflag:$0x1] =	stream.indirect_vreg.gather [hbm4b:s8+s2], $0x80, v21, vm0, $0xb8;
	[tilespmem:$0x10588] =	vst v63  }
0x4f7: {  	v18 =	vperm.xlane v18, v17;
	s22 =	simm.s32 $0x10200;
	v21 =	vadd.s32 v3, v22  }
0x4f8: {  	[tilespmem:s22], [sflag:$0x1] =	stream.indirect_vreg.gather [hbm4b:s8+s2], $0x80, v19, vm0, $0xb8;
	[tilespmem:$0x10588] =	vst v63  }
0x4f9: {  	v18 =	vadd.s32 v3, v18;
	s23 =	simm.s32 $0x10280  }
0x4fa: {  	[tilespmem:s23], [sflag:$0x1] =	stream.indirect_vreg.gather [hbm4b:s8+s2], $0x80, v20, vm0, $0xb8;
	[tilespmem:$0x10588] =	vst v63  }
0x4fb: {  	v19 =	vmov s2;
	s22 =	simm.s32 $0x10300  }
0x4fc: {  	v19 =	vmul.u32 $0x81, v19;
	[tilespmem:s22], [sflag:$0x1] =	stream.indirect_vreg.gather [hbm4b:s8+s2], $0x80, v21, vm0, $0xb8;
	[tilespmem:$0x10588] =	vst v63  }
0x4fd: {  	s23 =	simm.s32 $0x10380  }
0x4fe: {  	v19 =	vbroadcast v19, $0x0;
	[tilespmem:s23], [sflag:$0x1] =	stream.indirect_vreg.gather [hbm4b:s8+s2], $0x80, v18, vm0, $0xb8;
	v18 =	vmul.u32 $0x81, v0;
	[tilespmem:$0x10588] =	vst v63  }
0x4ff: {  	_ =	swait.ge [sflag:s28], $0x200  }
0x500: {  	s22 =	simm.s32 $0x10;
	[sflag:s28] =	ssyncset.done $0x0;
	v19 =	vadd.s32 v18, v19  }
0x501: {  	v20 =	vmov s22;
	[sflag:s28] =	ssyncadd.s32 $0xFFFFFE00  }
0x502: {  	v20 =	vmul.u32 $0x81, v20;
	_ =	swait.ge [sflag:s28], $0x4000  }
0x503: {  	[sflag:s28] =	ssyncset.done $0x0  }
0x504: {  	v20 =	vbroadcast v20, $0x0;
	[sflag:s28] =	ssyncadd.s32 $0xFFFFC000  }
0x505: {  	v21 =	vld.idx.msk [tilespmem:v19+s13+$0x0], $0xffff  }
0x506: {  	s23 =	simm.s32 $0x20;
	v19 =	vadd.s32 v18, v20;
	v22 =	vld [tilespmem:s12+$0x0]  }
0x507: {  	v20 =	vmov s23  }
0x508: {  	v20 =	vmul.u32 $0x81, v20;
	_ =	sdelay $0x1  }
0x509: {  	v23 =	vbroadcast v20, $0x0  }
0x50a: {  	s21 =	simm.s32 $0x210;
	v19 =	vld.idx.msk [tilespmem:v19+s13+$0x0], $0xffff;
	v22 =	vmul.f32 v22, v21  }
0x50b: {  	s22 =	simm.s32 $0x30;
	v20 =	vimm.f32 $0.0e+00;
	v23 =	vadd.s32 v18, v23;
	v21 =	vld [tilespmem:s21+$0x0]  }
.LBB2_2:
0x50c: {  	v24 =	vmov s22;
	p1 =	sne.s32 s22, $0x70;
	s22 =	sadd.s32 $0x10, s22;
	v20 =	vadd.f32 v22, v20  }
.Ltmp0:
0x50d: {  	v22 =	vmul.u32 $0x81, v24;
	(pc) =	sbr.rel @p1 .LBB2_2-.Ltmp0, $4  }
0x50e: {  	_ = 	snop  }
0x50f: {  	v24 =	vbroadcast v22, $0x0  }
0x510: {  	s21 =	sadd.s32 $0x10, s21;
	v22 =	vmul.f32 v21, v19;
	v19 =	vld.idx.msk [tilespmem:v23+s13+$0x0], $0xffff  }
0x511: {  	v23 =	vadd.s32 v18, v24;
	v21 =	vld [tilespmem:s21+$0x0]  }
0x512: {  	s22 =	simm.s32 $0x0  }
0x513: {  	v24 =	vmov s22  }
0x514: {  	v24 =	vmul.u32 $0x81, v24;
	_ =	sdelay $0x1  }
0x515: {  	v24 =	vbroadcast v24, $0x0;
	_ =	sdelay $0x1  }
0x516: {  	s23 =	simm.s32 $0x10;
	v23 =	vld.idx.msk [tilespmem:v23+s13+$0x0], $0xffff;
	s21 =	sadd.s32 $0x10, s21;
	v24 =	vadd.s32 v18, v24  }
0x517: {  	v25 =	vmov s23;
	v26 =	vld [tilespmem:s21+$0x0];
	_ =	swait.ge [sflag:s28], $0x4000  }
0x518: {  	v25 =	vmul.u32 $0x81, v25;
	[sflag:s28] =	ssyncset.done $0x0  }
0x519: {  	s22 =	simm.s32 $0x280;
	[sflag:s28] =	ssyncadd.s32 $0xFFFFC000  }
0x51a: {  	s23 =	simm.s32 $0x20;
	v25 =	vbroadcast v25, $0x0;
	v27 =	vld [tilespmem:s22+$0x0]  }
0x51b: {  	v20 =	vadd.f32 v22, v20;
	v28 =	vmov s23;
	v24 =	vld.idx.msk [tilespmem:v24+s15+$0x0], $0xffff  }
0x51c: {  	v19 =	vmul.f32 v21, v19;
	v21 =	vmul.u32 $0x81, v28;
	v25 =	vadd.s32 v18, v25;
	_ =	sdelay $0x1  }
0x51d: {  	v20 =	vadd.f32 v19, v20;
	v22 =	vmul.f32 v26, v23;
	v21 =	vbroadcast v21, $0x0  }
0x51e: {  	s21 =	simm.s32 $0x290  }
0x51f: {  	v20 =	vadd.f32 v22, v20;
	v23 =	vadd.s32 v18, v21;
	v21 =	vld [tilespmem:s21+$0x0];
	v22 =	vmul.f32 v27, v24  }
0x520: {  	s22 =	simm.s32 $0x30;
	v19 =	vld.idx.msk [tilespmem:v25+s15+$0x0], $0xffff  }
.LBB2_4:
0x521: {  	v24 =	vmov s22;
	p1 =	sne.s32 s22, $0x70;
	s22 =	sadd.s32 $0x10, s22;
	v20 =	vadd.f32 v22, v20  }
.Ltmp1:
0x522: {  	v22 =	vmul.u32 $0x81, v24;
	(pc) =	sbr.rel @p1 .LBB2_4-.Ltmp1, $4  }
0x523: {  	_ = 	snop  }
0x524: {  	v24 =	vbroadcast v22, $0x0  }
0x525: {  	s21 =	sadd.s32 $0x10, s21;
	v22 =	vmul.f32 v21, v19;
	v19 =	vld.idx.msk [tilespmem:v23+s15+$0x0], $0xffff  }
0x526: {  	v23 =	vadd.s32 v18, v24;
	v21 =	vld [tilespmem:s21+$0x0]  }
0x527: {  	s22 =	simm.s32 $0x0  }
0x528: {  	v24 =	vmov s22  }
0x529: {  	v24 =	vmul.u32 $0x81, v24;
	_ =	sdelay $0x1  }
0x52a: {  	v24 =	vbroadcast v24, $0x0;
	_ =	sdelay $0x1  }
0x52b: {  	s23 =	simm.s32 $0x10;
	v23 =	vld.idx.msk [tilespmem:v23+s15+$0x0], $0xffff;
	s21 =	sadd.s32 $0x10, s21;
	v24 =	vadd.s32 v18, v24  }
0x52c: {  	v25 =	vmov s23;
	v26 =	vld [tilespmem:s21+$0x0];
	_ =	swait.ge [sflag:s28], $0x4000  }
0x52d: {  	v25 =	vmul.u32 $0x81, v25;
	[sflag:s28] =	ssyncset.done $0x0  }
0x52e: {  	s22 =	simm.s32 $0x300;
	[sflag:s28] =	ssyncadd.s32 $0xFFFFC000  }
0x52f: {  	s23 =	simm.s32 $0x20;
	v25 =	vbroadcast v25, $0x0;
	v27 =	vld [tilespmem:s22+$0x0]  }
0x530: {  	v20 =	vadd.f32 v22, v20;
	v28 =	vmov s23;
	v24 =	vld.idx.msk [tilespmem:v24+s0+$0x0], $0xffff  }
0x531: {  	v19 =	vmul.f32 v21, v19;
	v21 =	vmul.u32 $0x81, v28;
	v25 =	vadd.s32 v18, v25;
	_ =	sdelay $0x1  }
0x532: {  	v20 =	vadd.f32 v19, v20;
	v22 =	vmul.f32 v26, v23;
	v21 =	vbroadcast v21, $0x0  }
0x533: {  	s21 =	simm.s32 $0x310  }
0x534: {  	v20 =	vadd.f32 v22, v20;
	v23 =	vadd.s32 v18, v21;
	v21 =	vld [tilespmem:s21+$0x0];
	v22 =	vmul.f32 v27, v24  }
0x535: {  	s22 =	simm.s32 $0x30;
	v19 =	vld.idx.msk [tilespmem:v25+s0+$0x0], $0xffff  }
.LBB2_6:
0x536: {  	v24 =	vmov s22;
	p1 =	sne.s32 s22, $0x70;
	s22 =	sadd.s32 $0x10, s22;
	v20 =	vadd.f32 v22, v20  }
.Ltmp2:
0x537: {  	v22 =	vmul.u32 $0x81, v24;
	(pc) =	sbr.rel @p1 .LBB2_6-.Ltmp2, $4  }
0x538: {  	_ = 	snop  }
0x539: {  	v24 =	vbroadcast v22, $0x0  }
0x53a: {  	s21 =	sadd.s32 $0x10, s21;
	v22 =	vmul.f32 v21, v19;
	v19 =	vld.idx.msk [tilespmem:v23+s0+$0x0], $0xffff  }
0x53b: {  	v23 =	vadd.s32 v18, v24;
	v21 =	vld [tilespmem:s21+$0x0]  }
0x53c: {  	s22 =	simm.s32 $0x0  }
0x53d: {  	v24 =	vmov s22  }
0x53e: {  	v24 =	vmul.u32 $0x81, v24;
	_ =	sdelay $0x1  }
0x53f: {  	v24 =	vbroadcast v24, $0x0;
	_ =	sdelay $0x1  }
0x540: {  	s23 =	simm.s32 $0x10;
	v23 =	vld.idx.msk [tilespmem:v23+s0+$0x0], $0xffff;
	s21 =	sadd.s32 $0x10, s21;
	v24 =	vadd.s32 v18, v24  }
0x541: {  	v25 =	vmov s23;
	v26 =	vld [tilespmem:s21+$0x0];
	_ =	swait.ge [sflag:s28], $0x4000  }
0x542: {  	v25 =	vmul.u32 $0x81, v25;
	[sflag:s28] =	ssyncset.done $0x0  }
0x543: {  	s22 =	simm.s32 $0x380;
	[sflag:s28] =	ssyncadd.s32 $0xFFFFC000  }
0x544: {  	s23 =	simm.s32 $0x20;
	v25 =	vbroadcast v25, $0x0;
	v27 =	vld [tilespmem:s22+$0x0]  }
0x545: {  	v20 =	vadd.f32 v22, v20;
	v28 =	vmov s23;
	v24 =	vld.idx.msk [tilespmem:v24+s24+$0x0], $0xffff  }
0x546: {  	v19 =	vmul.f32 v21, v19;
	v21 =	vmul.u32 $0x81, v28;
	v25 =	vadd.s32 v18, v25;
	_ =	sdelay $0x1  }
0x547: {  	v20 =	vadd.f32 v19, v20;
	v22 =	vmul.f32 v26, v23;
	v21 =	vbroadcast v21, $0x0  }
0x548: {  	s21 =	simm.s32 $0x390  }
0x549: {  	v20 =	vadd.f32 v22, v20;
	v23 =	vadd.s32 v18, v21;
	v21 =	vld [tilespmem:s21+$0x0];
	v22 =	vmul.f32 v27, v24  }
0x54a: {  	s22 =	simm.s32 $0x30;
	v19 =	vld.idx.msk [tilespmem:v25+s24+$0x0], $0xffff  }
.LBB2_8:
0x54b: {  	v24 =	vmov s22;
	p1 =	sne.s32 s22, $0x70;
	s22 =	sadd.s32 $0x10, s22;
	v20 =	vadd.f32 v22, v20  }
.Ltmp3:
0x54c: {  	v22 =	vmul.u32 $0x81, v24;
	(pc) =	sbr.rel @p1 .LBB2_8-.Ltmp3, $4  }
0x54d: {  	_ = 	snop  }
0x54e: {  	v24 =	vbroadcast v22, $0x0  }
0x54f: {  	s21 =	sadd.s32 $0x10, s21;
	v22 =	vmul.f32 v21, v19;
	v19 =	vld.idx.msk [tilespmem:v23+s24+$0x0], $0xffff  }
0x550: {  	v23 =	vadd.s32 v18, v24;
	v21 =	vld [tilespmem:s21+$0x0]  }
0x551: {  	_ =	sdelay $0x3  }
0x552: {  	v18 =	vld.idx.msk [tilespmem:v23+s24+$0x0], $0xffff;
	s21 =	sadd.s32 $0x10, s21  }
0x553: {  	v63 =	vld [tilespmem:s21+$0x0];
	_ =	sdelay $0x2  }
0x554: {  	v20 =	vadd.f32 v22, v20;
	v19 =	vmul.f32 v21, v19;
	_ =	sdelay $0x1  }
0x555: {  	v19 =	vadd.f32 v19, v20;
	v18 =	vmul.f32 v63, v18;
	_ =	sdelay $0x1  }
0x556: {  	v18 =	vadd.f32 v18, v19;
	_ =	sdelay $0x1  }
0x557: {  	[tilespmem:$0x10480] =	vst v18;
	v18 =	vimm.s32 @!p0 $0xFEDCBA98  }
0x558: {  	v19 =	vimm.s32 @!p0 $0x76543210;
	[bflag:$0x0] =	sbarrier.arrive $0xFFFF;
	v18 =	vunpack.c.l.s4.s8 @!p0 v18  }
0x559: {  	v19 =	vunpack.c.l.s4.s8 @!p0 v19;
	[spmem:s1] =	stream.indirect.scatter.add.f32 [tilespmem:s19], [sflag:$0x2], $0x10, s18, s28, $0xb8;
	[tilespmem:$0x10588] =	vst v63  }
0x55a: {  	_ =	swait.ge [sflag:s11], $0x10;
	v18 =	vunpack.c.0.s8.s32 @!p0 v18  }
0x55b: {  	v19 =	vunpack.c.0.s8.s32 @!p0 v19;
	[sflag:s11] =	ssyncset.done $0x0  }
0x55c: {  	[sflag:s11] =	ssyncadd.s32 $0xFFFFFFF0;
	v18 =	vand.u32 @!p0 $0xF, v18  }
0x55d: {  	s22 =	simm.s32 @!p0 $0x2;
	s21 =	simm.s32 @!p0 $0x10400;
	[bflag:$0x0] =	sbarrier.arrive $0xFFFF;
	v18 =	vcombine.low @!p0 v18, v19  }
0x55e: {  	[tilespmem:s21], [sflag:$0x2] =	stream.linear.gather @!p0 [spmem:s1], $0x80, $0x38;
	[tilespmem:$0x10588] =	vst v63  }
0x55f: {  	v20 =	vimm.s32 @!p0 $0xBA987654;
	v19 =	vimm.s32 @!p0 $0x3210FEDC;
	_ =	swait.ge @!p0 [sflag:s22], $0x80  }
0x560: {  	v20 =	vunpack.c.l.s4.s8 @!p0 v20;
	v19 =	vunpack.c.l.s4.s8 @!p0 v19;
	[sflag:s22] =	ssyncset.done @!p0 $0x0  }
0x561: {  	[sflag:s22] =	ssyncadd.s32 @!p0 $0xFFFFFF80  }
0x562: {  	v20 =	vunpack.c.0.s8.s32 @!p0 v20;
	v19 =	vunpack.c.0.s8.s32 @!p0 v19;
	v21 =	vld @!p0 [tilespmem:$0x10400]  }
0x563: {  	v18 =	vld.idx.msk @!p0 [tilespmem:v18+s21+$0x0], $0xffff  }
0x564: {  	v19 =	vcombine.low @!p0 v20, v19;
	_ =	sdelay $0x1  }
0x565: {  	v19 =	vand.u32 @!p0 $0xF, v19  }
0x566: {  	v22 =	vimm.s32 @!p0 $0x98765432;
	v20 =	vimm.s32 @!p0 $0x10FEDCBA  }
0x567: {  	v20 =	vunpack.c.l.s4.s8 @!p0 v20;
	v18 =	vadd.f32 @!p0 v18, v21;
	v21 =	vunpack.c.l.s4.s8 @!p0 v22;
	_ =	sdelay $0x1  }
0x568: {  	v20 =	vunpack.c.0.s8.s32 @!p0 v20;
	[tilespmem:$0x10400] =	vst @!p0 v18;
	v21 =	vunpack.c.0.s8.s32 @!p0 v21  }
0x569: {  	v19 =	vld.idx.msk @!p0 [tilespmem:v19+s21+$0x0], $0xffff  }
0x56a: {  	v20 =	vcombine.low @!p0 v21, v20;
	_ =	sdelay $0x1  }
0x56b: {  	v20 =	vand.u32 @!p0 $0xF, v20  }
0x56c: {  	v22 =	vimm.s32 @!p0 $0x87654321;
	v21 =	vimm.s32 @!p0 $0xFEDCBA9  }
0x56d: {  	v18 =	vadd.f32 @!p0 v19, v18;
	v19 =	vunpack.c.l.s4.s8 @!p0 v21;
	v21 =	vunpack.c.l.s4.s8 @!p0 v22;
	_ =	sdelay $0x1  }
0x56e: {  	[tilespmem:$0x10400] =	vst @!p0 v18;
	v19 =	vunpack.c.0.s8.s32 @!p0 v19;
	v21 =	vunpack.c.0.s8.s32 @!p0 v21  }
0x56f: {  	v20 =	vld.idx.msk @!p0 [tilespmem:v20+s21+$0x0], $0xffff  }
0x570: {  	v19 =	vcombine.low @!p0 v21, v19;
	_ =	sdelay $0x1  }
0x571: {  	v19 =	vand.u32 @!p0 $0xF, v19;
	_ =	sdelay $0x1  }
0x572: {  	v18 =	vadd.f32 @!p0 v20, v18;
	_ =	sdelay $0x1  }
0x573: {  	[tilespmem:$0x10400] =	vst @!p0 v18  }
0x574: {  	v19 =	vld.idx.msk @!p0 [tilespmem:v19+s21+$0x0], $0xffff;
	_ =	sdelay $0x4  }
0x575: {  	v18 =	vadd.f32 @!p0 v19, v18;
	_ =	sdelay $0x1  }
0x576: {  	s20 =	sadd.s32 $0x1, s20;
	v18 =	vmul.f32 @!p0 $-6.103515630e-05, v18  }
0x577: {  	p1 =	sne.s32 s20, s10  }
.Ltmp4:
0x578: {  	s23 =	simm.s32 @!p0 $0x0;
	[tilespmem:$0x10400] =	vst @!p0 v18;
	(pc) =	sbr.rel @p1 .LBB2_1-.Ltmp4, $4  }
0x579: {  	[hbm4b:s9+s23] =	stream.linear.scatter @!p0 [tilespmem:s21], [sflag:$0x2], $0x80, $0x38;
	[tilespmem:$0x10588] =	vst v63  }
0x57a: {  	_ =	swait.ge @!p0 [sflag:s22], $0x80  }
0x57b: {  	[sflag:s22] =	ssyncset.done @!p0 $0x0  }
0x57c: {  	[sflag:s22] =	ssyncadd.s32 @!p0 $0xFFFFFF80  }
0x57d: {  	_ =	sfence.sel $0x180000  }
0x57e: {  	[bflag:$0x0] =	sbarrier.arrive $0xFFFF  }
0x57f: {  	_ =	strace $0x90000047  }
0x580: {  	[bflag:$0x2] =	sbarrier.arrive $0xFFFF  }
0x581: {  	s0 =	rddreg [dreg:$0x5]  }
0x582: {  	s0 =	sadd.s32 @!p0 $0x100000, s0  }
0x583: {  	[sflag:s0] =	ssyncadd.tile.s32 @!p0 $0x1;
	_ =	shalt  }
.Lfunc_end2:
_tile_overlayer_lowered:
.L_overlay_start_2:
0x584: {  	(tag) =	ssettag $0x2  }
0x585: {  	s0 =	rddreg [dreg:$0x0];
	s2 =	stileid.u32  }
0x586: {  	s1 =	rddreg [dreg:$0x1];
	p0 =	sne.s32 s2, $0x0  }
0x587: {  	s3 =	rddreg [dreg:$0x2];
	[bflag:$0x3] =	sbarrier.arrive $0xFFFF;
	s2 =	simm.s32 @!p0 $0x1C02  }
0x588: {  	[timem:s3], [sflag:s2] =	dma.local @!p0 [hbm:s0], s1  }
0x589: {  	s0 =	simm.s32 @!p0 $0x2  }
0x58a: {  	_ =	swait.ge @!p0 [sflag:s0], s1  }
0x58b: {  	s1 =	ssub.s32 @!p0 $0x0, s1;
	[sflag:s0] =	ssyncset.done @!p0 $0x0  }
0x58c: {  	[sflag:s0] =	ssyncadd.s32 @!p0 s1  }
0x58d: {  	[bflag:$0x3] =	sbarrier.arrive $0xFFFF  }
0x58e: {  	_ =	shalt  }

</sc_bundles>
